<compile_context>
chip_gen: v7x
topology: tpu7x:2x2x1
jax: 0.10.2.dev20260603
libtpu: 0.0.44.dev20260713+nightly
codegen_flags: <defaults>
</compile_context>

<pallas_src>
import functools

import jax
import jax.numpy as jnp
from jax import lax
from jax.experimental import pallas as pl
from jax.experimental.pallas import tpu as pltpu
from jax.experimental.pallas import tpu_sc as plsc

_V, _D, _H = 100000, 64, 128
_B, _L = 4096, 50
_NC, _NS = 2, 16
_NW = _NC * _NS
_RPW = _B // _NW
_CPW = _RPW // 2
_CI = 2 * _L


def _pool_one_table(x3, emb, out, idxs, b0, b1, acc, sem0, sem1):
    wid = lax.axis_index("s") * _NC + lax.axis_index("c")
    pltpu.sync_copy(x3.at[wid], idxs)

    def fire(c, buf, sem):
        pltpu.async_copy(emb.at[idxs.at[c]], buf, sem)

    def drain(c, buf, sem):
        pltpu.make_async_copy(emb.at[idxs.at[c]], buf, sem).wait()

    def reduce_chunk(c, buf):
        for br in range(2):
            base = br * _L
            orow = 2 * c + br

            def body(r, accs, base=base):
                rr = base + r * 5
                a0, a1, a2, a3 = accs
                for u in range(5):
                    a0 = a0 + buf[rr + u, pl.ds(0, 16)]
                    a1 = a1 + buf[rr + u, pl.ds(16, 16)]
                    a2 = a2 + buf[rr + u, pl.ds(32, 16)]
                    a3 = a3 + buf[rr + u, pl.ds(48, 16)]
                return (a0, a1, a2, a3)

            z = jnp.zeros((16,), jnp.float32)
            accs = lax.fori_loop(0, _L // 5, body, (z, z, z, z))
            for j in range(4):
                acc[orow, pl.ds(j * 16, 16)] = accs[j]

    fire(0, b0, sem0)

    def body2(i, carry):
        c0 = 2 * i
        fire(c0 + 1, b1, sem1)
        drain(c0, b0, sem0)
        reduce_chunk(c0, b0)

        @pl.when(i < _CPW // 2 - 1)
        def _():
            fire(c0 + 2, b0, sem0)

        drain(c0 + 1, b1, sem1)
        reduce_chunk(c0 + 1, b1)
        return carry

    lax.fori_loop(0, _CPW // 2, body2, 0)
    pltpu.sync_copy(acc, out.at[pl.ds(wid * _RPW, _RPW)])


def _pool_word_table(x3, emb, out, row0, idxs, b0, b1, acc, zidx, r0buf,
                     sem0, sem1):
    wid = lax.axis_index("s") * _NC + lax.axis_index("c")

    @pl.when(wid == 0)
    def _():
        zidx[pl.ds(0, 16)] = jnp.zeros((16,), jnp.int32)
        pltpu.async_copy(emb.at[zidx.at[pl.ds(0, 8)]], r0buf, sem0)
        pltpu.make_async_copy(emb.at[zidx.at[pl.ds(0, 8)]], r0buf,
                              sem0).wait()
        pltpu.sync_copy(r0buf, row0)

    _pool_one_table(x3, emb, out, idxs, b0, b1, acc, sem0, sem1)


_SC_SCRATCH = [
    pltpu.VMEM((_CPW, _CI), jnp.int32),
    pltpu.VMEM((_CI, _D), jnp.float32),
    pltpu.VMEM((_CI, _D), jnp.float32),
    pltpu.VMEM((_RPW, _D), jnp.float32),
]

_sc_pool1 = functools.partial(
    pl.kernel,
    mesh=plsc.VectorSubcoreMesh(core_axis_name="c", subcore_axis_name="s"),
    out_type=[jax.ShapeDtypeStruct((_B, _D), jnp.float32),
              jax.ShapeDtypeStruct((8, _D), jnp.float32)],
    scratch_types=_SC_SCRATCH + [
        pltpu.VMEM((16,), jnp.int32),
        pltpu.VMEM((8, _D), jnp.float32),
        pltpu.SemaphoreType.DMA,
        pltpu.SemaphoreType.DMA,
    ],
    compiler_params=pltpu.CompilerParams(use_tc_tiling_on_sc=False),
)(_pool_word_table)

_sc_pool = functools.partial(
    pl.kernel,
    mesh=plsc.VectorSubcoreMesh(core_axis_name="c", subcore_axis_name="s"),
    out_type=jax.ShapeDtypeStruct((_B, _D), jnp.float32),
    scratch_types=_SC_SCRATCH + [
        pltpu.SemaphoreType.DMA,
        pltpu.SemaphoreType.DMA,
    ],
    compiler_params=pltpu.CompilerParams(use_tc_tiling_on_sc=False),
)(_pool_one_table)


def _tc_body(p1_ref, p2_ref, p3_ref, r0_ref, x_ref, fc1w_ref, fc1b_ref,
             gamma_ref, beta_ref, fc2w_ref, fc2b_ref, out_ref):
    x = x_ref[...]
    cnt0 = jnp.sum((x == 0).astype(jnp.float32), axis=1,
                   keepdims=True)
    inv_l = 1.0 / _L
    p1 = (p1_ref[...] - cnt0 * r0_ref[0:1, :]) * inv_l
    p2 = p2_ref[...] * inv_l
    p3 = p3_ref[...] * inv_l
    w = fc1w_ref[...]
    z = (lax.dot_general(p1, w[:, 0:_D], (((1,), (1,)), ((), ())),
                         preferred_element_type=jnp.float32)
         + lax.dot_general(p2, w[:, _D:2 * _D], (((1,), (1,)), ((), ())),
                           preferred_element_type=jnp.float32)
         + lax.dot_general(p3, w[:, 2 * _D:3 * _D], (((1,), (1,)), ((), ())),
                           preferred_element_type=jnp.float32))
    z = jnp.maximum(z + fc1b_ref[...], 0.0)
    m = jnp.mean(z, axis=0, keepdims=True)
    v = jnp.mean((z - m) * (z - m), axis=0, keepdims=True)
    zn = (z - m) * lax.rsqrt(v + 1e-5) * gamma_ref[...] + beta_ref[...]
    out_ref[...] = lax.dot_general(
        zn, fc2w_ref[...], (((1,), (1,)), ((), ())),
        preferred_element_type=jnp.float32) + fc2b_ref[...]


_tc_mlp = pl.pallas_call(
    _tc_body,
    grid=(1,),
    in_specs=[
        pl.BlockSpec((_B, _D), lambda i: (0, 0)),
        pl.BlockSpec((_B, _D), lambda i: (0, 0)),
        pl.BlockSpec((_B, _D), lambda i: (0, 0)),
        pl.BlockSpec((8, _D), lambda i: (0, 0)),
        pl.BlockSpec((_B, _L), lambda i: (0, 0)),
        pl.BlockSpec((_H, 3 * _D), lambda i: (0, 0)),
        pl.BlockSpec((1, _H), lambda i: (0, 0)),
        pl.BlockSpec((1, _H), lambda i: (0, 0)),
        pl.BlockSpec((1, _H), lambda i: (0, 0)),
        pl.BlockSpec((2, _H), lambda i: (0, 0)),
        pl.BlockSpec((1, 2), lambda i: (0, 0)),
    ],
    out_specs=pl.BlockSpec((_B, 2), lambda i: (0, 0)),
    out_shape=jax.ShapeDtypeStruct((_B, 2), jnp.float32),
)


def kernel(x, s, emb1, emb2, emb3, fc1_w, fc1_b, gamma, beta, fc2_w, fc2_b):
    x = x.astype(jnp.int32)
    xg = jnp.maximum(x.reshape(_NW, _CPW, _CI), 0)
    p1, r0 = _sc_pool1(xg, emb1)
    p2 = _sc_pool(xg, emb2)
    p3 = _sc_pool(xg, emb3)
    return _tc_mlp(p1, p2, p3, r0, x, fc1_w, fc1_b.reshape(1, _H),
                   gamma.reshape(1, _H), beta.reshape(1, _H), fc2_w,
                   fc2_b.reshape(1, 2))

# --- scband reference (transcript-rebuilt; emitter-appended) ---
"""Pipeline reference for scband-fasttext-53609781789022 (READ-ONLY COPY).

The authoritative reference and input builder live on the scoring server;
editing this copy changes nothing except your own understanding.
"""

import jax, jax.numpy as jnp
import numpy as np

V, D, H = 100000, 64, 128
B, L = 4096, 50

def setup_inputs(seed: int = 0) -> dict:
    key = jax.random.key(seed)
    ks = jax.random.split(key, 11)
    x = jax.random.randint(ks[0], (B, L), 0, V)
    s = jax.random.randint(ks[1], (B,), 1, L + 1)
    emb1 = jax.random.normal(ks[2], (V, D), dtype=jnp.float32) * 0.02
    emb2 = jax.random.normal(ks[3], (V, D), dtype=jnp.float32) * 0.02
    emb3 = jax.random.normal(ks[4], (V, D), dtype=jnp.float32) * 0.02
    fc1_w = jax.random.normal(ks[5], (H, 3 * D), dtype=jnp.float32) * 0.02
    fc1_b = jnp.zeros((H,), dtype=jnp.float32)
    gamma = jnp.ones((H,), dtype=jnp.float32)
    beta = jnp.zeros((H,), dtype=jnp.float32)
    fc2_w = jax.random.normal(ks[6], (2, H), dtype=jnp.float32) * 0.02
    fc2_b = jnp.zeros((2,), dtype=jnp.float32)
    return {"x": x, "s": s, "emb1": emb1, "emb2": emb2, "emb3": emb3,
            "fc1_w": fc1_w, "fc1_b": fc1_b, "gamma": gamma, "beta": beta,
            "fc2_w": fc2_w, "fc2_b": fc2_b}

def reference(x, s, emb1, emb2, emb3, fc1_w, fc1_b, gamma, beta, fc2_w, fc2_b):
    # padding_idx=0: row 0 of the word-embedding table is forced to zero
    w1 = emb1.at[0].set(0.0)
    out_word = jnp.take(w1, x, axis=0)       # [B, L, D]
    out_bigram = jnp.take(emb2, x, axis=0)   # [B, L, D]
    out_trigram = jnp.take(emb3, x, axis=0)  # [B, L, D]
    out = jnp.concatenate([out_word, out_bigram, out_trigram], axis=-1)  # [B, L, 3D]
    out = out.mean(axis=1)                   # [B, 3D]
    # dropout in eval mode -> identity
    out = out @ fc1_w.T + fc1_b              # [B, H]
    out = jax.nn.relu(out)
    # BatchNorm1d (training-mode batch statistics, eps=1e-5)
    mean = out.mean(axis=0)
    var = out.var(axis=0)
    out = (out - mean) / jnp.sqrt(var + 1e-5) * gamma + beta
    out = out @ fc2_w.T + fc2_b              # [B, 2]
    return out

if __name__ == "__main__":
    import jax
    _d = setup_inputs()
    print(jax.jit(kernel)(*tuple(_d.values())))

</pallas_src>

<mosaic_0001>
#map = affine_map<(d0, d1) -> (0, 0, 0)>
#map1 = affine_map<(d0, d1) -> (0, 0)>
module attributes {stable_mosaic.version = 14 : i64} {
  func.func @_pool_one_table(%arg0: i32, %arg1: i32, %arg2: memref<32x64x100xi32, #tpu.memory_space<hbm>>, %arg3: memref<100000x64xf32, #tpu.memory_space<hbm>>, %arg4: memref<4096x64xf32, #tpu.memory_space<hbm>>, %arg5: memref<64x100xi32, #tpu.memory_space<vmem>>, %arg6: memref<100x64xf32, #tpu.memory_space<vmem>>, %arg7: memref<100x64xf32, #tpu.memory_space<vmem>>, %arg8: memref<128x64xf32, #tpu.memory_space<vmem>>, %arg9: memref<!tpu.dma_semaphore, #tpu.memory_space<semaphore_mem>>, %arg10: memref<!tpu.dma_semaphore, #tpu.memory_space<semaphore_mem>>) attributes {dimension_semantics = [#tpu.dimension_semantics<core_parallel>, #tpu.dimension_semantics<subcore_parallel>], iteration_bounds = array<i64: 2, 16>, scalar_prefetch = 0 : i64, scratch_operands = 6 : i64, tpu.core_type = #tpu.core_type<sc_vector_subcore>, window_params = [{transform_indices = #map}, {transform_indices = #map1}, {transform_indices = #map1}]} {
    %mul3A = arith.constant 2 : i32
    %mul3A_0 = arith.muli %arg1, %mul3A : i32
    %add3A = arith.addi %mul3A_0, %arg0 : i32
    "tpu.region"() ({
      %run_scoped3A = tpu.sem_alloc : memref<!tpu.dma_semaphore, #tpu.memory_space<semaphore_mem>>
      %dma_start3A_14 = arith.constant 0 : i32
      %dma_start3A_15 = arith.constant 0 : i32
      %dma_start3A_16 = tpu.memref_slice %arg2[%add3A, %dma_start3A_14, %dma_start3A_15] : memref<32x64x100xi32, #tpu.memory_space<hbm>> -> memref<1x64x100xi32, #tpu.memory_space<hbm>>
      %dma_start3A_17 = tpu.memref_squeeze %dma_start3A_16 : memref<1x64x100xi32, #tpu.memory_space<hbm>> -> memref<64x100xi32, #tpu.memory_space<hbm>>
      %dma_start3A_18 = arith.constant 0 : i32
      %dma_start3A_19 = arith.constant 0 : i32
      %dma_start3A_20 = tpu.memref_slice %arg2[%add3A, %dma_start3A_18, %dma_start3A_19] : memref<32x64x100xi32, #tpu.memory_space<hbm>> -> memref<1x64x100xi32, #tpu.memory_space<hbm>>
      %dma_start3A_21 = tpu.memref_squeeze %dma_start3A_20 : memref<1x64x100xi32, #tpu.memory_space<hbm>> -> memref<64x100xi32, #tpu.memory_space<hbm>>
      tpu.enqueue_dma source(%dma_start3A_21 : memref<64x100xi32, #tpu.memory_space<hbm>>) target(%arg5 : memref<64x100xi32, #tpu.memory_space<vmem>>) target_semaphore(%run_scoped3A : memref<!tpu.dma_semaphore, #tpu.memory_space<semaphore_mem>>)
      %dma_wait3A = arith.constant 0 : i32
      %dma_wait3A_22 = arith.constant 0 : i32
      %dma_wait3A_23 = tpu.memref_slice %arg2[%add3A, %dma_wait3A, %dma_wait3A_22] : memref<32x64x100xi32, #tpu.memory_space<hbm>> -> memref<1x64x100xi32, #tpu.memory_space<hbm>>
      %dma_wait3A_24 = tpu.memref_squeeze %dma_wait3A_23 : memref<1x64x100xi32, #tpu.memory_space<hbm>> -> memref<64x100xi32, #tpu.memory_space<hbm>>
      %dma_wait3A_25 = arith.constant 0 : i32
      %dma_wait3A_26 = arith.constant 0 : i32
      %dma_wait3A_27 = tpu.memref_slice %arg2[%add3A, %dma_wait3A_25, %dma_wait3A_26] : memref<32x64x100xi32, #tpu.memory_space<hbm>> -> memref<1x64x100xi32, #tpu.memory_space<hbm>>
      %dma_wait3A_28 = tpu.memref_squeeze %dma_wait3A_27 : memref<1x64x100xi32, #tpu.memory_space<hbm>> -> memref<64x100xi32, #tpu.memory_space<hbm>>
      tpu.wait_dma2 semaphore(%run_scoped3A : memref<!tpu.dma_semaphore, #tpu.memory_space<semaphore_mem>>) src(%dma_wait3A_28 : memref<64x100xi32, #tpu.memory_space<hbm>>) dst(%arg5 : memref<64x100xi32, #tpu.memory_space<vmem>>)
      tpu.yield
    }) : () -> ()
    %dma_start3A = arith.constant 0 : i32
    %dma_start3A_1 = arith.constant 0 : i32
    %dma_start3A_2 = tpu.memref_slice %arg5[%dma_start3A, %dma_start3A_1] : memref<64x100xi32, #tpu.memory_space<vmem>> -> memref<1x100xi32, #tpu.memory_space<vmem>>
    %dma_start3A_3 = tpu.memref_squeeze %dma_start3A_2 : memref<1x100xi32, #tpu.memory_space<vmem>> -> memref<100xi32, #tpu.memory_space<vmem>>
    %dma_start3A_4 = arith.constant 0 : i32
    %dma_start3A_5 = arith.constant 0 : i32
    %dma_start3A_6 = tpu.memref_slice %arg3[%dma_start3A_4, %dma_start3A_5] : memref<100000x64xf32, #tpu.memory_space<hbm>> -> memref<100000x64xf32, #tpu.memory_space<hbm>>
    tpu.enqueue_indirect_dma source(%dma_start3A_6 : memref<100000x64xf32, #tpu.memory_space<hbm>>) target(%arg6 : memref<100x64xf32, #tpu.memory_space<vmem>>) offsets(%dma_start3A_3 : memref<100xi32, #tpu.memory_space<vmem>>) semaphore(%arg9 : memref<!tpu.dma_semaphore, #tpu.memory_space<semaphore_mem>>)
    %scan3A = arith.constant 0 : i32
    %scan3A_7 = arith.constant 0 : i32
    %scan3A_8 = arith.constant 32 : i32
    %scan3A_9 = arith.addi %scan3A_7, %scan3A_8 : i32
    %scan3A_10 = arith.constant 1 : i32
    scf.for %scan3A_14 = %scan3A_7 to %scan3A_9 step %scan3A_10  : i32 {
      %mul3A_15 = arith.constant 2 : i32
      %mul3A_16 = arith.muli %mul3A_15, %scan3A_14 : i32
      %add3A_17 = arith.constant 1 : i32
      %add3A_18 = arith.addi %mul3A_16, %add3A_17 : i32
      %dma_start3A_19 = arith.constant 0 : i32
      %dma_start3A_20 = tpu.memref_slice %arg5[%add3A_18, %dma_start3A_19] : memref<64x100xi32, #tpu.memory_space<vmem>> -> memref<1x100xi32, #tpu.memory_space<vmem>>
      %dma_start3A_21 = tpu.memref_squeeze %dma_start3A_20 : memref<1x100xi32, #tpu.memory_space<vmem>> -> memref<100xi32, #tpu.memory_space<vmem>>
      %dma_start3A_22 = arith.constant 0 : i32
      %dma_start3A_23 = arith.constant 0 : i32
      %dma_start3A_24 = tpu.memref_slice %arg3[%dma_start3A_22, %dma_start3A_23] : memref<100000x64xf32, #tpu.memory_space<hbm>> -> memref<100000x64xf32, #tpu.memory_space<hbm>>
      tpu.enqueue_indirect_dma source(%dma_start3A_24 : memref<100000x64xf32, #tpu.memory_space<hbm>>) target(%arg7 : memref<100x64xf32, #tpu.memory_space<vmem>>) offsets(%dma_start3A_21 : memref<100xi32, #tpu.memory_space<vmem>>) semaphore(%arg10 : memref<!tpu.dma_semaphore, #tpu.memory_space<semaphore_mem>>)
      %dma_wait3A = arith.constant 0 : i32
      %dma_wait3A_25 = tpu.memref_slice %arg5[%mul3A_16, %dma_wait3A] : memref<64x100xi32, #tpu.memory_space<vmem>> -> memref<1x100xi32, #tpu.memory_space<vmem>>
      %dma_wait3A_26 = tpu.memref_squeeze %dma_wait3A_25 : memref<1x100xi32, #tpu.memory_space<vmem>> -> memref<100xi32, #tpu.memory_space<vmem>>
      %dma_wait3A_27 = arith.constant 0 : i32
      %dma_wait3A_28 = arith.constant 0 : i32
      %dma_wait3A_29 = tpu.memref_slice %arg3[%dma_wait3A_27, %dma_wait3A_28] : memref<100000x64xf32, #tpu.memory_space<hbm>> -> memref<100000x64xf32, #tpu.memory_space<hbm>>
      tpu.wait_indirect_dma semaphore(%arg9 : memref<!tpu.dma_semaphore, #tpu.memory_space<semaphore_mem>>) src(%dma_wait3A_29 : memref<100000x64xf32, #tpu.memory_space<hbm>>) dst(%arg6 : memref<100x64xf32, #tpu.memory_space<vmem>>)
      %mul3A_30 = arith.constant 2 : i32
      %mul3A_31 = arith.muli %mul3A_30, %mul3A_16 : i32
      %add3A_32 = arith.constant 0 : i32
      %add3A_33 = arith.addi %mul3A_31, %add3A_32 : i32
      %broadcast_in_dim3A = arith.constant 0.000000e+00 : f32
      %broadcast_in_dim3A_34 = vector.broadcast %broadcast_in_dim3A : f32 to vector<16xf32>
      %scan3A_35 = arith.constant 0 : i32
      %scan3A_36 = arith.constant 10 : i32
      %scan3A_37 = arith.addi %scan3A_35, %scan3A_36 : i32
      %scan3A_38 = arith.constant 1 : i32
      %scan3A_39:4 = scf.for %scan3A_168 = %scan3A_35 to %scan3A_37 step %scan3A_38 iter_args(%scan3A_169 = %broadcast_in_dim3A_34, %scan3A_170 = %broadcast_in_dim3A_34, %scan3A_171 = %broadcast_in_dim3A_34, %scan3A_172 = %broadcast_in_dim3A_34) -> (vector<16xf32>, vector<16xf32>, vector<16xf32>, vector<16xf32>)  : i32 {
        %mul3A_173 = arith.constant 5 : i32
        %mul3A_174 = arith.muli %scan3A_168, %mul3A_173 : i32
        %add3A_175 = arith.constant 0 : i32
        %add3A_176 = arith.addi %add3A_175, %mul3A_174 : i32
        %add3A_177 = arith.constant 0 : i32
        %add3A_178 = arith.addi %add3A_176, %add3A_177 : i32
        %get3A = arith.index_cast %add3A_178 : i32 to index
        %get3A_179 = arith.constant 0 : index
        %get3A_180 = tpu.vector_load %arg6[%get3A, %get3A_179] {strides = array<i32>} : memref<100x64xf32, #tpu.memory_space<vmem>>, vector<1x16xf32>,
        %get3A_181 = vector.shape_cast %get3A_180 : vector<1x16xf32> to vector<16xf32>
        %add3A_182 = arith.addf %scan3A_169, %get3A_181 : vector<16xf32>
        %add3A_183 = arith.constant 0 : i32
        %add3A_184 = arith.addi %add3A_176, %add3A_183 : i32
        %get3A_185 = arith.index_cast %add3A_184 : i32 to index
        %get3A_186 = arith.constant 16 : index
        %get3A_187 = tpu.vector_load %arg6[%get3A_185, %get3A_186] {strides = array<i32>} : memref<100x64xf32, #tpu.memory_space<vmem>>, vector<1x16xf32>,
        %get3A_188 = vector.shape_cast %get3A_187 : vector<1x16xf32> to vector<16xf32>
        %add3A_189 = arith.addf %scan3A_170, %get3A_188 : vector<16xf32>
        %add3A_190 = arith.constant 0 : i32
        %add3A_191 = arith.addi %add3A_176, %add3A_190 : i32
        %get3A_192 = arith.index_cast %add3A_191 : i32 to index
        %get3A_193 = arith.constant 32 : index
        %get3A_194 = tpu.vector_load %arg6[%get3A_192, %get3A_193] {strides = array<i32>} : memref<100x64xf32, #tpu.memory_space<vmem>>, vector<1x16xf32>,
        %get3A_195 = vector.shape_cast %get3A_194 : vector<1x16xf32> to vector<16xf32>
        %add3A_196 = arith.addf %scan3A_171, %get3A_195 : vector<16xf32>
        %add3A_197 = arith.constant 0 : i32
        %add3A_198 = arith.addi %add3A_176, %add3A_197 : i32
        %get3A_199 = arith.index_cast %add3A_198 : i32 to index
        %get3A_200 = arith.constant 48 : index
        %get3A_201 = tpu.vector_load %arg6[%get3A_199, %get3A_200] {strides = array<i32>} : memref<100x64xf32, #tpu.memory_space<vmem>>, vector<1x16xf32>,
        %get3A_202 = vector.shape_cast %get3A_201 : vector<1x16xf32> to vector<16xf32>
        %add3A_203 = arith.addf %scan3A_172, %get3A_202 : vector<16xf32>
        %add3A_204 = arith.constant 1 : i32
        %add3A_205 = arith.addi %add3A_176, %add3A_204 : i32
        %get3A_206 = arith.index_cast %add3A_205 : i32 to index
        %get3A_207 = arith.constant 0 : index
        %get3A_208 = tpu.vector_load %arg6[%get3A_206, %get3A_207] {strides = array<i32>} : memref<100x64xf32, #tpu.memory_space<vmem>>, vector<1x16xf32>,
        %get3A_209 = vector.shape_cast %get3A_208 : vector<1x16xf32> to vector<16xf32>
        %add3A_210 = arith.addf %add3A_182, %get3A_209 : vector<16xf32>
        %add3A_211 = arith.constant 1 : i32
        %add3A_212 = arith.addi %add3A_176, %add3A_211 : i32
        %get3A_213 = arith.index_cast %add3A_212 : i32 to index
        %get3A_214 = arith.constant 16 : index
        %get3A_215 = tpu.vector_load %arg6[%get3A_213, %get3A_214] {strides = array<i32>} : memref<100x64xf32, #tpu.memory_space<vmem>>, vector<1x16xf32>,
        %get3A_216 = vector.shape_cast %get3A_215 : vector<1x16xf32> to vector<16xf32>
        %add3A_217 = arith.addf %add3A_189, %get3A_216 : vector<16xf32>
        %add3A_218 = arith.constant 1 : i32
        %add3A_219 = arith.addi %add3A_176, %add3A_218 : i32
        %get3A_220 = arith.index_cast %add3A_219 : i32 to index
        %get3A_221 = arith.constant 32 : index
        %get3A_222 = tpu.vector_load %arg6[%get3A_220, %get3A_221] {strides = array<i32>} : memref<100x64xf32, #tpu.memory_space<vmem>>, vector<1x16xf32>,
        %get3A_223 = vector.shape_cast %get3A_222 : vector<1x16xf32> to vector<16xf32>
        %add3A_224 = arith.addf %add3A_196, %get3A_223 : vector<16xf32>
        %add3A_225 = arith.constant 1 : i32
        %add3A_226 = arith.addi %add3A_176, %add3A_225 : i32
        %get3A_227 = arith.index_cast %add3A_226 : i32 to index
        %get3A_228 = arith.constant 48 : index
        %get3A_229 = tpu.vector_load %arg6[%get3A_227, %get3A_228] {strides = array<i32>} : memref<100x64xf32, #tpu.memory_space<vmem>>, vector<1x16xf32>,
        %get3A_230 = vector.shape_cast %get3A_229 : vector<1x16xf32> to vector<16xf32>
        %add3A_231 = arith.addf %add3A_203, %get3A_230 : vector<16xf32>
        %add3A_232 = arith.constant 2 : i32
        %add3A_233 = arith.addi %add3A_176, %add3A_232 : i32
        %get3A_234 = arith.index_cast %add3A_233 : i32 to index
        %get3A_235 = arith.constant 0 : index
        %get3A_236 = tpu.vector_load %arg6[%get3A_234, %get3A_235] {strides = array<i32>} : memref<100x64xf32, #tpu.memory_space<vmem>>, vector<1x16xf32>,
        %get3A_237 = vector.shape_cast %get3A_236 : vector<1x16xf32> to vector<16xf32>
        %add3A_238 = arith.addf %add3A_210, %get3A_237 : vector<16xf32>
        %add3A_239 = arith.constant 2 : i32
        %add3A_240 = arith.addi %add3A_176, %add3A_239 : i32
        %get3A_241 = arith.index_cast %add3A_240 : i32 to index
        %get3A_242 = arith.constant 16 : index
        %get3A_243 = tpu.vector_load %arg6[%get3A_241, %get3A_242] {strides = array<i32>} : memref<100x64xf32, #tpu.memory_space<vmem>>, vector<1x16xf32>,
        %get3A_244 = vector.shape_cast %get3A_243 : vector<1x16xf32> to vector<16xf32>
        %add3A_245 = arith.addf %add3A_217, %get3A_244 : vector<16xf32>
        %add3A_246 = arith.constant 2 : i32
        %add3A_247 = arith.addi %add3A_176, %add3A_246 : i32
        %get3A_248 = arith.index_cast %add3A_247 : i32 to index
        %get3A_249 = arith.constant 32 : index
        %get3A_250 = tpu.vector_load %arg6[%get3A_248, %get3A_249] {strides = array<i32>} : memref<100x64xf32, #tpu.memory_space<vmem>>, vector<1x16xf32>,
        %get3A_251 = vector.shape_cast %get3A_250 : vector<1x16xf32> to vector<16xf32>
        %add3A_252 = arith.addf %add3A_224, %get3A_251 : vector<16xf32>
        %add3A_253 = arith.constant 2 : i32
        %add3A_254 = arith.addi %add3A_176, %add3A_253 : i32
        %get3A_255 = arith.index_cast %add3A_254 : i32 to index
        %get3A_256 = arith.constant 48 : index
        %get3A_257 = tpu.vector_load %arg6[%get3A_255, %get3A_256] {strides = array<i32>} : memref<100x64xf32, #tpu.memory_space<vmem>>, vector<1x16xf32>,
        %get3A_258 = vector.shape_cast %get3A_257 : vector<1x16xf32> to vector<16xf32>
        %add3A_259 = arith.addf %add3A_231, %get3A_258 : vector<16xf32>
        %add3A_260 = arith.constant 3 : i32
        %add3A_261 = arith.addi %add3A_176, %add3A_260 : i32
        %get3A_262 = arith.index_cast %add3A_261 : i32 to index
        %get3A_263 = arith.constant 0 : index
        %get3A_264 = tpu.vector_load %arg6[%get3A_262, %get3A_263] {strides = array<i32>} : memref<100x64xf32, #tpu.memory_space<vmem>>, vector<1x16xf32>,
        %get3A_265 = vector.shape_cast %get3A_264 : vector<1x16xf32> to vector<16xf32>
        %add3A_266 = arith.addf %add3A_238, %get3A_265 : vector<16xf32>
        %add3A_267 = arith.constant 3 : i32
        %add3A_268 = arith.addi %add3A_176, %add3A_267 : i32
        %get3A_269 = arith.index_cast %add3A_268 : i32 to index
        %get3A_270 = arith.constant 16 : index
        %get3A_271 = tpu.vector_load %arg6[%get3A_269, %get3A_270] {strides = array<i32>} : memref<100x64xf32, #tpu.memory_space<vmem>>, vector<1x16xf32>,
        %get3A_272 = vector.shape_cast %get3A_271 : vector<1x16xf32> to vector<16xf32>
        %add3A_273 = arith.addf %add3A_245, %get3A_272 : vector<16xf32>
        %add3A_274 = arith.constant 3 : i32
        %add3A_275 = arith.addi %add3A_176, %add3A_274 : i32
        %get3A_276 = arith.index_cast %add3A_275 : i32 to index
        %get3A_277 = arith.constant 32 : index
        %get3A_278 = tpu.vector_load %arg6[%get3A_276, %get3A_277] {strides = array<i32>} : memref<100x64xf32, #tpu.memory_space<vmem>>, vector<1x16xf32>,
        %get3A_279 = vector.shape_cast %get3A_278 : vector<1x16xf32> to vector<16xf32>
        %add3A_280 = arith.addf %add3A_252, %get3A_279 : vector<16xf32>
        %add3A_281 = arith.constant 3 : i32
        %add3A_282 = arith.addi %add3A_176, %add3A_281 : i32
        %get3A_283 = arith.index_cast %add3A_282 : i32 to index
        %get3A_284 = arith.constant 48 : index
        %get3A_285 = tpu.vector_load %arg6[%get3A_283, %get3A_284] {strides = array<i32>} : memref<100x64xf32, #tpu.memory_space<vmem>>, vector<1x16xf32>,
        %get3A_286 = vector.shape_cast %get3A_285 : vector<1x16xf32> to vector<16xf32>
        %add3A_287 = arith.addf %add3A_259, %get3A_286 : vector<16xf32>
        %add3A_288 = arith.constant 4 : i32
        %add3A_289 = arith.addi %add3A_176, %add3A_288 : i32
        %get3A_290 = arith.index_cast %add3A_289 : i32 to index
        %get3A_291 = arith.constant 0 : index
        %get3A_292 = tpu.vector_load %arg6[%get3A_290, %get3A_291] {strides = array<i32>} : memref<100x64xf32, #tpu.memory_space<vmem>>, vector<1x16xf32>,
        %get3A_293 = vector.shape_cast %get3A_292 : vector<1x16xf32> to vector<16xf32>
        %add3A_294 = arith.addf %add3A_266, %get3A_293 : vector<16xf32>
        %add3A_295 = arith.constant 4 : i32
        %add3A_296 = arith.addi %add3A_176, %add3A_295 : i32
        %get3A_297 = arith.index_cast %add3A_296 : i32 to index
        %get3A_298 = arith.constant 16 : index
        %get3A_299 = tpu.vector_load %arg6[%get3A_297, %get3A_298] {strides = array<i32>} : memref<100x64xf32, #tpu.memory_space<vmem>>, vector<1x16xf32>,
        %get3A_300 = vector.shape_cast %get3A_299 : vector<1x16xf32> to vector<16xf32>
        %add3A_301 = arith.addf %add3A_273, %get3A_300 : vector<16xf32>
        %add3A_302 = arith.constant 4 : i32
        %add3A_303 = arith.addi %add3A_176, %add3A_302 : i32
        %get3A_304 = arith.index_cast %add3A_303 : i32 to index
        %get3A_305 = arith.constant 32 : index
        %get3A_306 = tpu.vector_load %arg6[%get3A_304, %get3A_305] {strides = array<i32>} : memref<100x64xf32, #tpu.memory_space<vmem>>, vector<1x16xf32>,
        %get3A_307 = vector.shape_cast %get3A_306 : vector<1x16xf32> to vector<16xf32>
        %add3A_308 = arith.addf %add3A_280, %get3A_307 : vector<16xf32>
        %add3A_309 = arith.constant 4 : i32
        %add3A_310 = arith.addi %add3A_176, %add3A_309 : i32
        %get3A_311 = arith.index_cast %add3A_310 : i32 to index
        %get3A_312 = arith.constant 48 : index
        %get3A_313 = tpu.vector_load %arg6[%get3A_311, %get3A_312] {strides = array<i32>} : memref<100x64xf32, #tpu.memory_space<vmem>>, vector<1x16xf32>,
        %get3A_314 = vector.shape_cast %get3A_313 : vector<1x16xf32> to vector<16xf32>
        %add3A_315 = arith.addf %add3A_287, %get3A_314 : vector<16xf32>
        scf.yield %add3A_294, %add3A_301, %add3A_308, %add3A_315 : vector<16xf32>, vector<16xf32>, vector<16xf32>, vector<16xf32>
      }
      %scan3A_40 = arith.constant 10 : i32
      %swap3A = arith.index_cast %add3A_33 : i32 to index
      %swap3A_41 = arith.constant 0 : index
      %swap3A_42 = tpu.vector_load %arg8[%swap3A, %swap3A_41] {strides = array<i32>} : memref<128x64xf32, #tpu.memory_space<vmem>>, vector<1x16xf32>,
      %swap3A_43 = vector.shape_cast %swap3A_42 : vector<1x16xf32> to vector<16xf32>
      %swap3A_44 = vector.shape_cast %scan3A_39#0 : vector<16xf32> to vector<1x16xf32>
      tpu.vector_store %arg8[%swap3A, %swap3A_41], %swap3A_44 {strides = array<i32>} : memref<128x64xf32, #tpu.memory_space<vmem>>, vector<1x16xf32>,
      %swap3A_45 = arith.index_cast %add3A_33 : i32 to index
      %swap3A_46 = arith.constant 16 : index
      %swap3A_47 = tpu.vector_load %arg8[%swap3A_45, %swap3A_46] {strides = array<i32>} : memref<128x64xf32, #tpu.memory_space<vmem>>, vector<1x16xf32>,
      %swap3A_48 = vector.shape_cast %swap3A_47 : vector<1x16xf32> to vector<16xf32>
      %swap3A_49 = vector.shape_cast %scan3A_39#1 : vector<16xf32> to vector<1x16xf32>
      tpu.vector_store %arg8[%swap3A_45, %swap3A_46], %swap3A_49 {strides = array<i32>} : memref<128x64xf32, #tpu.memory_space<vmem>>, vector<1x16xf32>,
      %swap3A_50 = arith.index_cast %add3A_33 : i32 to index
      %swap3A_51 = arith.constant 32 : index
      %swap3A_52 = tpu.vector_load %arg8[%swap3A_50, %swap3A_51] {strides = array<i32>} : memref<128x64xf32, #tpu.memory_space<vmem>>, vector<1x16xf32>,
      %swap3A_53 = vector.shape_cast %swap3A_52 : vector<1x16xf32> to vector<16xf32>
      %swap3A_54 = vector.shape_cast %scan3A_39#2 : vector<16xf32> to vector<1x16xf32>
      tpu.vector_store %arg8[%swap3A_50, %swap3A_51], %swap3A_54 {strides = array<i32>} : memref<128x64xf32, #tpu.memory_space<vmem>>, vector<1x16xf32>,
      %swap3A_55 = arith.index_cast %add3A_33 : i32 to index
      %swap3A_56 = arith.constant 48 : index
      %swap3A_57 = tpu.vector_load %arg8[%swap3A_55, %swap3A_56] {strides = array<i32>} : memref<128x64xf32, #tpu.memory_space<vmem>>, vector<1x16xf32>,
      %swap3A_58 = vector.shape_cast %swap3A_57 : vector<1x16xf32> to vector<16xf32>
      %swap3A_59 = vector.shape_cast %scan3A_39#3 : vector<16xf32> to vector<1x16xf32>
      tpu.vector_store %arg8[%swap3A_55, %swap3A_56], %swap3A_59 {strides = array<i32>} : memref<128x64xf32, #tpu.memory_space<vmem>>, vector<1x16xf32>,
      %mul3A_60 = arith.constant 2 : i32
      %mul3A_61 = arith.muli %mul3A_60, %mul3A_16 : i32
      %add3A_62 = arith.constant 1 : i32
      %add3A_63 = arith.addi %mul3A_61, %add3A_62 : i32
      %broadcast_in_dim3A_64 = arith.constant 0.000000e+00 : f32
      %broadcast_in_dim3A_65 = vector.broadcast %broadcast_in_dim3A_64 : f32 to vector<16xf32>
      %scan3A_66 = arith.constant 0 : i32
      %scan3A_67 = arith.constant 10 : i32
      %scan3A_68 = arith.addi %scan3A_66, %scan3A_67 : i32
      %scan3A_69 = arith.constant 1 : i32
      %scan3A_70:4 = scf.for %scan3A_168 = %scan3A_66 to %scan3A_68 step %scan3A_69 iter_args(%scan3A_169 = %broadcast_in_dim3A_65, %scan3A_170 = %broadcast_in_dim3A_65, %scan3A_171 = %broadcast_in_dim3A_65, %scan3A_172 = %broadcast_in_dim3A_65) -> (vector<16xf32>, vector<16xf32>, vector<16xf32>, vector<16xf32>)  : i32 {
        %mul3A_173 = arith.constant 5 : i32
        %mul3A_174 = arith.muli %scan3A_168, %mul3A_173 : i32
        %add3A_175 = arith.constant 50 : i32
        %add3A_176 = arith.addi %add3A_175, %mul3A_174 : i32
        %add3A_177 = arith.constant 0 : i32
        %add3A_178 = arith.addi %add3A_176, %add3A_177 : i32
        %get3A = arith.index_cast %add3A_178 : i32 to index
        %get3A_179 = arith.constant 0 : index
        %get3A_180 = tpu.vector_load %arg6[%get3A, %get3A_179] {strides = array<i32>} : memref<100x64xf32, #tpu.memory_space<vmem>>, vector<1x16xf32>,
        %get3A_181 = vector.shape_cast %get3A_180 : vector<1x16xf32> to vector<16xf32>
        %add3A_182 = arith.addf %scan3A_169, %get3A_181 : vector<16xf32>
        %add3A_183 = arith.constant 0 : i32
        %add3A_184 = arith.addi %add3A_176, %add3A_183 : i32
        %get3A_185 = arith.index_cast %add3A_184 : i32 to index
        %get3A_186 = arith.constant 16 : index
        %get3A_187 = tpu.vector_load %arg6[%get3A_185, %get3A_186] {strides = array<i32>} : memref<100x64xf32, #tpu.memory_space<vmem>>, vector<1x16xf32>,
        %get3A_188 = vector.shape_cast %get3A_187 : vector<1x16xf32> to vector<16xf32>
        %add3A_189 = arith.addf %scan3A_170, %get3A_188 : vector<16xf32>
        %add3A_190 = arith.constant 0 : i32
        %add3A_191 = arith.addi %add3A_176, %add3A_190 : i32
        %get3A_192 = arith.index_cast %add3A_191 : i32 to index
        %get3A_193 = arith.constant 32 : index
        %get3A_194 = tpu.vector_load %arg6[%get3A_192, %get3A_193] {strides = array<i32>} : memref<100x64xf32, #tpu.memory_space<vmem>>, vector<1x16xf32>,
        %get3A_195 = vector.shape_cast %get3A_194 : vector<1x16xf32> to vector<16xf32>
        %add3A_196 = arith.addf %scan3A_171, %get3A_195 : vector<16xf32>
        %add3A_197 = arith.constant 0 : i32
        %add3A_198 = arith.addi %add3A_176, %add3A_197 : i32
        %get3A_199 = arith.index_cast %add3A_198 : i32 to index
        %get3A_200 = arith.constant 48 : index
        %get3A_201 = tpu.vector_load %arg6[%get3A_199, %get3A_200] {strides = array<i32>} : memref<100x64xf32, #tpu.memory_space<vmem>>, vector<1x16xf32>,
        %get3A_202 = vector.shape_cast %get3A_201 : vector<1x16xf32> to vector<16xf32>
        %add3A_203 = arith.addf %scan3A_172, %get3A_202 : vector<16xf32>
        %add3A_204 = arith.constant 1 : i32
        %add3A_205 = arith.addi %add3A_176, %add3A_204 : i32
        %get3A_206 = arith.index_cast %add3A_205 : i32 to index
        %get3A_207 = arith.constant 0 : index
        %get3A_208 = tpu.vector_load %arg6[%get3A_206, %get3A_207] {strides = array<i32>} : memref<100x64xf32, #tpu.memory_space<vmem>>, vector<1x16xf32>,
        %get3A_209 = vector.shape_cast %get3A_208 : vector<1x16xf32> to vector<16xf32>
        %add3A_210 = arith.addf %add3A_182, %get3A_209 : vector<16xf32>
        %add3A_211 = arith.constant 1 : i32
        %add3A_212 = arith.addi %add3A_176, %add3A_211 : i32
        %get3A_213 = arith.index_cast %add3A_212 : i32 to index
        %get3A_214 = arith.constant 16 : index
        %get3A_215 = tpu.vector_load %arg6[%get3A_213, %get3A_214] {strides = array<i32>} : memref<100x64xf32, #tpu.memory_space<vmem>>, vector<1x16xf32>,
        %get3A_216 = vector.shape_cast %get3A_215 : vector<1x16xf32> to vector<16xf32>
        %add3A_217 = arith.addf %add3A_189, %get3A_216 : vector<16xf32>
        %add3A_218 = arith.constant 1 : i32
        %add3A_219 = arith.addi %add3A_176, %add3A_218 : i32
        %get3A_220 = arith.index_cast %add3A_219 : i32 to index
        %get3A_221 = arith.constant 32 : index
        %get3A_222 = tpu.vector_load %arg6[%get3A_220, %get3A_221] {strides = array<i32>} : memref<100x64xf32, #tpu.memory_space<vmem>>, vector<1x16xf32>,
        %get3A_223 = vector.shape_cast %get3A_222 : vector<1x16xf32> to vector<16xf32>
        %add3A_224 = arith.addf %add3A_196, %get3A_223 : vector<16xf32>
        %add3A_225 = arith.constant 1 : i32
        %add3A_226 = arith.addi %add3A_176, %add3A_225 : i32
        %get3A_227 = arith.index_cast %add3A_226 : i32 to index
        %get3A_228 = arith.constant 48 : index
        %get3A_229 = tpu.vector_load %arg6[%get3A_227, %get3A_228] {strides = array<i32>} : memref<100x64xf32, #tpu.memory_space<vmem>>, vector<1x16xf32>,
        %get3A_230 = vector.shape_cast %get3A_229 : vector<1x16xf32> to vector<16xf32>
        %add3A_231 = arith.addf %add3A_203, %get3A_230 : vector<16xf32>
        %add3A_232 = arith.constant 2 : i32
        %add3A_233 = arith.addi %add3A_176, %add3A_232 : i32
        %get3A_234 = arith.index_cast %add3A_233 : i32 to index
        %get3A_235 = arith.constant 0 : index
        %get3A_236 = tpu.vector_load %arg6[%get3A_234, %get3A_235] {strides = array<i32>} : memref<100x64xf32, #tpu.memory_space<vmem>>, vector<1x16xf32>,
        %get3A_237 = vector.shape_cast %get3A_236 : vector<1x16xf32> to vector<16xf32>
        %add3A_238 = arith.addf %add3A_210, %get3A_237 : vector<16xf32>
        %add3A_239 = arith.constant 2 : i32
        %add3A_240 = arith.addi %add3A_176, %add3A_239 : i32
        %get3A_241 = arith.index_cast %add3A_240 : i32 to index
        %get3A_242 = arith.constant 16 : index
        %get3A_243 = tpu.vector_load %arg6[%get3A_241, %get3A_242] {strides = array<i32>} : memref<100x64xf32, #tpu.memory_space<vmem>>, vector<1x16xf32>,
        %get3A_244 = vector.shape_cast %get3A_243 : vector<1x16xf32> to vector<16xf32>
        %add3A_245 = arith.addf %add3A_217, %get3A_244 : vector<16xf32>
        %add3A_246 = arith.constant 2 : i32
        %add3A_247 = arith.addi %add3A_176, %add3A_246 : i32
        %get3A_248 = arith.index_cast %add3A_247 : i32 to index
        %get3A_249 = arith.constant 32 : index
        %get3A_250 = tpu.vector_load %arg6[%get3A_248, %get3A_249] {strides = array<i32>} : memref<100x64xf32, #tpu.memory_space<vmem>>, vector<1x16xf32>,
        %get3A_251 = vector.shape_cast %get3A_250 : vector<1x16xf32> to vector<16xf32>
        %add3A_252 = arith.addf %add3A_224, %get3A_251 : vector<16xf32>
        %add3A_253 = arith.constant 2 : i32
        %add3A_254 = arith.addi %add3A_176, %add3A_253 : i32
        %get3A_255 = arith.index_cast %add3A_254 : i32 to index
        %get3A_256 = arith.constant 48 : index
        %get3A_257 = tpu.vector_load %arg6[%get3A_255, %get3A_256] {strides = array<i32>} : memref<100x64xf32, #tpu.memory_space<vmem>>, vector<1x16xf32>,
        %get3A_258 = vector.shape_cast %get3A_257 : vector<1x16xf32> to vector<16xf32>
        %add3A_259 = arith.addf %add3A_231, %get3A_258 : vector<16xf32>
        %add3A_260 = arith.constant 3 : i32
        %add3A_261 = arith.addi %add3A_176, %add3A_260 : i32
        %get3A_262 = arith.index_cast %add3A_261 : i32 to index
        %get3A_263 = arith.constant 0 : index
        %get3A_264 = tpu.vector_load %arg6[%get3A_262, %get3A_263] {strides = array<i32>} : memref<100x64xf32, #tpu.memory_space<vmem>>, vector<1x16xf32>,
        %get3A_265 = vector.shape_cast %get3A_264 : vector<1x16xf32> to vector<16xf32>
        %add3A_266 = arith.addf %add3A_238, %get3A_265 : vector<16xf32>
        %add3A_267 = arith.constant 3 : i32
        %add3A_268 = arith.addi %add3A_176, %add3A_267 : i32
        %get3A_269 = arith.index_cast %add3A_268 : i32 to index
        %get3A_270 = arith.constant 16 : index
        %get3A_271 = tpu.vector_load %arg6[%get3A_269, %get3A_270] {strides = array<i32>} : memref<100x64xf32, #tpu.memory_space<vmem>>, vector<1x16xf32>,
        %get3A_272 = vector.shape_cast %get3A_271 : vector<1x16xf32> to vector<16xf32>
        %add3A_273 = arith.addf %add3A_245, %get3A_272 : vector<16xf32>
        %add3A_274 = arith.constant 3 : i32
        %add3A_275 = arith.addi %add3A_176, %add3A_274 : i32
        %get3A_276 = arith.index_cast %add3A_275 : i32 to index
        %get3A_277 = arith.constant 32 : index
        %get3A_278 = tpu.vector_load %arg6[%get3A_276, %get3A_277] {strides = array<i32>} : memref<100x64xf32, #tpu.memory_space<vmem>>, vector<1x16xf32>,
        %get3A_279 = vector.shape_cast %get3A_278 : vector<1x16xf32> to vector<16xf32>
        %add3A_280 = arith.addf %add3A_252, %get3A_279 : vector<16xf32>
        %add3A_281 = arith.constant 3 : i32
        %add3A_282 = arith.addi %add3A_176, %add3A_281 : i32
        %get3A_283 = arith.index_cast %add3A_282 : i32 to index
        %get3A_284 = arith.constant 48 : index
        %get3A_285 = tpu.vector_load %arg6[%get3A_283, %get3A_284] {strides = array<i32>} : memref<100x64xf32, #tpu.memory_space<vmem>>, vector<1x16xf32>,
        %get3A_286 = vector.shape_cast %get3A_285 : vector<1x16xf32> to vector<16xf32>
        %add3A_287 = arith.addf %add3A_259, %get3A_286 : vector<16xf32>
        %add3A_288 = arith.constant 4 : i32
        %add3A_289 = arith.addi %add3A_176, %add3A_288 : i32
        %get3A_290 = arith.index_cast %add3A_289 : i32 to index
        %get3A_291 = arith.constant 0 : index
        %get3A_292 = tpu.vector_load %arg6[%get3A_290, %get3A_291] {strides = array<i32>} : memref<100x64xf32, #tpu.memory_space<vmem>>, vector<1x16xf32>,
        %get3A_293 = vector.shape_cast %get3A_292 : vector<1x16xf32> to vector<16xf32>
        %add3A_294 = arith.addf %add3A_266, %get3A_293 : vector<16xf32>
        %add3A_295 = arith.constant 4 : i32
        %add3A_296 = arith.addi %add3A_176, %add3A_295 : i32
        %get3A_297 = arith.index_cast %add3A_296 : i32 to index
        %get3A_298 = arith.constant 16 : index
        %get3A_299 = tpu.vector_load %arg6[%get3A_297, %get3A_298] {strides = array<i32>} : memref<100x64xf32, #tpu.memory_space<vmem>>, vector<1x16xf32>,
        %get3A_300 = vector.shape_cast %get3A_299 : vector<1x16xf32> to vector<16xf32>
        %add3A_301 = arith.addf %add3A_273, %get3A_300 : vector<16xf32>
        %add3A_302 = arith.constant 4 : i32
        %add3A_303 = arith.addi %add3A_176, %add3A_302 : i32
        %get3A_304 = arith.index_cast %add3A_303 : i32 to index
        %get3A_305 = arith.constant 32 : index
        %get3A_306 = tpu.vector_load %arg6[%get3A_304, %get3A_305] {strides = array<i32>} : memref<100x64xf32, #tpu.memory_space<vmem>>, vector<1x16xf32>,
        %get3A_307 = vector.shape_cast %get3A_306 : vector<1x16xf32> to vector<16xf32>
        %add3A_308 = arith.addf %add3A_280, %get3A_307 : vector<16xf32>
        %add3A_309 = arith.constant 4 : i32
        %add3A_310 = arith.addi %add3A_176, %add3A_309 : i32
        %get3A_311 = arith.index_cast %add3A_310 : i32 to index
        %get3A_312 = arith.constant 48 : index
        %get3A_313 = tpu.vector_load %arg6[%get3A_311, %get3A_312] {strides = array<i32>} : memref<100x64xf32, #tpu.memory_space<vmem>>, vector<1x16xf32>,
        %get3A_314 = vector.shape_cast %get3A_313 : vector<1x16xf32> to vector<16xf32>
        %add3A_315 = arith.addf %add3A_287, %get3A_314 : vector<16xf32>
        scf.yield %add3A_294, %add3A_301, %add3A_308, %add3A_315 : vector<16xf32>, vector<16xf32>, vector<16xf32>, vector<16xf32>
      }
      %scan3A_71 = arith.constant 10 : i32
      %swap3A_72 = arith.index_cast %add3A_63 : i32 to index
      %swap3A_73 = arith.constant 0 : index
      %swap3A_74 = tpu.vector_load %arg8[%swap3A_72, %swap3A_73] {strides = array<i32>} : memref<128x64xf32, #tpu.memory_space<vmem>>, vector<1x16xf32>,
      %swap3A_75 = vector.shape_cast %swap3A_74 : vector<1x16xf32> to vector<16xf32>
      %swap3A_76 = vector.shape_cast %scan3A_70#0 : vector<16xf32> to vector<1x16xf32>
      tpu.vector_store %arg8[%swap3A_72, %swap3A_73], %swap3A_76 {strides = array<i32>} : memref<128x64xf32, #tpu.memory_space<vmem>>, vector<1x16xf32>,
      %swap3A_77 = arith.index_cast %add3A_63 : i32 to index
      %swap3A_78 = arith.constant 16 : index
      %swap3A_79 = tpu.vector_load %arg8[%swap3A_77, %swap3A_78] {strides = array<i32>} : memref<128x64xf32, #tpu.memory_space<vmem>>, vector<1x16xf32>,
      %swap3A_80 = vector.shape_cast %swap3A_79 : vector<1x16xf32> to vector<16xf32>
      %swap3A_81 = vector.shape_cast %scan3A_70#1 : vector<16xf32> to vector<1x16xf32>
      tpu.vector_store %arg8[%swap3A_77, %swap3A_78], %swap3A_81 {strides = array<i32>} : memref<128x64xf32, #tpu.memory_space<vmem>>, vector<1x16xf32>,
      %swap3A_82 = arith.index_cast %add3A_63 : i32 to index
      %swap3A_83 = arith.constant 32 : index
      %swap3A_84 = tpu.vector_load %arg8[%swap3A_82, %swap3A_83] {strides = array<i32>} : memref<128x64xf32, #tpu.memory_space<vmem>>, vector<1x16xf32>,
      %swap3A_85 = vector.shape_cast %swap3A_84 : vector<1x16xf32> to vector<16xf32>
      %swap3A_86 = vector.shape_cast %scan3A_70#2 : vector<16xf32> to vector<1x16xf32>
      tpu.vector_store %arg8[%swap3A_82, %swap3A_83], %swap3A_86 {strides = array<i32>} : memref<128x64xf32, #tpu.memory_space<vmem>>, vector<1x16xf32>,
      %swap3A_87 = arith.index_cast %add3A_63 : i32 to index
      %swap3A_88 = arith.constant 48 : index
      %swap3A_89 = tpu.vector_load %arg8[%swap3A_87, %swap3A_88] {strides = array<i32>} : memref<128x64xf32, #tpu.memory_space<vmem>>, vector<1x16xf32>,
      %swap3A_90 = vector.shape_cast %swap3A_89 : vector<1x16xf32> to vector<16xf32>
      %swap3A_91 = vector.shape_cast %scan3A_70#3 : vector<16xf32> to vector<1x16xf32>
      tpu.vector_store %arg8[%swap3A_87, %swap3A_88], %swap3A_91 {strides = array<i32>} : memref<128x64xf32, #tpu.memory_space<vmem>>, vector<1x16xf32>,
      %lt3A = arith.constant 31 : i32
      %lt3A_92 = arith.cmpi slt, %scan3A_14, %lt3A : i32
      %convert_element_type3A = arith.extui %lt3A_92 : i1 to i32
      %cond3A = arith.constant 0 : i32
      %cond3A_93 = arith.cmpi ne, %convert_element_type3A, %cond3A : i32
      scf.if %cond3A_93 {
        %add3A_168 = arith.constant 2 : i32
        %add3A_169 = arith.addi %mul3A_16, %add3A_168 : i32
        %dma_start3A_170 = arith.constant 0 : i32
        %dma_start3A_171 = tpu.memref_slice %arg5[%add3A_169, %dma_start3A_170] : memref<64x100xi32, #tpu.memory_space<vmem>> -> memref<1x100xi32, #tpu.memory_space<vmem>>
        %dma_start3A_172 = tpu.memref_squeeze %dma_start3A_171 : memref<1x100xi32, #tpu.memory_space<vmem>> -> memref<100xi32, #tpu.memory_space<vmem>>
        %dma_start3A_173 = arith.constant 0 : i32
        %dma_start3A_174 = arith.constant 0 : i32
        %dma_start3A_175 = tpu.memref_slice %arg3[%dma_start3A_173, %dma_start3A_174] : memref<100000x64xf32, #tpu.memory_space<hbm>> -> memref<100000x64xf32, #tpu.memory_space<hbm>>
        tpu.enqueue_indirect_dma source(%dma_start3A_175 : memref<100000x64xf32, #tpu.memory_space<hbm>>) target(%arg6 : memref<100x64xf32, #tpu.memory_space<vmem>>) offsets(%dma_start3A_172 : memref<100xi32, #tpu.memory_space<vmem>>) semaphore(%arg9 : memref<!tpu.dma_semaphore, #tpu.memory_space<semaphore_mem>>)
      } else {
      }
      %add3A_94 = arith.constant 1 : i32
      %add3A_95 = arith.addi %mul3A_16, %add3A_94 : i32
      %dma_wait3A_96 = arith.constant 0 : i32
      %dma_wait3A_97 = tpu.memref_slice %arg5[%add3A_95, %dma_wait3A_96] : memref<64x100xi32, #tpu.memory_space<vmem>> -> memref<1x100xi32, #tpu.memory_space<vmem>>
      %dma_wait3A_98 = tpu.memref_squeeze %dma_wait3A_97 : memref<1x100xi32, #tpu.memory_space<vmem>> -> memref<100xi32, #tpu.memory_space<vmem>>
      %dma_wait3A_99 = arith.constant 0 : i32
      %dma_wait3A_100 = arith.constant 0 : i32
      %dma_wait3A_101 = tpu.memref_slice %arg3[%dma_wait3A_99, %dma_wait3A_100] : memref<100000x64xf32, #tpu.memory_space<hbm>> -> memref<100000x64xf32, #tpu.memory_space<hbm>>
      tpu.wait_indirect_dma semaphore(%arg10 : memref<!tpu.dma_semaphore, #tpu.memory_space<semaphore_mem>>) src(%dma_wait3A_101 : memref<100000x64xf32, #tpu.memory_space<hbm>>) dst(%arg7 : memref<100x64xf32, #tpu.memory_space<vmem>>)
      %add3A_102 = arith.constant 1 : i32
      %add3A_103 = arith.addi %mul3A_16, %add3A_102 : i32
      %mul3A_104 = arith.constant 2 : i32
      %mul3A_105 = arith.muli %mul3A_104, %add3A_103 : i32
      %add3A_106 = arith.constant 0 : i32
      %add3A_107 = arith.addi %mul3A_105, %add3A_106 : i32
      %broadcast_in_dim3A_108 = arith.constant 0.000000e+00 : f32
      %broadcast_in_dim3A_109 = vector.broadcast %broadcast_in_dim3A_108 : f32 to vector<16xf32>
      %scan3A_110 = arith.constant 0 : i32
      %scan3A_111 = arith.constant 10 : i32
      %scan3A_112 = arith.addi %scan3A_110, %scan3A_111 : i32
      %scan3A_113 = arith.constant 1 : i32
      %scan3A_114:4 = scf.for %scan3A_168 = %scan3A_110 to %scan3A_112 step %scan3A_113 iter_args(%scan3A_169 = %broadcast_in_dim3A_109, %scan3A_170 = %broadcast_in_dim3A_109, %scan3A_171 = %broadcast_in_dim3A_109, %scan3A_172 = %broadcast_in_dim3A_109) -> (vector<16xf32>, vector<16xf32>, vector<16xf32>, vector<16xf32>)  : i32 {
        %mul3A_173 = arith.constant 5 : i32
        %mul3A_174 = arith.muli %scan3A_168, %mul3A_173 : i32
        %add3A_175 = arith.constant 0 : i32
        %add3A_176 = arith.addi %add3A_175, %mul3A_174 : i32
        %add3A_177 = arith.constant 0 : i32
        %add3A_178 = arith.addi %add3A_176, %add3A_177 : i32
        %get3A = arith.index_cast %add3A_178 : i32 to index
        %get3A_179 = arith.constant 0 : index
        %get3A_180 = tpu.vector_load %arg7[%get3A, %get3A_179] {strides = array<i32>} : memref<100x64xf32, #tpu.memory_space<vmem>>, vector<1x16xf32>,
        %get3A_181 = vector.shape_cast %get3A_180 : vector<1x16xf32> to vector<16xf32>
        %add3A_182 = arith.addf %scan3A_169, %get3A_181 : vector<16xf32>
        %add3A_183 = arith.constant 0 : i32
        %add3A_184 = arith.addi %add3A_176, %add3A_183 : i32
        %get3A_185 = arith.index_cast %add3A_184 : i32 to index
        %get3A_186 = arith.constant 16 : index
        %get3A_187 = tpu.vector_load %arg7[%get3A_185, %get3A_186] {strides = array<i32>} : memref<100x64xf32, #tpu.memory_space<vmem>>, vector<1x16xf32>,
        %get3A_188 = vector.shape_cast %get3A_187 : vector<1x16xf32> to vector<16xf32>
        %add3A_189 = arith.addf %scan3A_170, %get3A_188 : vector<16xf32>
        %add3A_190 = arith.constant 0 : i32
        %add3A_191 = arith.addi %add3A_176, %add3A_190 : i32
        %get3A_192 = arith.index_cast %add3A_191 : i32 to index
        %get3A_193 = arith.constant 32 : index
        %get3A_194 = tpu.vector_load %arg7[%get3A_192, %get3A_193] {strides = array<i32>} : memref<100x64xf32, #tpu.memory_space<vmem>>, vector<1x16xf32>,
        %get3A_195 = vector.shape_cast %get3A_194 : vector<1x16xf32> to vector<16xf32>
        %add3A_196 = arith.addf %scan3A_171, %get3A_195 : vector<16xf32>
        %add3A_197 = arith.constant 0 : i32
        %add3A_198 = arith.addi %add3A_176, %add3A_197 : i32
        %get3A_199 = arith.index_cast %add3A_198 : i32 to index
        %get3A_200 = arith.constant 48 : index
        %get3A_201 = tpu.vector_load %arg7[%get3A_199, %get3A_200] {strides = array<i32>} : memref<100x64xf32, #tpu.memory_space<vmem>>, vector<1x16xf32>,
        %get3A_202 = vector.shape_cast %get3A_201 : vector<1x16xf32> to vector<16xf32>
        %add3A_203 = arith.addf %scan3A_172, %get3A_202 : vector<16xf32>
        %add3A_204 = arith.constant 1 : i32
        %add3A_205 = arith.addi %add3A_176, %add3A_204 : i32
        %get3A_206 = arith.index_cast %add3A_205 : i32 to index
        %get3A_207 = arith.constant 0 : index
        %get3A_208 = tpu.vector_load %arg7[%get3A_206, %get3A_207] {strides = array<i32>} : memref<100x64xf32, #tpu.memory_space<vmem>>, vector<1x16xf32>,
        %get3A_209 = vector.shape_cast %get3A_208 : vector<1x16xf32> to vector<16xf32>
        %add3A_210 = arith.addf %add3A_182, %get3A_209 : vector<16xf32>
        %add3A_211 = arith.constant 1 : i32
        %add3A_212 = arith.addi %add3A_176, %add3A_211 : i32
        %get3A_213 = arith.index_cast %add3A_212 : i32 to index
        %get3A_214 = arith.constant 16 : index
        %get3A_215 = tpu.vector_load %arg7[%get3A_213, %get3A_214] {strides = array<i32>} : memref<100x64xf32, #tpu.memory_space<vmem>>, vector<1x16xf32>,
        %get3A_216 = vector.shape_cast %get3A_215 : vector<1x16xf32> to vector<16xf32>
        %add3A_217 = arith.addf %add3A_189, %get3A_216 : vector<16xf32>
        %add3A_218 = arith.constant 1 : i32
        %add3A_219 = arith.addi %add3A_176, %add3A_218 : i32
        %get3A_220 = arith.index_cast %add3A_219 : i32 to index
        %get3A_221 = arith.constant 32 : index
        %get3A_222 = tpu.vector_load %arg7[%get3A_220, %get3A_221] {strides = array<i32>} : memref<100x64xf32, #tpu.memory_space<vmem>>, vector<1x16xf32>,
        %get3A_223 = vector.shape_cast %get3A_222 : vector<1x16xf32> to vector<16xf32>
        %add3A_224 = arith.addf %add3A_196, %get3A_223 : vector<16xf32>
        %add3A_225 = arith.constant 1 : i32
        %add3A_226 = arith.addi %add3A_176, %add3A_225 : i32
        %get3A_227 = arith.index_cast %add3A_226 : i32 to index
        %get3A_228 = arith.constant 48 : index
        %get3A_229 = tpu.vector_load %arg7[%get3A_227, %get3A_228] {strides = array<i32>} : memref<100x64xf32, #tpu.memory_space<vmem>>, vector<1x16xf32>,
        %get3A_230 = vector.shape_cast %get3A_229 : vector<1x16xf32> to vector<16xf32>
        %add3A_231 = arith.addf %add3A_203, %get3A_230 : vector<16xf32>
        %add3A_232 = arith.constant 2 : i32
        %add3A_233 = arith.addi %add3A_176, %add3A_232 : i32
        %get3A_234 = arith.index_cast %add3A_233 : i32 to index
        %get3A_235 = arith.constant 0 : index
        %get3A_236 = tpu.vector_load %arg7[%get3A_234, %get3A_235] {strides = array<i32>} : memref<100x64xf32, #tpu.memory_space<vmem>>, vector<1x16xf32>,
        %get3A_237 = vector.shape_cast %get3A_236 : vector<1x16xf32> to vector<16xf32>
        %add3A_238 = arith.addf %add3A_210, %get3A_237 : vector<16xf32>
        %add3A_239 = arith.constant 2 : i32
        %add3A_240 = arith.addi %add3A_176, %add3A_239 : i32
        %get3A_241 = arith.index_cast %add3A_240 : i32 to index
        %get3A_242 = arith.constant 16 : index
        %get3A_243 = tpu.vector_load %arg7[%get3A_241, %get3A_242] {strides = array<i32>} : memref<100x64xf32, #tpu.memory_space<vmem>>, vector<1x16xf32>,
        %get3A_244 = vector.shape_cast %get3A_243 : vector<1x16xf32> to vector<16xf32>
        %add3A_245 = arith.addf %add3A_217, %get3A_244 : vector<16xf32>
        %add3A_246 = arith.constant 2 : i32
        %add3A_247 = arith.addi %add3A_176, %add3A_246 : i32
        %get3A_248 = arith.index_cast %add3A_247 : i32 to index
        %get3A_249 = arith.constant 32 : index
        %get3A_250 = tpu.vector_load %arg7[%get3A_248, %get3A_249] {strides = array<i32>} : memref<100x64xf32, #tpu.memory_space<vmem>>, vector<1x16xf32>,
        %get3A_251 = vector.shape_cast %get3A_250 : vector<1x16xf32> to vector<16xf32>
        %add3A_252 = arith.addf %add3A_224, %get3A_251 : vector<16xf32>
        %add3A_253 = arith.constant 2 : i32
        %add3A_254 = arith.addi %add3A_176, %add3A_253 : i32
        %get3A_255 = arith.index_cast %add3A_254 : i32 to index
        %get3A_256 = arith.constant 48 : index
        %get3A_257 = tpu.vector_load %arg7[%get3A_255, %get3A_256] {strides = array<i32>} : memref<100x64xf32, #tpu.memory_space<vmem>>, vector<1x16xf32>,
        %get3A_258 = vector.shape_cast %get3A_257 : vector<1x16xf32> to vector<16xf32>
        %add3A_259 = arith.addf %add3A_231, %get3A_258 : vector<16xf32>
        %add3A_260 = arith.constant 3 : i32
        %add3A_261 = arith.addi %add3A_176, %add3A_260 : i32
        %get3A_262 = arith.index_cast %add3A_261 : i32 to index
        %get3A_263 = arith.constant 0 : index
        %get3A_264 = tpu.vector_load %arg7[%get3A_262, %get3A_263] {strides = array<i32>} : memref<100x64xf32, #tpu.memory_space<vmem>>, vector<1x16xf32>,
        %get3A_265 = vector.shape_cast %get3A_264 : vector<1x16xf32> to vector<16xf32>
        %add3A_266 = arith.addf %add3A_238, %get3A_265 : vector<16xf32>
        %add3A_267 = arith.constant 3 : i32
        %add3A_268 = arith.addi %add3A_176, %add3A_267 : i32
        %get3A_269 = arith.index_cast %add3A_268 : i32 to index
        %get3A_270 = arith.constant 16 : index
        %get3A_271 = tpu.vector_load %arg7[%get3A_269, %get3A_270] {strides = array<i32>} : memref<100x64xf32, #tpu.memory_space<vmem>>, vector<1x16xf32>,
        %get3A_272 = vector.shape_cast %get3A_271 : vector<1x16xf32> to vector<16xf32>
        %add3A_273 = arith.addf %add3A_245, %get3A_272 : vector<16xf32>
        %add3A_274 = arith.constant 3 : i32
        %add3A_275 = arith.addi %add3A_176, %add3A_274 : i32
        %get3A_276 = arith.index_cast %add3A_275 : i32 to index
        %get3A_277 = arith.constant 32 : index
        %get3A_278 = tpu.vector_load %arg7[%get3A_276, %get3A_277] {strides = array<i32>} : memref<100x64xf32, #tpu.memory_space<vmem>>, vector<1x16xf32>,
        %get3A_279 = vector.shape_cast %get3A_278 : vector<1x16xf32> to vector<16xf32>
        %add3A_280 = arith.addf %add3A_252, %get3A_279 : vector<16xf32>
        %add3A_281 = arith.constant 3 : i32
        %add3A_282 = arith.addi %add3A_176, %add3A_281 : i32
        %get3A_283 = arith.index_cast %add3A_282 : i32 to index
        %get3A_284 = arith.constant 48 : index
        %get3A_285 = tpu.vector_load %arg7[%get3A_283, %get3A_284] {strides = array<i32>} : memref<100x64xf32, #tpu.memory_space<vmem>>, vector<1x16xf32>,
        %get3A_286 = vector.shape_cast %get3A_285 : vector<1x16xf32> to vector<16xf32>
        %add3A_287 = arith.addf %add3A_259, %get3A_286 : vector<16xf32>
        %add3A_288 = arith.constant 4 : i32
        %add3A_289 = arith.addi %add3A_176, %add3A_288 : i32
        %get3A_290 = arith.index_cast %add3A_289 : i32 to index
        %get3A_291 = arith.constant 0 : index
        %get3A_292 = tpu.vector_load %arg7[%get3A_290, %get3A_291] {strides = array<i32>} : memref<100x64xf32, #tpu.memory_space<vmem>>, vector<1x16xf32>,
        %get3A_293 = vector.shape_cast %get3A_292 : vector<1x16xf32> to vector<16xf32>
        %add3A_294 = arith.addf %add3A_266, %get3A_293 : vector<16xf32>
        %add3A_295 = arith.constant 4 : i32
        %add3A_296 = arith.addi %add3A_176, %add3A_295 : i32
        %get3A_297 = arith.index_cast %add3A_296 : i32 to index
        %get3A_298 = arith.constant 16 : index
        %get3A_299 = tpu.vector_load %arg7[%get3A_297, %get3A_298] {strides = array<i32>} : memref<100x64xf32, #tpu.memory_space<vmem>>, vector<1x16xf32>,
        %get3A_300 = vector.shape_cast %get3A_299 : vector<1x16xf32> to vector<16xf32>
        %add3A_301 = arith.addf %add3A_273, %get3A_300 : vector<16xf32>
        %add3A_302 = arith.constant 4 : i32
        %add3A_303 = arith.addi %add3A_176, %add3A_302 : i32
        %get3A_304 = arith.index_cast %add3A_303 : i32 to index
        %get3A_305 = arith.constant 32 : index
        %get3A_306 = tpu.vector_load %arg7[%get3A_304, %get3A_305] {strides = array<i32>} : memref<100x64xf32, #tpu.memory_space<vmem>>, vector<1x16xf32>,
        %get3A_307 = vector.shape_cast %get3A_306 : vector<1x16xf32> to vector<16xf32>
        %add3A_308 = arith.addf %add3A_280, %get3A_307 : vector<16xf32>
        %add3A_309 = arith.constant 4 : i32
        %add3A_310 = arith.addi %add3A_176, %add3A_309 : i32
        %get3A_311 = arith.index_cast %add3A_310 : i32 to index
        %get3A_312 = arith.constant 48 : index
        %get3A_313 = tpu.vector_load %arg7[%get3A_311, %get3A_312] {strides = array<i32>} : memref<100x64xf32, #tpu.memory_space<vmem>>, vector<1x16xf32>,
        %get3A_314 = vector.shape_cast %get3A_313 : vector<1x16xf32> to vector<16xf32>
        %add3A_315 = arith.addf %add3A_287, %get3A_314 : vector<16xf32>
        scf.yield %add3A_294, %add3A_301, %add3A_308, %add3A_315 : vector<16xf32>, vector<16xf32>, vector<16xf32>, vector<16xf32>
      }
      %scan3A_115 = arith.constant 10 : i32
      %swap3A_116 = arith.index_cast %add3A_107 : i32 to index
      %swap3A_117 = arith.constant 0 : index
      %swap3A_118 = tpu.vector_load %arg8[%swap3A_116, %swap3A_117] {strides = array<i32>} : memref<128x64xf32, #tpu.memory_space<vmem>>, vector<1x16xf32>,
      %swap3A_119 = vector.shape_cast %swap3A_118 : vector<1x16xf32> to vector<16xf32>
      %swap3A_120 = vector.shape_cast %scan3A_114#0 : vector<16xf32> to vector<1x16xf32>
      tpu.vector_store %arg8[%swap3A_116, %swap3A_117], %swap3A_120 {strides = array<i32>} : memref<128x64xf32, #tpu.memory_space<vmem>>, vector<1x16xf32>,
      %swap3A_121 = arith.index_cast %add3A_107 : i32 to index
      %swap3A_122 = arith.constant 16 : index
      %swap3A_123 = tpu.vector_load %arg8[%swap3A_121, %swap3A_122] {strides = array<i32>} : memref<128x64xf32, #tpu.memory_space<vmem>>, vector<1x16xf32>,
      %swap3A_124 = vector.shape_cast %swap3A_123 : vector<1x16xf32> to vector<16xf32>
      %swap3A_125 = vector.shape_cast %scan3A_114#1 : vector<16xf32> to vector<1x16xf32>
      tpu.vector_store %arg8[%swap3A_121, %swap3A_122], %swap3A_125 {strides = array<i32>} : memref<128x64xf32, #tpu.memory_space<vmem>>, vector<1x16xf32>,
      %swap3A_126 = arith.index_cast %add3A_107 : i32 to index
      %swap3A_127 = arith.constant 32 : index
      %swap3A_128 = tpu.vector_load %arg8[%swap3A_126, %swap3A_127] {strides = array<i32>} : memref<128x64xf32, #tpu.memory_space<vmem>>, vector<1x16xf32>,
      %swap3A_129 = vector.shape_cast %swap3A_128 : vector<1x16xf32> to vector<16xf32>
      %swap3A_130 = vector.shape_cast %scan3A_114#2 : vector<16xf32> to vector<1x16xf32>
      tpu.vector_store %arg8[%swap3A_126, %swap3A_127], %swap3A_130 {strides = array<i32>} : memref<128x64xf32, #tpu.memory_space<vmem>>, vector<1x16xf32>,
      %swap3A_131 = arith.index_cast %add3A_107 : i32 to index
      %swap3A_132 = arith.constant 48 : index
      %swap3A_133 = tpu.vector_load %arg8[%swap3A_131, %swap3A_132] {strides = array<i32>} : memref<128x64xf32, #tpu.memory_space<vmem>>, vector<1x16xf32>,
      %swap3A_134 = vector.shape_cast %swap3A_133 : vector<1x16xf32> to vector<16xf32>
      %swap3A_135 = vector.shape_cast %scan3A_114#3 : vector<16xf32> to vector<1x16xf32>
      tpu.vector_store %arg8[%swap3A_131, %swap3A_132], %swap3A_135 {strides = array<i32>} : memref<128x64xf32, #tpu.memory_space<vmem>>, vector<1x16xf32>,
      %mul3A_136 = arith.constant 2 : i32
      %mul3A_137 = arith.muli %mul3A_136, %add3A_103 : i32
      %add3A_138 = arith.constant 1 : i32
      %add3A_139 = arith.addi %mul3A_137, %add3A_138 : i32
      %broadcast_in_dim3A_140 = arith.constant 0.000000e+00 : f32
      %broadcast_in_dim3A_141 = vector.broadcast %broadcast_in_dim3A_140 : f32 to vector<16xf32>
      %scan3A_142 = arith.constant 0 : i32
      %scan3A_143 = arith.constant 10 : i32
      %scan3A_144 = arith.addi %scan3A_142, %scan3A_143 : i32
      %scan3A_145 = arith.constant 1 : i32
      %scan3A_146:4 = scf.for %scan3A_168 = %scan3A_142 to %scan3A_144 step %scan3A_145 iter_args(%scan3A_169 = %broadcast_in_dim3A_141, %scan3A_170 = %broadcast_in_dim3A_141, %scan3A_171 = %broadcast_in_dim3A_141, %scan3A_172 = %broadcast_in_dim3A_141) -> (vector<16xf32>, vector<16xf32>, vector<16xf32>, vector<16xf32>)  : i32 {
        %mul3A_173 = arith.constant 5 : i32
        %mul3A_174 = arith.muli %scan3A_168, %mul3A_173 : i32
        %add3A_175 = arith.constant 50 : i32
        %add3A_176 = arith.addi %add3A_175, %mul3A_174 : i32
        %add3A_177 = arith.constant 0 : i32
        %add3A_178 = arith.addi %add3A_176, %add3A_177 : i32
        %get3A = arith.index_cast %add3A_178 : i32 to index
        %get3A_179 = arith.constant 0 : index
        %get3A_180 = tpu.vector_load %arg7[%get3A, %get3A_179] {strides = array<i32>} : memref<100x64xf32, #tpu.memory_space<vmem>>, vector<1x16xf32>,
        %get3A_181 = vector.shape_cast %get3A_180 : vector<1x16xf32> to vector<16xf32>
        %add3A_182 = arith.addf %scan3A_169, %get3A_181 : vector<16xf32>
        %add3A_183 = arith.constant 0 : i32
        %add3A_184 = arith.addi %add3A_176, %add3A_183 : i32
        %get3A_185 = arith.index_cast %add3A_184 : i32 to index
        %get3A_186 = arith.constant 16 : index
        %get3A_187 = tpu.vector_load %arg7[%get3A_185, %get3A_186] {strides = array<i32>} : memref<100x64xf32, #tpu.memory_space<vmem>>, vector<1x16xf32>,
        %get3A_188 = vector.shape_cast %get3A_187 : vector<1x16xf32> to vector<16xf32>
        %add3A_189 = arith.addf %scan3A_170, %get3A_188 : vector<16xf32>
        %add3A_190 = arith.constant 0 : i32
        %add3A_191 = arith.addi %add3A_176, %add3A_190 : i32
        %get3A_192 = arith.index_cast %add3A_191 : i32 to index
        %get3A_193 = arith.constant 32 : index
        %get3A_194 = tpu.vector_load %arg7[%get3A_192, %get3A_193] {strides = array<i32>} : memref<100x64xf32, #tpu.memory_space<vmem>>, vector<1x16xf32>,
        %get3A_195 = vector.shape_cast %get3A_194 : vector<1x16xf32> to vector<16xf32>
        %add3A_196 = arith.addf %scan3A_171, %get3A_195 : vector<16xf32>
        %add3A_197 = arith.constant 0 : i32
        %add3A_198 = arith.addi %add3A_176, %add3A_197 : i32
        %get3A_199 = arith.index_cast %add3A_198 : i32 to index
        %get3A_200 = arith.constant 48 : index
        %get3A_201 = tpu.vector_load %arg7[%get3A_199, %get3A_200] {strides = array<i32>} : memref<100x64xf32, #tpu.memory_space<vmem>>, vector<1x16xf32>,
        %get3A_202 = vector.shape_cast %get3A_201 : vector<1x16xf32> to vector<16xf32>
        %add3A_203 = arith.addf %scan3A_172, %get3A_202 : vector<16xf32>
        %add3A_204 = arith.constant 1 : i32
        %add3A_205 = arith.addi %add3A_176, %add3A_204 : i32
        %get3A_206 = arith.index_cast %add3A_205 : i32 to index
        %get3A_207 = arith.constant 0 : index
        %get3A_208 = tpu.vector_load %arg7[%get3A_206, %get3A_207] {strides = array<i32>} : memref<100x64xf32, #tpu.memory_space<vmem>>, vector<1x16xf32>,
        %get3A_209 = vector.shape_cast %get3A_208 : vector<1x16xf32> to vector<16xf32>
        %add3A_210 = arith.addf %add3A_182, %get3A_209 : vector<16xf32>
        %add3A_211 = arith.constant 1 : i32
        %add3A_212 = arith.addi %add3A_176, %add3A_211 : i32
        %get3A_213 = arith.index_cast %add3A_212 : i32 to index
        %get3A_214 = arith.constant 16 : index
        %get3A_215 = tpu.vector_load %arg7[%get3A_213, %get3A_214] {strides = array<i32>} : memref<100x64xf32, #tpu.memory_space<vmem>>, vector<1x16xf32>,
        %get3A_216 = vector.shape_cast %get3A_215 : vector<1x16xf32> to vector<16xf32>
        %add3A_217 = arith.addf %add3A_189, %get3A_216 : vector<16xf32>
        %add3A_218 = arith.constant 1 : i32
        %add3A_219 = arith.addi %add3A_176, %add3A_218 : i32
        %get3A_220 = arith.index_cast %add3A_219 : i32 to index
        %get3A_221 = arith.constant 32 : index
        %get3A_222 = tpu.vector_load %arg7[%get3A_220, %get3A_221] {strides = array<i32>} : memref<100x64xf32, #tpu.memory_space<vmem>>, vector<1x16xf32>,
        %get3A_223 = vector.shape_cast %get3A_222 : vector<1x16xf32> to vector<16xf32>
        %add3A_224 = arith.addf %add3A_196, %get3A_223 : vector<16xf32>
        %add3A_225 = arith.constant 1 : i32
        %add3A_226 = arith.addi %add3A_176, %add3A_225 : i32
        %get3A_227 = arith.index_cast %add3A_226 : i32 to index
        %get3A_228 = arith.constant 48 : index
        %get3A_229 = tpu.vector_load %arg7[%get3A_227, %get3A_228] {strides = array<i32>} : memref<100x64xf32, #tpu.memory_space<vmem>>, vector<1x16xf32>,
        %get3A_230 = vector.shape_cast %get3A_229 : vector<1x16xf32> to vector<16xf32>
        %add3A_231 = arith.addf %add3A_203, %get3A_230 : vector<16xf32>
        %add3A_232 = arith.constant 2 : i32
        %add3A_233 = arith.addi %add3A_176, %add3A_232 : i32
        %get3A_234 = arith.index_cast %add3A_233 : i32 to index
        %get3A_235 = arith.constant 0 : index
        %get3A_236 = tpu.vector_load %arg7[%get3A_234, %get3A_235] {strides = array<i32>} : memref<100x64xf32, #tpu.memory_space<vmem>>, vector<1x16xf32>,
        %get3A_237 = vector.shape_cast %get3A_236 : vector<1x16xf32> to vector<16xf32>
        %add3A_238 = arith.addf %add3A_210, %get3A_237 : vector<16xf32>
        %add3A_239 = arith.constant 2 : i32
        %add3A_240 = arith.addi %add3A_176, %add3A_239 : i32
        %get3A_241 = arith.index_cast %add3A_240 : i32 to index
        %get3A_242 = arith.constant 16 : index
        %get3A_243 = tpu.vector_load %arg7[%get3A_241, %get3A_242] {strides = array<i32>} : memref<100x64xf32, #tpu.memory_space<vmem>>, vector<1x16xf32>,
        %get3A_244 = vector.shape_cast %get3A_243 : vector<1x16xf32> to vector<16xf32>
        %add3A_245 = arith.addf %add3A_217, %get3A_244 : vector<16xf32>
        %add3A_246 = arith.constant 2 : i32
        %add3A_247 = arith.addi %add3A_176, %add3A_246 : i32
        %get3A_248 = arith.index_cast %add3A_247 : i32 to index
        %get3A_249 = arith.constant 32 : index
        %get3A_250 = tpu.vector_load %arg7[%get3A_248, %get3A_249] {strides = array<i32>} : memref<100x64xf32, #tpu.memory_space<vmem>>, vector<1x16xf32>,
        %get3A_251 = vector.shape_cast %get3A_250 : vector<1x16xf32> to vector<16xf32>
        %add3A_252 = arith.addf %add3A_224, %get3A_251 : vector<16xf32>
        %add3A_253 = arith.constant 2 : i32
        %add3A_254 = arith.addi %add3A_176, %add3A_253 : i32
        %get3A_255 = arith.index_cast %add3A_254 : i32 to index
        %get3A_256 = arith.constant 48 : index
        %get3A_257 = tpu.vector_load %arg7[%get3A_255, %get3A_256] {strides = array<i32>} : memref<100x64xf32, #tpu.memory_space<vmem>>, vector<1x16xf32>,
        %get3A_258 = vector.shape_cast %get3A_257 : vector<1x16xf32> to vector<16xf32>
        %add3A_259 = arith.addf %add3A_231, %get3A_258 : vector<16xf32>
        %add3A_260 = arith.constant 3 : i32
        %add3A_261 = arith.addi %add3A_176, %add3A_260 : i32
        %get3A_262 = arith.index_cast %add3A_261 : i32 to index
        %get3A_263 = arith.constant 0 : index
        %get3A_264 = tpu.vector_load %arg7[%get3A_262, %get3A_263] {strides = array<i32>} : memref<100x64xf32, #tpu.memory_space<vmem>>, vector<1x16xf32>,
        %get3A_265 = vector.shape_cast %get3A_264 : vector<1x16xf32> to vector<16xf32>
        %add3A_266 = arith.addf %add3A_238, %get3A_265 : vector<16xf32>
        %add3A_267 = arith.constant 3 : i32
        %add3A_268 = arith.addi %add3A_176, %add3A_267 : i32
        %get3A_269 = arith.index_cast %add3A_268 : i32 to index
        %get3A_270 = arith.constant 16 : index
        %get3A_271 = tpu.vector_load %arg7[%get3A_269, %get3A_270] {strides = array<i32>} : memref<100x64xf32, #tpu.memory_space<vmem>>, vector<1x16xf32>,
        %get3A_272 = vector.shape_cast %get3A_271 : vector<1x16xf32> to vector<16xf32>
        %add3A_273 = arith.addf %add3A_245, %get3A_272 : vector<16xf32>
        %add3A_274 = arith.constant 3 : i32
        %add3A_275 = arith.addi %add3A_176, %add3A_274 : i32
        %get3A_276 = arith.index_cast %add3A_275 : i32 to index
        %get3A_277 = arith.constant 32 : index
        %get3A_278 = tpu.vector_load %arg7[%get3A_276, %get3A_277] {strides = array<i32>} : memref<100x64xf32, #tpu.memory_space<vmem>>, vector<1x16xf32>,
        %get3A_279 = vector.shape_cast %get3A_278 : vector<1x16xf32> to vector<16xf32>
        %add3A_280 = arith.addf %add3A_252, %get3A_279 : vector<16xf32>
        %add3A_281 = arith.constant 3 : i32
        %add3A_282 = arith.addi %add3A_176, %add3A_281 : i32
        %get3A_283 = arith.index_cast %add3A_282 : i32 to index
        %get3A_284 = arith.constant 48 : index
        %get3A_285 = tpu.vector_load %arg7[%get3A_283, %get3A_284] {strides = array<i32>} : memref<100x64xf32, #tpu.memory_space<vmem>>, vector<1x16xf32>,
        %get3A_286 = vector.shape_cast %get3A_285 : vector<1x16xf32> to vector<16xf32>
        %add3A_287 = arith.addf %add3A_259, %get3A_286 : vector<16xf32>
        %add3A_288 = arith.constant 4 : i32
        %add3A_289 = arith.addi %add3A_176, %add3A_288 : i32
        %get3A_290 = arith.index_cast %add3A_289 : i32 to index
        %get3A_291 = arith.constant 0 : index
        %get3A_292 = tpu.vector_load %arg7[%get3A_290, %get3A_291] {strides = array<i32>} : memref<100x64xf32, #tpu.memory_space<vmem>>, vector<1x16xf32>,
        %get3A_293 = vector.shape_cast %get3A_292 : vector<1x16xf32> to vector<16xf32>
        %add3A_294 = arith.addf %add3A_266, %get3A_293 : vector<16xf32>
        %add3A_295 = arith.constant 4 : i32
        %add3A_296 = arith.addi %add3A_176, %add3A_295 : i32
        %get3A_297 = arith.index_cast %add3A_296 : i32 to index
        %get3A_298 = arith.constant 16 : index
        %get3A_299 = tpu.vector_load %arg7[%get3A_297, %get3A_298] {strides = array<i32>} : memref<100x64xf32, #tpu.memory_space<vmem>>, vector<1x16xf32>,
        %get3A_300 = vector.shape_cast %get3A_299 : vector<1x16xf32> to vector<16xf32>
        %add3A_301 = arith.addf %add3A_273, %get3A_300 : vector<16xf32>
        %add3A_302 = arith.constant 4 : i32
        %add3A_303 = arith.addi %add3A_176, %add3A_302 : i32
        %get3A_304 = arith.index_cast %add3A_303 : i32 to index
        %get3A_305 = arith.constant 32 : index
        %get3A_306 = tpu.vector_load %arg7[%get3A_304, %get3A_305] {strides = array<i32>} : memref<100x64xf32, #tpu.memory_space<vmem>>, vector<1x16xf32>,
        %get3A_307 = vector.shape_cast %get3A_306 : vector<1x16xf32> to vector<16xf32>
        %add3A_308 = arith.addf %add3A_280, %get3A_307 : vector<16xf32>
        %add3A_309 = arith.constant 4 : i32
        %add3A_310 = arith.addi %add3A_176, %add3A_309 : i32
        %get3A_311 = arith.index_cast %add3A_310 : i32 to index
        %get3A_312 = arith.constant 48 : index
        %get3A_313 = tpu.vector_load %arg7[%get3A_311, %get3A_312] {strides = array<i32>} : memref<100x64xf32, #tpu.memory_space<vmem>>, vector<1x16xf32>,
        %get3A_314 = vector.shape_cast %get3A_313 : vector<1x16xf32> to vector<16xf32>
        %add3A_315 = arith.addf %add3A_287, %get3A_314 : vector<16xf32>
        scf.yield %add3A_294, %add3A_301, %add3A_308, %add3A_315 : vector<16xf32>, vector<16xf32>, vector<16xf32>, vector<16xf32>
      }
      %scan3A_147 = arith.constant 10 : i32
      %swap3A_148 = arith.index_cast %add3A_139 : i32 to index
      %swap3A_149 = arith.constant 0 : index
      %swap3A_150 = tpu.vector_load %arg8[%swap3A_148, %swap3A_149] {strides = array<i32>} : memref<128x64xf32, #tpu.memory_space<vmem>>, vector<1x16xf32>,
      %swap3A_151 = vector.shape_cast %swap3A_150 : vector<1x16xf32> to vector<16xf32>
      %swap3A_152 = vector.shape_cast %scan3A_146#0 : vector<16xf32> to vector<1x16xf32>
      tpu.vector_store %arg8[%swap3A_148, %swap3A_149], %swap3A_152 {strides = array<i32>} : memref<128x64xf32, #tpu.memory_space<vmem>>, vector<1x16xf32>,
      %swap3A_153 = arith.index_cast %add3A_139 : i32 to index
      %swap3A_154 = arith.constant 16 : index
      %swap3A_155 = tpu.vector_load %arg8[%swap3A_153, %swap3A_154] {strides = array<i32>} : memref<128x64xf32, #tpu.memory_space<vmem>>, vector<1x16xf32>,
      %swap3A_156 = vector.shape_cast %swap3A_155 : vector<1x16xf32> to vector<16xf32>
      %swap3A_157 = vector.shape_cast %scan3A_146#1 : vector<16xf32> to vector<1x16xf32>
      tpu.vector_store %arg8[%swap3A_153, %swap3A_154], %swap3A_157 {strides = array<i32>} : memref<128x64xf32, #tpu.memory_space<vmem>>, vector<1x16xf32>,
      %swap3A_158 = arith.index_cast %add3A_139 : i32 to index
      %swap3A_159 = arith.constant 32 : index
      %swap3A_160 = tpu.vector_load %arg8[%swap3A_158, %swap3A_159] {strides = array<i32>} : memref<128x64xf32, #tpu.memory_space<vmem>>, vector<1x16xf32>,
      %swap3A_161 = vector.shape_cast %swap3A_160 : vector<1x16xf32> to vector<16xf32>
      %swap3A_162 = vector.shape_cast %scan3A_146#2 : vector<16xf32> to vector<1x16xf32>
      tpu.vector_store %arg8[%swap3A_158, %swap3A_159], %swap3A_162 {strides = array<i32>} : memref<128x64xf32, #tpu.memory_space<vmem>>, vector<1x16xf32>,
      %swap3A_163 = arith.index_cast %add3A_139 : i32 to index
      %swap3A_164 = arith.constant 48 : index
      %swap3A_165 = tpu.vector_load %arg8[%swap3A_163, %swap3A_164] {strides = array<i32>} : memref<128x64xf32, #tpu.memory_space<vmem>>, vector<1x16xf32>,
      %swap3A_166 = vector.shape_cast %swap3A_165 : vector<1x16xf32> to vector<16xf32>
      %swap3A_167 = vector.shape_cast %scan3A_146#3 : vector<16xf32> to vector<1x16xf32>
      tpu.vector_store %arg8[%swap3A_163, %swap3A_164], %swap3A_167 {strides = array<i32>} : memref<128x64xf32, #tpu.memory_space<vmem>>, vector<1x16xf32>,
    }
    %scan3A_11 = arith.constant 32 : i32
    %mul3A_12 = arith.constant 128 : i32
    %mul3A_13 = arith.muli %add3A, %mul3A_12 : i32
    "tpu.region"() ({
      %run_scoped3A = tpu.sem_alloc : memref<!tpu.dma_semaphore, #tpu.memory_space<semaphore_mem>>
      %dma_start3A_14 = arith.constant 0 : i32
      %dma_start3A_15 = tpu.memref_slice %arg4[%mul3A_13, %dma_start3A_14] : memref<4096x64xf32, #tpu.memory_space<hbm>> -> memref<128x64xf32, #tpu.memory_space<hbm>>
      %dma_start3A_16 = arith.constant 0 : i32
      %dma_start3A_17 = tpu.memref_slice %arg4[%mul3A_13, %dma_start3A_16] : memref<4096x64xf32, #tpu.memory_space<hbm>> -> memref<128x64xf32, #tpu.memory_space<hbm>>
      tpu.enqueue_dma source(%arg8 : memref<128x64xf32, #tpu.memory_space<vmem>>) target(%dma_start3A_17 : memref<128x64xf32, #tpu.memory_space<hbm>>) target_semaphore(%run_scoped3A : memref<!tpu.dma_semaphore, #tpu.memory_space<semaphore_mem>>)
      %dma_wait3A = arith.constant 0 : i32
      %dma_wait3A_18 = tpu.memref_slice %arg4[%mul3A_13, %dma_wait3A] : memref<4096x64xf32, #tpu.memory_space<hbm>> -> memref<128x64xf32, #tpu.memory_space<hbm>>
      %dma_wait3A_19 = arith.constant 0 : i32
      %dma_wait3A_20 = tpu.memref_slice %arg4[%mul3A_13, %dma_wait3A_19] : memref<4096x64xf32, #tpu.memory_space<hbm>> -> memref<128x64xf32, #tpu.memory_space<hbm>>
      tpu.wait_dma2 semaphore(%run_scoped3A : memref<!tpu.dma_semaphore, #tpu.memory_space<semaphore_mem>>) src(%arg8 : memref<128x64xf32, #tpu.memory_space<vmem>>) dst(%dma_wait3A_20 : memref<128x64xf32, #tpu.memory_space<hbm>>)
      tpu.yield
    }) : () -> ()
    return
  }
}

#map = affine_map<(d0, d1) -> (0, 0, 0)>
#map1 = affine_map<(d0, d1) -> (0, 0)>
module attributes {stable_mosaic.version = 14 : i64} {
  func.func @_pool_one_table(%arg0: i32, %arg1: i32, %arg2: memref<32x64x100xi32, #tpu.memory_space<hbm>>, %arg3: memref<100000x64xf32, #tpu.memory_space<hbm>>, %arg4: memref<4096x64xf32, #tpu.memory_space<hbm>>, %arg5: memref<64x100xi32, #tpu.memory_space<vmem>>, %arg6: memref<100x64xf32, #tpu.memory_space<vmem>>, %arg7: memref<100x64xf32, #tpu.memory_space<vmem>>, %arg8: memref<128x64xf32, #tpu.memory_space<vmem>>, %arg9: memref<!tpu.dma_semaphore, #tpu.memory_space<semaphore_mem>>, %arg10: memref<!tpu.dma_semaphore, #tpu.memory_space<semaphore_mem>>) attributes {dimension_semantics = [#tpu.dimension_semantics<core_parallel>, #tpu.dimension_semantics<subcore_parallel>], iteration_bounds = array<i64: 2, 16>, scalar_prefetch = 0 : i64, scratch_operands = 6 : i64, tpu.core_type = #tpu.core_type<sc_vector_subcore>, window_params = [{transform_indices = #map}, {transform_indices = #map1}, {transform_indices = #map1}]} {
    %mul3A = arith.constant 2 : i32
    %mul3A_0 = arith.muli %arg1, %mul3A : i32
    %add3A = arith.addi %mul3A_0, %arg0 : i32
    "tpu.region"() ({
      %run_scoped3A = tpu.sem_alloc : memref<!tpu.dma_semaphore, #tpu.memory_space<semaphore_mem>>
      %dma_start3A_14 = arith.constant 0 : i32
      %dma_start3A_15 = arith.constant 0 : i32
      %dma_start3A_16 = tpu.memref_slice %arg2[%add3A, %dma_start3A_14, %dma_start3A_15] : memref<32x64x100xi32, #tpu.memory_space<hbm>> -> memref<1x64x100xi32, #tpu.memory_space<hbm>>
      %dma_start3A_17 = tpu.memref_squeeze %dma_start3A_16 : memref<1x64x100xi32, #tpu.memory_space<hbm>> -> memref<64x100xi32, #tpu.memory_space<hbm>>
      %dma_start3A_18 = arith.constant 0 : i32
      %dma_start3A_19 = arith.constant 0 : i32
      %dma_start3A_20 = tpu.memref_slice %arg2[%add3A, %dma_start3A_18, %dma_start3A_19] : memref<32x64x100xi32, #tpu.memory_space<hbm>> -> memref<1x64x100xi32, #tpu.memory_space<hbm>>
      %dma_start3A_21 = tpu.memref_squeeze %dma_start3A_20 : memref<1x64x100xi32, #tpu.memory_space<hbm>> -> memref<64x100xi32, #tpu.memory_space<hbm>>
      tpu.enqueue_dma source(%dma_start3A_21 : memref<64x100xi32, #tpu.memory_space<hbm>>) target(%arg5 : memref<64x100xi32, #tpu.memory_space<vmem>>) target_semaphore(%run_scoped3A : memref<!tpu.dma_semaphore, #tpu.memory_space<semaphore_mem>>)
      %dma_wait3A = arith.constant 0 : i32
      %dma_wait3A_22 = arith.constant 0 : i32
      %dma_wait3A_23 = tpu.memref_slice %arg2[%add3A, %dma_wait3A, %dma_wait3A_22] : memref<32x64x100xi32, #tpu.memory_space<hbm>> -> memref<1x64x100xi32, #tpu.memory_space<hbm>>
      %dma_wait3A_24 = tpu.memref_squeeze %dma_wait3A_23 : memref<1x64x100xi32, #tpu.memory_space<hbm>> -> memref<64x100xi32, #tpu.memory_space<hbm>>
      %dma_wait3A_25 = arith.constant 0 : i32
      %dma_wait3A_26 = arith.constant 0 : i32
      %dma_wait3A_27 = tpu.memref_slice %arg2[%add3A, %dma_wait3A_25, %dma_wait3A_26] : memref<32x64x100xi32, #tpu.memory_space<hbm>> -> memref<1x64x100xi32, #tpu.memory_space<hbm>>
      %dma_wait3A_28 = tpu.memref_squeeze %dma_wait3A_27 : memref<1x64x100xi32, #tpu.memory_space<hbm>> -> memref<64x100xi32, #tpu.memory_space<hbm>>
      tpu.wait_dma2 semaphore(%run_scoped3A : memref<!tpu.dma_semaphore, #tpu.memory_space<semaphore_mem>>) src(%dma_wait3A_28 : memref<64x100xi32, #tpu.memory_space<hbm>>) dst(%arg5 : memref<64x100xi32, #tpu.memory_space<vmem>>)
      tpu.yield
    }) : () -> ()
    %dma_start3A = arith.constant 0 : i32
    %dma_start3A_1 = arith.constant 0 : i32
    %dma_start3A_2 = tpu.memref_slice %arg5[%dma_start3A, %dma_start3A_1] : memref<64x100xi32, #tpu.memory_space<vmem>> -> memref<1x100xi32, #tpu.memory_space<vmem>>
    %dma_start3A_3 = tpu.memref_squeeze %dma_start3A_2 : memref<1x100xi32, #tpu.memory_space<vmem>> -> memref<100xi32, #tpu.memory_space<vmem>>
    %dma_start3A_4 = arith.constant 0 : i32
    %dma_start3A_5 = arith.constant 0 : i32
    %dma_start3A_6 = tpu.memref_slice %arg3[%dma_start3A_4, %dma_start3A_5] : memref<100000x64xf32, #tpu.memory_space<hbm>> -> memref<100000x64xf32, #tpu.memory_space<hbm>>
    tpu.enqueue_indirect_dma source(%dma_start3A_6 : memref<100000x64xf32, #tpu.memory_space<hbm>>) target(%arg6 : memref<100x64xf32, #tpu.memory_space<vmem>>) offsets(%dma_start3A_3 : memref<100xi32, #tpu.memory_space<vmem>>) semaphore(%arg9 : memref<!tpu.dma_semaphore, #tpu.memory_space<semaphore_mem>>)
    %scan3A = arith.constant 0 : i32
    %scan3A_7 = arith.constant 0 : i32
    %scan3A_8 = arith.constant 32 : i32
    %scan3A_9 = arith.addi %scan3A_7, %scan3A_8 : i32
    %scan3A_10 = arith.constant 1 : i32
    scf.for %scan3A_14 = %scan3A_7 to %scan3A_9 step %scan3A_10  : i32 {
      %mul3A_15 = arith.constant 2 : i32
      %mul3A_16 = arith.muli %mul3A_15, %scan3A_14 : i32
      %add3A_17 = arith.constant 1 : i32
      %add3A_18 = arith.addi %mul3A_16, %add3A_17 : i32
      %dma_start3A_19 = arith.constant 0 : i32
      %dma_start3A_20 = tpu.memref_slice %arg5[%add3A_18, %dma_start3A_19] : memref<64x100xi32, #tpu.memory_space<vmem>> -> memref<1x100xi32, #tpu.memory_space<vmem>>
      %dma_start3A_21 = tpu.memref_squeeze %dma_start3A_20 : memref<1x100xi32, #tpu.memory_space<vmem>> -> memref<100xi32, #tpu.memory_space<vmem>>
      %dma_start3A_22 = arith.constant 0 : i32
      %dma_start3A_23 = arith.constant 0 : i32
      %dma_start3A_24 = tpu.memref_slice %arg3[%dma_start3A_22, %dma_start3A_23] : memref<100000x64xf32, #tpu.memory_space<hbm>> -> memref<100000x64xf32, #tpu.memory_space<hbm>>
      tpu.enqueue_indirect_dma source(%dma_start3A_24 : memref<100000x64xf32, #tpu.memory_space<hbm>>) target(%arg7 : memref<100x64xf32, #tpu.memory_space<vmem>>) offsets(%dma_start3A_21 : memref<100xi32, #tpu.memory_space<vmem>>) semaphore(%arg10 : memref<!tpu.dma_semaphore, #tpu.memory_space<semaphore_mem>>)
      %dma_wait3A = arith.constant 0 : i32
      %dma_wait3A_25 = tpu.memref_slice %arg5[%mul3A_16, %dma_wait3A] : memref<64x100xi32, #tpu.memory_space<vmem>> -> memref<1x100xi32, #tpu.memory_space<vmem>>
      %dma_wait3A_26 = tpu.memref_squeeze %dma_wait3A_25 : memref<1x100xi32, #tpu.memory_space<vmem>> -> memref<100xi32, #tpu.memory_space<vmem>>
      %dma_wait3A_27 = arith.constant 0 : i32
      %dma_wait3A_28 = arith.constant 0 : i32
      %dma_wait3A_29 = tpu.memref_slice %arg3[%dma_wait3A_27, %dma_wait3A_28] : memref<100000x64xf32, #tpu.memory_space<hbm>> -> memref<100000x64xf32, #tpu.memory_space<hbm>>
      tpu.wait_indirect_dma semaphore(%arg9 : memref<!tpu.dma_semaphore, #tpu.memory_space<semaphore_mem>>) src(%dma_wait3A_29 : memref<100000x64xf32, #tpu.memory_space<hbm>>) dst(%arg6 : memref<100x64xf32, #tpu.memory_space<vmem>>)
      %mul3A_30 = arith.constant 2 : i32
      %mul3A_31 = arith.muli %mul3A_30, %mul3A_16 : i32
      %add3A_32 = arith.constant 0 : i32
      %add3A_33 = arith.addi %mul3A_31, %add3A_32 : i32
      %broadcast_in_dim3A = arith.constant 0.000000e+00 : f32
      %broadcast_in_dim3A_34 = vector.broadcast %broadcast_in_dim3A : f32 to vector<16xf32>
      %scan3A_35 = arith.constant 0 : i32
      %scan3A_36 = arith.constant 10 : i32
      %scan3A_37 = arith.addi %scan3A_35, %scan3A_36 : i32
      %scan3A_38 = arith.constant 1 : i32
      %scan3A_39:4 = scf.for %scan3A_168 = %scan3A_35 to %scan3A_37 step %scan3A_38 iter_args(%scan3A_169 = %broadcast_in_dim3A_34, %scan3A_170 = %broadcast_in_dim3A_34, %scan3A_171 = %broadcast_in_dim3A_34, %scan3A_172 = %broadcast_in_dim3A_34) -> (vector<16xf32>, vector<16xf32>, vector<16xf32>, vector<16xf32>)  : i32 {
        %mul3A_173 = arith.constant 5 : i32
        %mul3A_174 = arith.muli %scan3A_168, %mul3A_173 : i32
        %add3A_175 = arith.constant 0 : i32
        %add3A_176 = arith.addi %add3A_175, %mul3A_174 : i32
        %add3A_177 = arith.constant 0 : i32
        %add3A_178 = arith.addi %add3A_176, %add3A_177 : i32
        %get3A = arith.index_cast %add3A_178 : i32 to index
        %get3A_179 = arith.constant 0 : index
        %get3A_180 = tpu.vector_load %arg6[%get3A, %get3A_179] {strides = array<i32>} : memref<100x64xf32, #tpu.memory_space<vmem>>, vector<1x16xf32>,
        %get3A_181 = vector.shape_cast %get3A_180 : vector<1x16xf32> to vector<16xf32>
        %add3A_182 = arith.addf %scan3A_169, %get3A_181 : vector<16xf32>
        %add3A_183 = arith.constant 0 : i32
        %add3A_184 = arith.addi %add3A_176, %add3A_183 : i32
        %get3A_185 = arith.index_cast %add3A_184 : i32 to index
        %get3A_186 = arith.constant 16 : index
        %get3A_187 = tpu.vector_load %arg6[%get3A_185, %get3A_186] {strides = array<i32>} : memref<100x64xf32, #tpu.memory_space<vmem>>, vector<1x16xf32>,
        %get3A_188 = vector.shape_cast %get3A_187 : vector<1x16xf32> to vector<16xf32>
        %add3A_189 = arith.addf %scan3A_170, %get3A_188 : vector<16xf32>
        %add3A_190 = arith.constant 0 : i32
        %add3A_191 = arith.addi %add3A_176, %add3A_190 : i32
        %get3A_192 = arith.index_cast %add3A_191 : i32 to index
        %get3A_193 = arith.constant 32 : index
        %get3A_194 = tpu.vector_load %arg6[%get3A_192, %get3A_193] {strides = array<i32>} : memref<100x64xf32, #tpu.memory_space<vmem>>, vector<1x16xf32>,
        %get3A_195 = vector.shape_cast %get3A_194 : vector<1x16xf32> to vector<16xf32>
        %add3A_196 = arith.addf %scan3A_171, %get3A_195 : vector<16xf32>
        %add3A_197 = arith.constant 0 : i32
        %add3A_198 = arith.addi %add3A_176, %add3A_197 : i32
        %get3A_199 = arith.index_cast %add3A_198 : i32 to index
        %get3A_200 = arith.constant 48 : index
        %get3A_201 = tpu.vector_load %arg6[%get3A_199, %get3A_200] {strides = array<i32>} : memref<100x64xf32, #tpu.memory_space<vmem>>, vector<1x16xf32>,
        %get3A_202 = vector.shape_cast %get3A_201 : vector<1x16xf32> to vector<16xf32>
        %add3A_203 = arith.addf %scan3A_172, %get3A_202 : vector<16xf32>
        %add3A_204 = arith.constant 1 : i32
        %add3A_205 = arith.addi %add3A_176, %add3A_204 : i32
        %get3A_206 = arith.index_cast %add3A_205 : i32 to index
        %get3A_207 = arith.constant 0 : index
        %get3A_208 = tpu.vector_load %arg6[%get3A_206, %get3A_207] {strides = array<i32>} : memref<100x64xf32, #tpu.memory_space<vmem>>, vector<1x16xf32>,
        %get3A_209 = vector.shape_cast %get3A_208 : vector<1x16xf32> to vector<16xf32>
        %add3A_210 = arith.addf %add3A_182, %get3A_209 : vector<16xf32>
        %add3A_211 = arith.constant 1 : i32
        %add3A_212 = arith.addi %add3A_176, %add3A_211 : i32
        %get3A_213 = arith.index_cast %add3A_212 : i32 to index
        %get3A_214 = arith.constant 16 : index
        %get3A_215 = tpu.vector_load %arg6[%get3A_213, %get3A_214] {strides = array<i32>} : memref<100x64xf32, #tpu.memory_space<vmem>>, vector<1x16xf32>,
        %get3A_216 = vector.shape_cast %get3A_215 : vector<1x16xf32> to vector<16xf32>
        %add3A_217 = arith.addf %add3A_189, %get3A_216 : vector<16xf32>
        %add3A_218 = arith.constant 1 : i32
        %add3A_219 = arith.addi %add3A_176, %add3A_218 : i32
        %get3A_220 = arith.index_cast %add3A_219 : i32 to index
        %get3A_221 = arith.constant 32 : index
        %get3A_222 = tpu.vector_load %arg6[%get3A_220, %get3A_221] {strides = array<i32>} : memref<100x64xf32, #tpu.memory_space<vmem>>, vector<1x16xf32>,
        %get3A_223 = vector.shape_cast %get3A_222 : vector<1x16xf32> to vector<16xf32>
        %add3A_224 = arith.addf %add3A_196, %get3A_223 : vector<16xf32>
        %add3A_225 = arith.constant 1 : i32
        %add3A_226 = arith.addi %add3A_176, %add3A_225 : i32
        %get3A_227 = arith.index_cast %add3A_226 : i32 to index
        %get3A_228 = arith.constant 48 : index
        %get3A_229 = tpu.vector_load %arg6[%get3A_227, %get3A_228] {strides = array<i32>} : memref<100x64xf32, #tpu.memory_space<vmem>>, vector<1x16xf32>,
        %get3A_230 = vector.shape_cast %get3A_229 : vector<1x16xf32> to vector<16xf32>
        %add3A_231 = arith.addf %add3A_203, %get3A_230 : vector<16xf32>
        %add3A_232 = arith.constant 2 : i32
        %add3A_233 = arith.addi %add3A_176, %add3A_232 : i32
        %get3A_234 = arith.index_cast %add3A_233 : i32 to index
        %get3A_235 = arith.constant 0 : index
        %get3A_236 = tpu.vector_load %arg6[%get3A_234, %get3A_235] {strides = array<i32>} : memref<100x64xf32, #tpu.memory_space<vmem>>, vector<1x16xf32>,
        %get3A_237 = vector.shape_cast %get3A_236 : vector<1x16xf32> to vector<16xf32>
        %add3A_238 = arith.addf %add3A_210, %get3A_237 : vector<16xf32>
        %add3A_239 = arith.constant 2 : i32
        %add3A_240 = arith.addi %add3A_176, %add3A_239 : i32
        %get3A_241 = arith.index_cast %add3A_240 : i32 to index
        %get3A_242 = arith.constant 16 : index
        %get3A_243 = tpu.vector_load %arg6[%get3A_241, %get3A_242] {strides = array<i32>} : memref<100x64xf32, #tpu.memory_space<vmem>>, vector<1x16xf32>,
        %get3A_244 = vector.shape_cast %get3A_243 : vector<1x16xf32> to vector<16xf32>
        %add3A_245 = arith.addf %add3A_217, %get3A_244 : vector<16xf32>
        %add3A_246 = arith.constant 2 : i32
        %add3A_247 = arith.addi %add3A_176, %add3A_246 : i32
        %get3A_248 = arith.index_cast %add3A_247 : i32 to index
        %get3A_249 = arith.constant 32 : index
        %get3A_250 = tpu.vector_load %arg6[%get3A_248, %get3A_249] {strides = array<i32>} : memref<100x64xf32, #tpu.memory_space<vmem>>, vector<1x16xf32>,
        %get3A_251 = vector.shape_cast %get3A_250 : vector<1x16xf32> to vector<16xf32>
        %add3A_252 = arith.addf %add3A_224, %get3A_251 : vector<16xf32>
        %add3A_253 = arith.constant 2 : i32
        %add3A_254 = arith.addi %add3A_176, %add3A_253 : i32
        %get3A_255 = arith.index_cast %add3A_254 : i32 to index
        %get3A_256 = arith.constant 48 : index
        %get3A_257 = tpu.vector_load %arg6[%get3A_255, %get3A_256] {strides = array<i32>} : memref<100x64xf32, #tpu.memory_space<vmem>>, vector<1x16xf32>,
        %get3A_258 = vector.shape_cast %get3A_257 : vector<1x16xf32> to vector<16xf32>
        %add3A_259 = arith.addf %add3A_231, %get3A_258 : vector<16xf32>
        %add3A_260 = arith.constant 3 : i32
        %add3A_261 = arith.addi %add3A_176, %add3A_260 : i32
        %get3A_262 = arith.index_cast %add3A_261 : i32 to index
        %get3A_263 = arith.constant 0 : index
        %get3A_264 = tpu.vector_load %arg6[%get3A_262, %get3A_263] {strides = array<i32>} : memref<100x64xf32, #tpu.memory_space<vmem>>, vector<1x16xf32>,
        %get3A_265 = vector.shape_cast %get3A_264 : vector<1x16xf32> to vector<16xf32>
        %add3A_266 = arith.addf %add3A_238, %get3A_265 : vector<16xf32>
        %add3A_267 = arith.constant 3 : i32
        %add3A_268 = arith.addi %add3A_176, %add3A_267 : i32
        %get3A_269 = arith.index_cast %add3A_268 : i32 to index
        %get3A_270 = arith.constant 16 : index
        %get3A_271 = tpu.vector_load %arg6[%get3A_269, %get3A_270] {strides = array<i32>} : memref<100x64xf32, #tpu.memory_space<vmem>>, vector<1x16xf32>,
        %get3A_272 = vector.shape_cast %get3A_271 : vector<1x16xf32> to vector<16xf32>
        %add3A_273 = arith.addf %add3A_245, %get3A_272 : vector<16xf32>
        %add3A_274 = arith.constant 3 : i32
        %add3A_275 = arith.addi %add3A_176, %add3A_274 : i32
        %get3A_276 = arith.index_cast %add3A_275 : i32 to index
        %get3A_277 = arith.constant 32 : index
        %get3A_278 = tpu.vector_load %arg6[%get3A_276, %get3A_277] {strides = array<i32>} : memref<100x64xf32, #tpu.memory_space<vmem>>, vector<1x16xf32>,
        %get3A_279 = vector.shape_cast %get3A_278 : vector<1x16xf32> to vector<16xf32>
        %add3A_280 = arith.addf %add3A_252, %get3A_279 : vector<16xf32>
        %add3A_281 = arith.constant 3 : i32
        %add3A_282 = arith.addi %add3A_176, %add3A_281 : i32
        %get3A_283 = arith.index_cast %add3A_282 : i32 to index
        %get3A_284 = arith.constant 48 : index
        %get3A_285 = tpu.vector_load %arg6[%get3A_283, %get3A_284] {strides = array<i32>} : memref<100x64xf32, #tpu.memory_space<vmem>>, vector<1x16xf32>,
        %get3A_286 = vector.shape_cast %get3A_285 : vector<1x16xf32> to vector<16xf32>
        %add3A_287 = arith.addf %add3A_259, %get3A_286 : vector<16xf32>
        %add3A_288 = arith.constant 4 : i32
        %add3A_289 = arith.addi %add3A_176, %add3A_288 : i32
        %get3A_290 = arith.index_cast %add3A_289 : i32 to index
        %get3A_291 = arith.constant 0 : index
        %get3A_292 = tpu.vector_load %arg6[%get3A_290, %get3A_291] {strides = array<i32>} : memref<100x64xf32, #tpu.memory_space<vmem>>, vector<1x16xf32>,
        %get3A_293 = vector.shape_cast %get3A_292 : vector<1x16xf32> to vector<16xf32>
        %add3A_294 = arith.addf %add3A_266, %get3A_293 : vector<16xf32>
        %add3A_295 = arith.constant 4 : i32
        %add3A_296 = arith.addi %add3A_176, %add3A_295 : i32
        %get3A_297 = arith.index_cast %add3A_296 : i32 to index
        %get3A_298 = arith.constant 16 : index
        %get3A_299 = tpu.vector_load %arg6[%get3A_297, %get3A_298] {strides = array<i32>} : memref<100x64xf32, #tpu.memory_space<vmem>>, vector<1x16xf32>,
        %get3A_300 = vector.shape_cast %get3A_299 : vector<1x16xf32> to vector<16xf32>
        %add3A_301 = arith.addf %add3A_273, %get3A_300 : vector<16xf32>
        %add3A_302 = arith.constant 4 : i32
        %add3A_303 = arith.addi %add3A_176, %add3A_302 : i32
        %get3A_304 = arith.index_cast %add3A_303 : i32 to index
        %get3A_305 = arith.constant 32 : index
        %get3A_306 = tpu.vector_load %arg6[%get3A_304, %get3A_305] {strides = array<i32>} : memref<100x64xf32, #tpu.memory_space<vmem>>, vector<1x16xf32>,
        %get3A_307 = vector.shape_cast %get3A_306 : vector<1x16xf32> to vector<16xf32>
        %add3A_308 = arith.addf %add3A_280, %get3A_307 : vector<16xf32>
        %add3A_309 = arith.constant 4 : i32
        %add3A_310 = arith.addi %add3A_176, %add3A_309 : i32
        %get3A_311 = arith.index_cast %add3A_310 : i32 to index
        %get3A_312 = arith.constant 48 : index
        %get3A_313 = tpu.vector_load %arg6[%get3A_311, %get3A_312] {strides = array<i32>} : memref<100x64xf32, #tpu.memory_space<vmem>>, vector<1x16xf32>,
        %get3A_314 = vector.shape_cast %get3A_313 : vector<1x16xf32> to vector<16xf32>
        %add3A_315 = arith.addf %add3A_287, %get3A_314 : vector<16xf32>
        scf.yield %add3A_294, %add3A_301, %add3A_308, %add3A_315 : vector<16xf32>, vector<16xf32>, vector<16xf32>, vector<16xf32>
      }
      %scan3A_40 = arith.constant 10 : i32
      %swap3A = arith.index_cast %add3A_33 : i32 to index
      %swap3A_41 = arith.constant 0 : index
      %swap3A_42 = tpu.vector_load %arg8[%swap3A, %swap3A_41] {strides = array<i32>} : memref<128x64xf32, #tpu.memory_space<vmem>>, vector<1x16xf32>,
      %swap3A_43 = vector.shape_cast %swap3A_42 : vector<1x16xf32> to vector<16xf32>
      %swap3A_44 = vector.shape_cast %scan3A_39#0 : vector<16xf32> to vector<1x16xf32>
      tpu.vector_store %arg8[%swap3A, %swap3A_41], %swap3A_44 {strides = array<i32>} : memref<128x64xf32, #tpu.memory_space<vmem>>, vector<1x16xf32>,
      %swap3A_45 = arith.index_cast %add3A_33 : i32 to index
      %swap3A_46 = arith.constant 16 : index
      %swap3A_47 = tpu.vector_load %arg8[%swap3A_45, %swap3A_46] {strides = array<i32>} : memref<128x64xf32, #tpu.memory_space<vmem>>, vector<1x16xf32>,
      %swap3A_48 = vector.shape_cast %swap3A_47 : vector<1x16xf32> to vector<16xf32>
      %swap3A_49 = vector.shape_cast %scan3A_39#1 : vector<16xf32> to vector<1x16xf32>
      tpu.vector_store %arg8[%swap3A_45, %swap3A_46], %swap3A_49 {strides = array<i32>} : memref<128x64xf32, #tpu.memory_space<vmem>>, vector<1x16xf32>,
      %swap3A_50 = arith.index_cast %add3A_33 : i32 to index
      %swap3A_51 = arith.constant 32 : index
      %swap3A_52 = tpu.vector_load %arg8[%swap3A_50, %swap3A_51] {strides = array<i32>} : memref<128x64xf32, #tpu.memory_space<vmem>>, vector<1x16xf32>,
      %swap3A_53 = vector.shape_cast %swap3A_52 : vector<1x16xf32> to vector<16xf32>
      %swap3A_54 = vector.shape_cast %scan3A_39#2 : vector<16xf32> to vector<1x16xf32>
      tpu.vector_store %arg8[%swap3A_50, %swap3A_51], %swap3A_54 {strides = array<i32>} : memref<128x64xf32, #tpu.memory_space<vmem>>, vector<1x16xf32>,
      %swap3A_55 = arith.index_cast %add3A_33 : i32 to index
      %swap3A_56 = arith.constant 48 : index
      %swap3A_57 = tpu.vector_load %arg8[%swap3A_55, %swap3A_56] {strides = array<i32>} : memref<128x64xf32, #tpu.memory_space<vmem>>, vector<1x16xf32>,
      %swap3A_58 = vector.shape_cast %swap3A_57 : vector<1x16xf32> to vector<16xf32>
      %swap3A_59 = vector.shape_cast %scan3A_39#3 : vector<16xf32> to vector<1x16xf32>
      tpu.vector_store %arg8[%swap3A_55, %swap3A_56], %swap3A_59 {strides = array<i32>} : memref<128x64xf32, #tpu.memory_space<vmem>>, vector<1x16xf32>,
      %mul3A_60 = arith.constant 2 : i32
      %mul3A_61 = arith.muli %mul3A_60, %mul3A_16 : i32
      %add3A_62 = arith.constant 1 : i32
      %add3A_63 = arith.addi %mul3A_61, %add3A_62 : i32
      %broadcast_in_dim3A_64 = arith.constant 0.000000e+00 : f32
      %broadcast_in_dim3A_65 = vector.broadcast %broadcast_in_dim3A_64 : f32 to vector<16xf32>
      %scan3A_66 = arith.constant 0 : i32
      %scan3A_67 = arith.constant 10 : i32
      %scan3A_68 = arith.addi %scan3A_66, %scan3A_67 : i32
      %scan3A_69 = arith.constant 1 : i32
      %scan3A_70:4 = scf.for %scan3A_168 = %scan3A_66 to %scan3A_68 step %scan3A_69 iter_args(%scan3A_169 = %broadcast_in_dim3A_65, %scan3A_170 = %broadcast_in_dim3A_65, %scan3A_171 = %broadcast_in_dim3A_65, %scan3A_172 = %broadcast_in_dim3A_65) -> (vector<16xf32>, vector<16xf32>, vector<16xf32>, vector<16xf32>)  : i32 {
        %mul3A_173 = arith.constant 5 : i32
        %mul3A_174 = arith.muli %scan3A_168, %mul3A_173 : i32
        %add3A_175 = arith.constant 50 : i32
        %add3A_176 = arith.addi %add3A_175, %mul3A_174 : i32
        %add3A_177 = arith.constant 0 : i32
        %add3A_178 = arith.addi %add3A_176, %add3A_177 : i32
        %get3A = arith.index_cast %add3A_178 : i32 to index
        %get3A_179 = arith.constant 0 : index
        %get3A_180 = tpu.vector_load %arg6[%get3A, %get3A_179] {strides = array<i32>} : memref<100x64xf32, #tpu.memory_space<vmem>>, vector<1x16xf32>,
        %get3A_181 = vector.shape_cast %get3A_180 : vector<1x16xf32> to vector<16xf32>
        %add3A_182 = arith.addf %scan3A_169, %get3A_181 : vector<16xf32>
        %add3A_183 = arith.constant 0 : i32
        %add3A_184 = arith.addi %add3A_176, %add3A_183 : i32
        %get3A_185 = arith.index_cast %add3A_184 : i32 to index
        %get3A_186 = arith.constant 16 : index
        %get3A_187 = tpu.vector_load %arg6[%get3A_185, %get3A_186] {strides = array<i32>} : memref<100x64xf32, #tpu.memory_space<vmem>>, vector<1x16xf32>,
        %get3A_188 = vector.shape_cast %get3A_187 : vector<1x16xf32> to vector<16xf32>
        %add3A_189 = arith.addf %scan3A_170, %get3A_188 : vector<16xf32>
        %add3A_190 = arith.constant 0 : i32
        %add3A_191 = arith.addi %add3A_176, %add3A_190 : i32
        %get3A_192 = arith.index_cast %add3A_191 : i32 to index
        %get3A_193 = arith.constant 32 : index
        %get3A_194 = tpu.vector_load %arg6[%get3A_192, %get3A_193] {strides = array<i32>} : memref<100x64xf32, #tpu.memory_space<vmem>>, vector<1x16xf32>,
        %get3A_195 = vector.shape_cast %get3A_194 : vector<1x16xf32> to vector<16xf32>
        %add3A_196 = arith.addf %scan3A_171, %get3A_195 : vector<16xf32>
        %add3A_197 = arith.constant 0 : i32
        %add3A_198 = arith.addi %add3A_176, %add3A_197 : i32
        %get3A_199 = arith.index_cast %add3A_198 : i32 to index
        %get3A_200 = arith.constant 48 : index
        %get3A_201 = tpu.vector_load %arg6[%get3A_199, %get3A_200] {strides = array<i32>} : memref<100x64xf32, #tpu.memory_space<vmem>>, vector<1x16xf32>,
        %get3A_202 = vector.shape_cast %get3A_201 : vector<1x16xf32> to vector<16xf32>
        %add3A_203 = arith.addf %scan3A_172, %get3A_202 : vector<16xf32>
        %add3A_204 = arith.constant 1 : i32
        %add3A_205 = arith.addi %add3A_176, %add3A_204 : i32
        %get3A_206 = arith.index_cast %add3A_205 : i32 to index
        %get3A_207 = arith.constant 0 : index
        %get3A_208 = tpu.vector_load %arg6[%get3A_206, %get3A_207] {strides = array<i32>} : memref<100x64xf32, #tpu.memory_space<vmem>>, vector<1x16xf32>,
        %get3A_209 = vector.shape_cast %get3A_208 : vector<1x16xf32> to vector<16xf32>
        %add3A_210 = arith.addf %add3A_182, %get3A_209 : vector<16xf32>
        %add3A_211 = arith.constant 1 : i32
        %add3A_212 = arith.addi %add3A_176, %add3A_211 : i32
        %get3A_213 = arith.index_cast %add3A_212 : i32 to index
        %get3A_214 = arith.constant 16 : index
        %get3A_215 = tpu.vector_load %arg6[%get3A_213, %get3A_214] {strides = array<i32>} : memref<100x64xf32, #tpu.memory_space<vmem>>, vector<1x16xf32>,
        %get3A_216 = vector.shape_cast %get3A_215 : vector<1x16xf32> to vector<16xf32>
        %add3A_217 = arith.addf %add3A_189, %get3A_216 : vector<16xf32>
        %add3A_218 = arith.constant 1 : i32
        %add3A_219 = arith.addi %add3A_176, %add3A_218 : i32
        %get3A_220 = arith.index_cast %add3A_219 : i32 to index
        %get3A_221 = arith.constant 32 : index
        %get3A_222 = tpu.vector_load %arg6[%get3A_220, %get3A_221] {strides = array<i32>} : memref<100x64xf32, #tpu.memory_space<vmem>>, vector<1x16xf32>,
        %get3A_223 = vector.shape_cast %get3A_222 : vector<1x16xf32> to vector<16xf32>
        %add3A_224 = arith.addf %add3A_196, %get3A_223 : vector<16xf32>
        %add3A_225 = arith.constant 1 : i32
        %add3A_226 = arith.addi %add3A_176, %add3A_225 : i32
        %get3A_227 = arith.index_cast %add3A_226 : i32 to index
        %get3A_228 = arith.constant 48 : index
        %get3A_229 = tpu.vector_load %arg6[%get3A_227, %get3A_228] {strides = array<i32>} : memref<100x64xf32, #tpu.memory_space<vmem>>, vector<1x16xf32>,
        %get3A_230 = vector.shape_cast %get3A_229 : vector<1x16xf32> to vector<16xf32>
        %add3A_231 = arith.addf %add3A_203, %get3A_230 : vector<16xf32>
        %add3A_232 = arith.constant 2 : i32
        %add3A_233 = arith.addi %add3A_176, %add3A_232 : i32
        %get3A_234 = arith.index_cast %add3A_233 : i32 to index
        %get3A_235 = arith.constant 0 : index
        %get3A_236 = tpu.vector_load %arg6[%get3A_234, %get3A_235] {strides = array<i32>} : memref<100x64xf32, #tpu.memory_space<vmem>>, vector<1x16xf32>,
        %get3A_237 = vector.shape_cast %get3A_236 : vector<1x16xf32> to vector<16xf32>
        %add3A_238 = arith.addf %add3A_210, %get3A_237 : vector<16xf32>
        %add3A_239 = arith.constant 2 : i32
        %add3A_240 = arith.addi %add3A_176, %add3A_239 : i32
        %get3A_241 = arith.index_cast %add3A_240 : i32 to index
        %get3A_242 = arith.constant 16 : index
        %get3A_243 = tpu.vector_load %arg6[%get3A_241, %get3A_242] {strides = array<i32>} : memref<100x64xf32, #tpu.memory_space<vmem>>, vector<1x16xf32>,
        %get3A_244 = vector.shape_cast %get3A_243 : vector<1x16xf32> to vector<16xf32>
        %add3A_245 = arith.addf %add3A_217, %get3A_244 : vector<16xf32>
        %add3A_246 = arith.constant 2 : i32
        %add3A_247 = arith.addi %add3A_176, %add3A_246 : i32
        %get3A_248 = arith.index_cast %add3A_247 : i32 to index
        %get3A_249 = arith.constant 32 : index
        %get3A_250 = tpu.vector_load %arg6[%get3A_248, %get3A_249] {strides = array<i32>} : memref<100x64xf32, #tpu.memory_space<vmem>>, vector<1x16xf32>,
        %get3A_251 = vector.shape_cast %get3A_250 : vector<1x16xf32> to vector<16xf32>
        %add3A_252 = arith.addf %add3A_224, %get3A_251 : vector<16xf32>
        %add3A_253 = arith.constant 2 : i32
        %add3A_254 = arith.addi %add3A_176, %add3A_253 : i32
        %get3A_255 = arith.index_cast %add3A_254 : i32 to index
        %get3A_256 = arith.constant 48 : index
        %get3A_257 = tpu.vector_load %arg6[%get3A_255, %get3A_256] {strides = array<i32>} : memref<100x64xf32, #tpu.memory_space<vmem>>, vector<1x16xf32>,
        %get3A_258 = vector.shape_cast %get3A_257 : vector<1x16xf32> to vector<16xf32>
        %add3A_259 = arith.addf %add3A_231, %get3A_258 : vector<16xf32>
        %add3A_260 = arith.constant 3 : i32
        %add3A_261 = arith.addi %add3A_176, %add3A_260 : i32
        %get3A_262 = arith.index_cast %add3A_261 : i32 to index
        %get3A_263 = arith.constant 0 : index
        %get3A_264 = tpu.vector_load %arg6[%get3A_262, %get3A_263] {strides = array<i32>} : memref<100x64xf32, #tpu.memory_space<vmem>>, vector<1x16xf32>,
        %get3A_265 = vector.shape_cast %get3A_264 : vector<1x16xf32> to vector<16xf32>
        %add3A_266 = arith.addf %add3A_238, %get3A_265 : vector<16xf32>
        %add3A_267 = arith.constant 3 : i32
        %add3A_268 = arith.addi %add3A_176, %add3A_267 : i32
        %get3A_269 = arith.index_cast %add3A_268 : i32 to index
        %get3A_270 = arith.constant 16 : index
        %get3A_271 = tpu.vector_load %arg6[%get3A_269, %get3A_270] {strides = array<i32>} : memref<100x64xf32, #tpu.memory_space<vmem>>, vector<1x16xf32>,
        %get3A_272 = vector.shape_cast %get3A_271 : vector<1x16xf32> to vector<16xf32>
        %add3A_273 = arith.addf %add3A_245, %get3A_272 : vector<16xf32>
        %add3A_274 = arith.constant 3 : i32
        %add3A_275 = arith.addi %add3A_176, %add3A_274 : i32
        %get3A_276 = arith.index_cast %add3A_275 : i32 to index
        %get3A_277 = arith.constant 32 : index
        %get3A_278 = tpu.vector_load %arg6[%get3A_276, %get3A_277] {strides = array<i32>} : memref<100x64xf32, #tpu.memory_space<vmem>>, vector<1x16xf32>,
        %get3A_279 = vector.shape_cast %get3A_278 : vector<1x16xf32> to vector<16xf32>
        %add3A_280 = arith.addf %add3A_252, %get3A_279 : vector<16xf32>
        %add3A_281 = arith.constant 3 : i32
        %add3A_282 = arith.addi %add3A_176, %add3A_281 : i32
        %get3A_283 = arith.index_cast %add3A_282 : i32 to index
        %get3A_284 = arith.constant 48 : index
        %get3A_285 = tpu.vector_load %arg6[%get3A_283, %get3A_284] {strides = array<i32>} : memref<100x64xf32, #tpu.memory_space<vmem>>, vector<1x16xf32>,
        %get3A_286 = vector.shape_cast %get3A_285 : vector<1x16xf32> to vector<16xf32>
        %add3A_287 = arith.addf %add3A_259, %get3A_286 : vector<16xf32>
        %add3A_288 = arith.constant 4 : i32
        %add3A_289 = arith.addi %add3A_176, %add3A_288 : i32
        %get3A_290 = arith.index_cast %add3A_289 : i32 to index
        %get3A_291 = arith.constant 0 : index
        %get3A_292 = tpu.vector_load %arg6[%get3A_290, %get3A_291] {strides = array<i32>} : memref<100x64xf32, #tpu.memory_space<vmem>>, vector<1x16xf32>,
        %get3A_293 = vector.shape_cast %get3A_292 : vector<1x16xf32> to vector<16xf32>
        %add3A_294 = arith.addf %add3A_266, %get3A_293 : vector<16xf32>
        %add3A_295 = arith.constant 4 : i32
        %add3A_296 = arith.addi %add3A_176, %add3A_295 : i32
        %get3A_297 = arith.index_cast %add3A_296 : i32 to index
        %get3A_298 = arith.constant 16 : index
        %get3A_299 = tpu.vector_load %arg6[%get3A_297, %get3A_298] {strides = array<i32>} : memref<100x64xf32, #tpu.memory_space<vmem>>, vector<1x16xf32>,
        %get3A_300 = vector.shape_cast %get3A_299 : vector<1x16xf32> to vector<16xf32>
        %add3A_301 = arith.addf %add3A_273, %get3A_300 : vector<16xf32>
        %add3A_302 = arith.constant 4 : i32
        %add3A_303 = arith.addi %add3A_176, %add3A_302 : i32
        %get3A_304 = arith.index_cast %add3A_303 : i32 to index
        %get3A_305 = arith.constant 32 : index
        %get3A_306 = tpu.vector_load %arg6[%get3A_304, %get3A_305] {strides = array<i32>} : memref<100x64xf32, #tpu.memory_space<vmem>>, vector<1x16xf32>,
        %get3A_307 = vector.shape_cast %get3A_306 : vector<1x16xf32> to vector<16xf32>
        %add3A_308 = arith.addf %add3A_280, %get3A_307 : vector<16xf32>
        %add3A_309 = arith.constant 4 : i32
        %add3A_310 = arith.addi %add3A_176, %add3A_309 : i32
        %get3A_311 = arith.index_cast %add3A_310 : i32 to index
        %get3A_312 = arith.constant 48 : index
        %get3A_313 = tpu.vector_load %arg6[%get3A_311, %get3A_312] {strides = array<i32>} : memref<100x64xf32, #tpu.memory_space<vmem>>, vector<1x16xf32>,
        %get3A_314 = vector.shape_cast %get3A_313 : vector<1x16xf32> to vector<16xf32>
        %add3A_315 = arith.addf %add3A_287, %get3A_314 : vector<16xf32>
        scf.yield %add3A_294, %add3A_301, %add3A_308, %add3A_315 : vector<16xf32>, vector<16xf32>, vector<16xf32>, vector<16xf32>
      }
      %scan3A_71 = arith.constant 10 : i32
      %swap3A_72 = arith.index_cast %add3A_63 : i32 to index
      %swap3A_73 = arith.constant 0 : index
      %swap3A_74 = tpu.vector_load %arg8[%swap3A_72, %swap3A_73] {strides = array<i32>} : memref<128x64xf32, #tpu.memory_space<vmem>>, vector<1x16xf32>,
      %swap3A_75 = vector.shape_cast %swap3A_74 : vector<1x16xf32> to vector<16xf32>
      %swap3A_76 = vector.shape_cast %scan3A_70#0 : vector<16xf32> to vector<1x16xf32>
      tpu.vector_store %arg8[%swap3A_72, %swap3A_73], %swap3A_76 {strides = array<i32>} : memref<128x64xf32, #tpu.memory_space<vmem>>, vector<1x16xf32>,
      %swap3A_77 = arith.index_cast %add3A_63 : i32 to index
      %swap3A_78 = arith.constant 16 : index
      %swap3A_79 = tpu.vector_load %arg8[%swap3A_77, %swap3A_78] {strides = array<i32>} : memref<128x64xf32, #tpu.memory_space<vmem>>, vector<1x16xf32>,
      %swap3A_80 = vector.shape_cast %swap3A_79 : vector<1x16xf32> to vector<16xf32>
      %swap3A_81 = vector.shape_cast %scan3A_70#1 : vector<16xf32> to vector<1x16xf32>
      tpu.vector_store %arg8[%swap3A_77, %swap3A_78], %swap3A_81 {strides = array<i32>} : memref<128x64xf32, #tpu.memory_space<vmem>>, vector<1x16xf32>,
      %swap3A_82 = arith.index_cast %add3A_63 : i32 to index
      %swap3A_83 = arith.constant 32 : index
      %swap3A_84 = tpu.vector_load %arg8[%swap3A_82, %swap3A_83] {strides = array<i32>} : memref<128x64xf32, #tpu.memory_space<vmem>>, vector<1x16xf32>,
      %swap3A_85 = vector.shape_cast %swap3A_84 : vector<1x16xf32> to vector<16xf32>
      %swap3A_86 = vector.shape_cast %scan3A_70#2 : vector<16xf32> to vector<1x16xf32>
      tpu.vector_store %arg8[%swap3A_82, %swap3A_83], %swap3A_86 {strides = array<i32>} : memref<128x64xf32, #tpu.memory_space<vmem>>, vector<1x16xf32>,
      %swap3A_87 = arith.index_cast %add3A_63 : i32 to index
      %swap3A_88 = arith.constant 48 : index
      %swap3A_89 = tpu.vector_load %arg8[%swap3A_87, %swap3A_88] {strides = array<i32>} : memref<128x64xf32, #tpu.memory_space<vmem>>, vector<1x16xf32>,
      %swap3A_90 = vector.shape_cast %swap3A_89 : vector<1x16xf32> to vector<16xf32>
      %swap3A_91 = vector.shape_cast %scan3A_70#3 : vector<16xf32> to vector<1x16xf32>
      tpu.vector_store %arg8[%swap3A_87, %swap3A_88], %swap3A_91 {strides = array<i32>} : memref<128x64xf32, #tpu.memory_space<vmem>>, vector<1x16xf32>,
      %lt3A = arith.constant 31 : i32
      %lt3A_92 = arith.cmpi slt, %scan3A_14, %lt3A : i32
      %convert_element_type3A = arith.extui %lt3A_92 : i1 to i32
      %cond3A = arith.constant 0 : i32
      %cond3A_93 = arith.cmpi ne, %convert_element_type3A, %cond3A : i32
      scf.if %cond3A_93 {
        %add3A_168 = arith.constant 2 : i32
        %add3A_169 = arith.addi %mul3A_16, %add3A_168 : i32
        %dma_start3A_170 = arith.constant 0 : i32
        %dma_start3A_171 = tpu.memref_slice %arg5[%add3A_169, %dma_start3A_170] : memref<64x100xi32, #tpu.memory_space<vmem>> -> memref<1x100xi32, #tpu.memory_space<vmem>>
        %dma_start3A_172 = tpu.memref_squeeze %dma_start3A_171 : memref<1x100xi32, #tpu.memory_space<vmem>> -> memref<100xi32, #tpu.memory_space<vmem>>
        %dma_start3A_173 = arith.constant 0 : i32
        %dma_start3A_174 = arith.constant 0 : i32
        %dma_start3A_175 = tpu.memref_slice %arg3[%dma_start3A_173, %dma_start3A_174] : memref<100000x64xf32, #tpu.memory_space<hbm>> -> memref<100000x64xf32, #tpu.memory_space<hbm>>
        tpu.enqueue_indirect_dma source(%dma_start3A_175 : memref<100000x64xf32, #tpu.memory_space<hbm>>) target(%arg6 : memref<100x64xf32, #tpu.memory_space<vmem>>) offsets(%dma_start3A_172 : memref<100xi32, #tpu.memory_space<vmem>>) semaphore(%arg9 : memref<!tpu.dma_semaphore, #tpu.memory_space<semaphore_mem>>)
      } else {
      }
      %add3A_94 = arith.constant 1 : i32
      %add3A_95 = arith.addi %mul3A_16, %add3A_94 : i32
      %dma_wait3A_96 = arith.constant 0 : i32
      %dma_wait3A_97 = tpu.memref_slice %arg5[%add3A_95, %dma_wait3A_96] : memref<64x100xi32, #tpu.memory_space<vmem>> -> memref<1x100xi32, #tpu.memory_space<vmem>>
      %dma_wait3A_98 = tpu.memref_squeeze %dma_wait3A_97 : memref<1x100xi32, #tpu.memory_space<vmem>> -> memref<100xi32, #tpu.memory_space<vmem>>
      %dma_wait3A_99 = arith.constant 0 : i32
      %dma_wait3A_100 = arith.constant 0 : i32
      %dma_wait3A_101 = tpu.memref_slice %arg3[%dma_wait3A_99, %dma_wait3A_100] : memref<100000x64xf32, #tpu.memory_space<hbm>> -> memref<100000x64xf32, #tpu.memory_space<hbm>>
      tpu.wait_indirect_dma semaphore(%arg10 : memref<!tpu.dma_semaphore, #tpu.memory_space<semaphore_mem>>) src(%dma_wait3A_101 : memref<100000x64xf32, #tpu.memory_space<hbm>>) dst(%arg7 : memref<100x64xf32, #tpu.memory_space<vmem>>)
      %add3A_102 = arith.constant 1 : i32
      %add3A_103 = arith.addi %mul3A_16, %add3A_102 : i32
      %mul3A_104 = arith.constant 2 : i32
      %mul3A_105 = arith.muli %mul3A_104, %add3A_103 : i32
      %add3A_106 = arith.constant 0 : i32
      %add3A_107 = arith.addi %mul3A_105, %add3A_106 : i32
      %broadcast_in_dim3A_108 = arith.constant 0.000000e+00 : f32
      %broadcast_in_dim3A_109 = vector.broadcast %broadcast_in_dim3A_108 : f32 to vector<16xf32>
      %scan3A_110 = arith.constant 0 : i32
      %scan3A_111 = arith.constant 10 : i32
      %scan3A_112 = arith.addi %scan3A_110, %scan3A_111 : i32
      %scan3A_113 = arith.constant 1 : i32
      %scan3A_114:4 = scf.for %scan3A_168 = %scan3A_110 to %scan3A_112 step %scan3A_113 iter_args(%scan3A_169 = %broadcast_in_dim3A_109, %scan3A_170 = %broadcast_in_dim3A_109, %scan3A_171 = %broadcast_in_dim3A_109, %scan3A_172 = %broadcast_in_dim3A_109) -> (vector<16xf32>, vector<16xf32>, vector<16xf32>, vector<16xf32>)  : i32 {
        %mul3A_173 = arith.constant 5 : i32
        %mul3A_174 = arith.muli %scan3A_168, %mul3A_173 : i32
        %add3A_175 = arith.constant 0 : i32
        %add3A_176 = arith.addi %add3A_175, %mul3A_174 : i32
        %add3A_177 = arith.constant 0 : i32
        %add3A_178 = arith.addi %add3A_176, %add3A_177 : i32
        %get3A = arith.index_cast %add3A_178 : i32 to index
        %get3A_179 = arith.constant 0 : index
        %get3A_180 = tpu.vector_load %arg7[%get3A, %get3A_179] {strides = array<i32>} : memref<100x64xf32, #tpu.memory_space<vmem>>, vector<1x16xf32>,
        %get3A_181 = vector.shape_cast %get3A_180 : vector<1x16xf32> to vector<16xf32>
        %add3A_182 = arith.addf %scan3A_169, %get3A_181 : vector<16xf32>
        %add3A_183 = arith.constant 0 : i32
        %add3A_184 = arith.addi %add3A_176, %add3A_183 : i32
        %get3A_185 = arith.index_cast %add3A_184 : i32 to index
        %get3A_186 = arith.constant 16 : index
        %get3A_187 = tpu.vector_load %arg7[%get3A_185, %get3A_186] {strides = array<i32>} : memref<100x64xf32, #tpu.memory_space<vmem>>, vector<1x16xf32>,
        %get3A_188 = vector.shape_cast %get3A_187 : vector<1x16xf32> to vector<16xf32>
        %add3A_189 = arith.addf %scan3A_170, %get3A_188 : vector<16xf32>
        %add3A_190 = arith.constant 0 : i32
        %add3A_191 = arith.addi %add3A_176, %add3A_190 : i32
        %get3A_192 = arith.index_cast %add3A_191 : i32 to index
        %get3A_193 = arith.constant 32 : index
        %get3A_194 = tpu.vector_load %arg7[%get3A_192, %get3A_193] {strides = array<i32>} : memref<100x64xf32, #tpu.memory_space<vmem>>, vector<1x16xf32>,
        %get3A_195 = vector.shape_cast %get3A_194 : vector<1x16xf32> to vector<16xf32>
        %add3A_196 = arith.addf %scan3A_171, %get3A_195 : vector<16xf32>
        %add3A_197 = arith.constant 0 : i32
        %add3A_198 = arith.addi %add3A_176, %add3A_197 : i32
        %get3A_199 = arith.index_cast %add3A_198 : i32 to index
        %get3A_200 = arith.constant 48 : index
        %get3A_201 = tpu.vector_load %arg7[%get3A_199, %get3A_200] {strides = array<i32>} : memref<100x64xf32, #tpu.memory_space<vmem>>, vector<1x16xf32>,
        %get3A_202 = vector.shape_cast %get3A_201 : vector<1x16xf32> to vector<16xf32>
        %add3A_203 = arith.addf %scan3A_172, %get3A_202 : vector<16xf32>
        %add3A_204 = arith.constant 1 : i32
        %add3A_205 = arith.addi %add3A_176, %add3A_204 : i32
        %get3A_206 = arith.index_cast %add3A_205 : i32 to index
        %get3A_207 = arith.constant 0 : index
        %get3A_208 = tpu.vector_load %arg7[%get3A_206, %get3A_207] {strides = array<i32>} : memref<100x64xf32, #tpu.memory_space<vmem>>, vector<1x16xf32>,
        %get3A_209 = vector.shape_cast %get3A_208 : vector<1x16xf32> to vector<16xf32>
        %add3A_210 = arith.addf %add3A_182, %get3A_209 : vector<16xf32>
        %add3A_211 = arith.constant 1 : i32
        %add3A_212 = arith.addi %add3A_176, %add3A_211 : i32
        %get3A_213 = arith.index_cast %add3A_212 : i32 to index
        %get3A_214 = arith.constant 16 : index
        %get3A_215 = tpu.vector_load %arg7[%get3A_213, %get3A_214] {strides = array<i32>} : memref<100x64xf32, #tpu.memory_space<vmem>>, vector<1x16xf32>,
        %get3A_216 = vector.shape_cast %get3A_215 : vector<1x16xf32> to vector<16xf32>
        %add3A_217 = arith.addf %add3A_189, %get3A_216 : vector<16xf32>
        %add3A_218 = arith.constant 1 : i32
        %add3A_219 = arith.addi %add3A_176, %add3A_218 : i32
        %get3A_220 = arith.index_cast %add3A_219 : i32 to index
        %get3A_221 = arith.constant 32 : index
        %get3A_222 = tpu.vector_load %arg7[%get3A_220, %get3A_221] {strides = array<i32>} : memref<100x64xf32, #tpu.memory_space<vmem>>, vector<1x16xf32>,
        %get3A_223 = vector.shape_cast %get3A_222 : vector<1x16xf32> to vector<16xf32>
        %add3A_224 = arith.addf %add3A_196, %get3A_223 : vector<16xf32>
        %add3A_225 = arith.constant 1 : i32
        %add3A_226 = arith.addi %add3A_176, %add3A_225 : i32
        %get3A_227 = arith.index_cast %add3A_226 : i32 to index
        %get3A_228 = arith.constant 48 : index
        %get3A_229 = tpu.vector_load %arg7[%get3A_227, %get3A_228] {strides = array<i32>} : memref<100x64xf32, #tpu.memory_space<vmem>>, vector<1x16xf32>,
        %get3A_230 = vector.shape_cast %get3A_229 : vector<1x16xf32> to vector<16xf32>
        %add3A_231 = arith.addf %add3A_203, %get3A_230 : vector<16xf32>
        %add3A_232 = arith.constant 2 : i32
        %add3A_233 = arith.addi %add3A_176, %add3A_232 : i32
        %get3A_234 = arith.index_cast %add3A_233 : i32 to index
        %get3A_235 = arith.constant 0 : index
        %get3A_236 = tpu.vector_load %arg7[%get3A_234, %get3A_235] {strides = array<i32>} : memref<100x64xf32, #tpu.memory_space<vmem>>, vector<1x16xf32>,
        %get3A_237 = vector.shape_cast %get3A_236 : vector<1x16xf32> to vector<16xf32>
        %add3A_238 = arith.addf %add3A_210, %get3A_237 : vector<16xf32>
        %add3A_239 = arith.constant 2 : i32
        %add3A_240 = arith.addi %add3A_176, %add3A_239 : i32
        %get3A_241 = arith.index_cast %add3A_240 : i32 to index
        %get3A_242 = arith.constant 16 : index
        %get3A_243 = tpu.vector_load %arg7[%get3A_241, %get3A_242] {strides = array<i32>} : memref<100x64xf32, #tpu.memory_space<vmem>>, vector<1x16xf32>,
        %get3A_244 = vector.shape_cast %get3A_243 : vector<1x16xf32> to vector<16xf32>
        %add3A_245 = arith.addf %add3A_217, %get3A_244 : vector<16xf32>
        %add3A_246 = arith.constant 2 : i32
        %add3A_247 = arith.addi %add3A_176, %add3A_246 : i32
        %get3A_248 = arith.index_cast %add3A_247 : i32 to index
        %get3A_249 = arith.constant 32 : index
        %get3A_250 = tpu.vector_load %arg7[%get3A_248, %get3A_249] {strides = array<i32>} : memref<100x64xf32, #tpu.memory_space<vmem>>, vector<1x16xf32>,
        %get3A_251 = vector.shape_cast %get3A_250 : vector<1x16xf32> to vector<16xf32>
        %add3A_252 = arith.addf %add3A_224, %get3A_251 : vector<16xf32>
        %add3A_253 = arith.constant 2 : i32
        %add3A_254 = arith.addi %add3A_176, %add3A_253 : i32
        %get3A_255 = arith.index_cast %add3A_254 : i32 to index
        %get3A_256 = arith.constant 48 : index
        %get3A_257 = tpu.vector_load %arg7[%get3A_255, %get3A_256] {strides = array<i32>} : memref<100x64xf32, #tpu.memory_space<vmem>>, vector<1x16xf32>,
        %get3A_258 = vector.shape_cast %get3A_257 : vector<1x16xf32> to vector<16xf32>
        %add3A_259 = arith.addf %add3A_231, %get3A_258 : vector<16xf32>
        %add3A_260 = arith.constant 3 : i32
        %add3A_261 = arith.addi %add3A_176, %add3A_260 : i32
        %get3A_262 = arith.index_cast %add3A_261 : i32 to index
        %get3A_263 = arith.constant 0 : index
        %get3A_264 = tpu.vector_load %arg7[%get3A_262, %get3A_263] {strides = array<i32>} : memref<100x64xf32, #tpu.memory_space<vmem>>, vector<1x16xf32>,
        %get3A_265 = vector.shape_cast %get3A_264 : vector<1x16xf32> to vector<16xf32>
        %add3A_266 = arith.addf %add3A_238, %get3A_265 : vector<16xf32>
        %add3A_267 = arith.constant 3 : i32
        %add3A_268 = arith.addi %add3A_176, %add3A_267 : i32
        %get3A_269 = arith.index_cast %add3A_268 : i32 to index
        %get3A_270 = arith.constant 16 : index
        %get3A_271 = tpu.vector_load %arg7[%get3A_269, %get3A_270] {strides = array<i32>} : memref<100x64xf32, #tpu.memory_space<vmem>>, vector<1x16xf32>,
        %get3A_272 = vector.shape_cast %get3A_271 : vector<1x16xf32> to vector<16xf32>
        %add3A_273 = arith.addf %add3A_245, %get3A_272 : vector<16xf32>
        %add3A_274 = arith.constant 3 : i32
        %add3A_275 = arith.addi %add3A_176, %add3A_274 : i32
        %get3A_276 = arith.index_cast %add3A_275 : i32 to index
        %get3A_277 = arith.constant 32 : index
        %get3A_278 = tpu.vector_load %arg7[%get3A_276, %get3A_277] {strides = array<i32>} : memref<100x64xf32, #tpu.memory_space<vmem>>, vector<1x16xf32>,
        %get3A_279 = vector.shape_cast %get3A_278 : vector<1x16xf32> to vector<16xf32>
        %add3A_280 = arith.addf %add3A_252, %get3A_279 : vector<16xf32>
        %add3A_281 = arith.constant 3 : i32
        %add3A_282 = arith.addi %add3A_176, %add3A_281 : i32
        %get3A_283 = arith.index_cast %add3A_282 : i32 to index
        %get3A_284 = arith.constant 48 : index
        %get3A_285 = tpu.vector_load %arg7[%get3A_283, %get3A_284] {strides = array<i32>} : memref<100x64xf32, #tpu.memory_space<vmem>>, vector<1x16xf32>,
        %get3A_286 = vector.shape_cast %get3A_285 : vector<1x16xf32> to vector<16xf32>
        %add3A_287 = arith.addf %add3A_259, %get3A_286 : vector<16xf32>
        %add3A_288 = arith.constant 4 : i32
        %add3A_289 = arith.addi %add3A_176, %add3A_288 : i32
        %get3A_290 = arith.index_cast %add3A_289 : i32 to index
        %get3A_291 = arith.constant 0 : index
        %get3A_292 = tpu.vector_load %arg7[%get3A_290, %get3A_291] {strides = array<i32>} : memref<100x64xf32, #tpu.memory_space<vmem>>, vector<1x16xf32>,
        %get3A_293 = vector.shape_cast %get3A_292 : vector<1x16xf32> to vector<16xf32>
        %add3A_294 = arith.addf %add3A_266, %get3A_293 : vector<16xf32>
        %add3A_295 = arith.constant 4 : i32
        %add3A_296 = arith.addi %add3A_176, %add3A_295 : i32
        %get3A_297 = arith.index_cast %add3A_296 : i32 to index
        %get3A_298 = arith.constant 16 : index
        %get3A_299 = tpu.vector_load %arg7[%get3A_297, %get3A_298] {strides = array<i32>} : memref<100x64xf32, #tpu.memory_space<vmem>>, vector<1x16xf32>,
        %get3A_300 = vector.shape_cast %get3A_299 : vector<1x16xf32> to vector<16xf32>
        %add3A_301 = arith.addf %add3A_273, %get3A_300 : vector<16xf32>
        %add3A_302 = arith.constant 4 : i32
        %add3A_303 = arith.addi %add3A_176, %add3A_302 : i32
        %get3A_304 = arith.index_cast %add3A_303 : i32 to index
        %get3A_305 = arith.constant 32 : index
        %get3A_306 = tpu.vector_load %arg7[%get3A_304, %get3A_305] {strides = array<i32>} : memref<100x64xf32, #tpu.memory_space<vmem>>, vector<1x16xf32>,
        %get3A_307 = vector.shape_cast %get3A_306 : vector<1x16xf32> to vector<16xf32>
        %add3A_308 = arith.addf %add3A_280, %get3A_307 : vector<16xf32>
        %add3A_309 = arith.constant 4 : i32
        %add3A_310 = arith.addi %add3A_176, %add3A_309 : i32
        %get3A_311 = arith.index_cast %add3A_310 : i32 to index
        %get3A_312 = arith.constant 48 : index
        %get3A_313 = tpu.vector_load %arg7[%get3A_311, %get3A_312] {strides = array<i32>} : memref<100x64xf32, #tpu.memory_space<vmem>>, vector<1x16xf32>,
        %get3A_314 = vector.shape_cast %get3A_313 : vector<1x16xf32> to vector<16xf32>
        %add3A_315 = arith.addf %add3A_287, %get3A_314 : vector<16xf32>
        scf.yield %add3A_294, %add3A_301, %add3A_308, %add3A_315 : vector<16xf32>, vector<16xf32>, vector<16xf32>, vector<16xf32>
      }
      %scan3A_115 = arith.constant 10 : i32
      %swap3A_116 = arith.index_cast %add3A_107 : i32 to index
      %swap3A_117 = arith.constant 0 : index
      %swap3A_118 = tpu.vector_load %arg8[%swap3A_116, %swap3A_117] {strides = array<i32>} : memref<128x64xf32, #tpu.memory_space<vmem>>, vector<1x16xf32>,
      %swap3A_119 = vector.shape_cast %swap3A_118 : vector<1x16xf32> to vector<16xf32>
      %swap3A_120 = vector.shape_cast %scan3A_114#0 : vector<16xf32> to vector<1x16xf32>
      tpu.vector_store %arg8[%swap3A_116, %swap3A_117], %swap3A_120 {strides = array<i32>} : memref<128x64xf32, #tpu.memory_space<vmem>>, vector<1x16xf32>,
      %swap3A_121 = arith.index_cast %add3A_107 : i32 to index
      %swap3A_122 = arith.constant 16 : index
      %swap3A_123 = tpu.vector_load %arg8[%swap3A_121, %swap3A_122] {strides = array<i32>} : memref<128x64xf32, #tpu.memory_space<vmem>>, vector<1x16xf32>,
      %swap3A_124 = vector.shape_cast %swap3A_123 : vector<1x16xf32> to vector<16xf32>
      %swap3A_125 = vector.shape_cast %scan3A_114#1 : vector<16xf32> to vector<1x16xf32>
      tpu.vector_store %arg8[%swap3A_121, %swap3A_122], %swap3A_125 {strides = array<i32>} : memref<128x64xf32, #tpu.memory_space<vmem>>, vector<1x16xf32>,
      %swap3A_126 = arith.index_cast %add3A_107 : i32 to index
      %swap3A_127 = arith.constant 32 : index
      %swap3A_128 = tpu.vector_load %arg8[%swap3A_126, %swap3A_127] {strides = array<i32>} : memref<128x64xf32, #tpu.memory_space<vmem>>, vector<1x16xf32>,
      %swap3A_129 = vector.shape_cast %swap3A_128 : vector<1x16xf32> to vector<16xf32>
      %swap3A_130 = vector.shape_cast %scan3A_114#2 : vector<16xf32> to vector<1x16xf32>
      tpu.vector_store %arg8[%swap3A_126, %swap3A_127], %swap3A_130 {strides = array<i32>} : memref<128x64xf32, #tpu.memory_space<vmem>>, vector<1x16xf32>,
      %swap3A_131 = arith.index_cast %add3A_107 : i32 to index
      %swap3A_132 = arith.constant 48 : index
      %swap3A_133 = tpu.vector_load %arg8[%swap3A_131, %swap3A_132] {strides = array<i32>} : memref<128x64xf32, #tpu.memory_space<vmem>>, vector<1x16xf32>,
      %swap3A_134 = vector.shape_cast %swap3A_133 : vector<1x16xf32> to vector<16xf32>
      %swap3A_135 = vector.shape_cast %scan3A_114#3 : vector<16xf32> to vector<1x16xf32>
      tpu.vector_store %arg8[%swap3A_131, %swap3A_132], %swap3A_135 {strides = array<i32>} : memref<128x64xf32, #tpu.memory_space<vmem>>, vector<1x16xf32>,
      %mul3A_136 = arith.constant 2 : i32
      %mul3A_137 = arith.muli %mul3A_136, %add3A_103 : i32
      %add3A_138 = arith.constant 1 : i32
      %add3A_139 = arith.addi %mul3A_137, %add3A_138 : i32
      %broadcast_in_dim3A_140 = arith.constant 0.000000e+00 : f32
      %broadcast_in_dim3A_141 = vector.broadcast %broadcast_in_dim3A_140 : f32 to vector<16xf32>
      %scan3A_142 = arith.constant 0 : i32
      %scan3A_143 = arith.constant 10 : i32
      %scan3A_144 = arith.addi %scan3A_142, %scan3A_143 : i32
      %scan3A_145 = arith.constant 1 : i32
      %scan3A_146:4 = scf.for %scan3A_168 = %scan3A_142 to %scan3A_144 step %scan3A_145 iter_args(%scan3A_169 = %broadcast_in_dim3A_141, %scan3A_170 = %broadcast_in_dim3A_141, %scan3A_171 = %broadcast_in_dim3A_141, %scan3A_172 = %broadcast_in_dim3A_141) -> (vector<16xf32>, vector<16xf32>, vector<16xf32>, vector<16xf32>)  : i32 {
        %mul3A_173 = arith.constant 5 : i32
        %mul3A_174 = arith.muli %scan3A_168, %mul3A_173 : i32
        %add3A_175 = arith.constant 50 : i32
        %add3A_176 = arith.addi %add3A_175, %mul3A_174 : i32
        %add3A_177 = arith.constant 0 : i32
        %add3A_178 = arith.addi %add3A_176, %add3A_177 : i32
        %get3A = arith.index_cast %add3A_178 : i32 to index
        %get3A_179 = arith.constant 0 : index
        %get3A_180 = tpu.vector_load %arg7[%get3A, %get3A_179] {strides = array<i32>} : memref<100x64xf32, #tpu.memory_space<vmem>>, vector<1x16xf32>,
        %get3A_181 = vector.shape_cast %get3A_180 : vector<1x16xf32> to vector<16xf32>
        %add3A_182 = arith.addf %scan3A_169, %get3A_181 : vector<16xf32>
        %add3A_183 = arith.constant 0 : i32
        %add3A_184 = arith.addi %add3A_176, %add3A_183 : i32
        %get3A_185 = arith.index_cast %add3A_184 : i32 to index
        %get3A_186 = arith.constant 16 : index
        %get3A_187 = tpu.vector_load %arg7[%get3A_185, %get3A_186] {strides = array<i32>} : memref<100x64xf32, #tpu.memory_space<vmem>>, vector<1x16xf32>,
        %get3A_188 = vector.shape_cast %get3A_187 : vector<1x16xf32> to vector<16xf32>
        %add3A_189 = arith.addf %scan3A_170, %get3A_188 : vector<16xf32>
        %add3A_190 = arith.constant 0 : i32
        %add3A_191 = arith.addi %add3A_176, %add3A_190 : i32
        %get3A_192 = arith.index_cast %add3A_191 : i32 to index
        %get3A_193 = arith.constant 32 : index
        %get3A_194 = tpu.vector_load %arg7[%get3A_192, %get3A_193] {strides = array<i32>} : memref<100x64xf32, #tpu.memory_space<vmem>>, vector<1x16xf32>,
        %get3A_195 = vector.shape_cast %get3A_194 : vector<1x16xf32> to vector<16xf32>
        %add3A_196 = arith.addf %scan3A_171, %get3A_195 : vector<16xf32>
        %add3A_197 = arith.constant 0 : i32
        %add3A_198 = arith.addi %add3A_176, %add3A_197 : i32
        %get3A_199 = arith.index_cast %add3A_198 : i32 to index
        %get3A_200 = arith.constant 48 : index
        %get3A_201 = tpu.vector_load %arg7[%get3A_199, %get3A_200] {strides = array<i32>} : memref<100x64xf32, #tpu.memory_space<vmem>>, vector<1x16xf32>,
        %get3A_202 = vector.shape_cast %get3A_201 : vector<1x16xf32> to vector<16xf32>
        %add3A_203 = arith.addf %scan3A_172, %get3A_202 : vector<16xf32>
        %add3A_204 = arith.constant 1 : i32
        %add3A_205 = arith.addi %add3A_176, %add3A_204 : i32
        %get3A_206 = arith.index_cast %add3A_205 : i32 to index
        %get3A_207 = arith.constant 0 : index
        %get3A_208 = tpu.vector_load %arg7[%get3A_206, %get3A_207] {strides = array<i32>} : memref<100x64xf32, #tpu.memory_space<vmem>>, vector<1x16xf32>,
        %get3A_209 = vector.shape_cast %get3A_208 : vector<1x16xf32> to vector<16xf32>
        %add3A_210 = arith.addf %add3A_182, %get3A_209 : vector<16xf32>
        %add3A_211 = arith.constant 1 : i32
        %add3A_212 = arith.addi %add3A_176, %add3A_211 : i32
        %get3A_213 = arith.index_cast %add3A_212 : i32 to index
        %get3A_214 = arith.constant 16 : index
        %get3A_215 = tpu.vector_load %arg7[%get3A_213, %get3A_214] {strides = array<i32>} : memref<100x64xf32, #tpu.memory_space<vmem>>, vector<1x16xf32>,
        %get3A_216 = vector.shape_cast %get3A_215 : vector<1x16xf32> to vector<16xf32>
        %add3A_217 = arith.addf %add3A_189, %get3A_216 : vector<16xf32>
        %add3A_218 = arith.constant 1 : i32
        %add3A_219 = arith.addi %add3A_176, %add3A_218 : i32
        %get3A_220 = arith.index_cast %add3A_219 : i32 to index
        %get3A_221 = arith.constant 32 : index
        %get3A_222 = tpu.vector_load %arg7[%get3A_220, %get3A_221] {strides = array<i32>} : memref<100x64xf32, #tpu.memory_space<vmem>>, vector<1x16xf32>,
        %get3A_223 = vector.shape_cast %get3A_222 : vector<1x16xf32> to vector<16xf32>
        %add3A_224 = arith.addf %add3A_196, %get3A_223 : vector<16xf32>
        %add3A_225 = arith.constant 1 : i32
        %add3A_226 = arith.addi %add3A_176, %add3A_225 : i32
        %get3A_227 = arith.index_cast %add3A_226 : i32 to index
        %get3A_228 = arith.constant 48 : index
        %get3A_229 = tpu.vector_load %arg7[%get3A_227, %get3A_228] {strides = array<i32>} : memref<100x64xf32, #tpu.memory_space<vmem>>, vector<1x16xf32>,
        %get3A_230 = vector.shape_cast %get3A_229 : vector<1x16xf32> to vector<16xf32>
        %add3A_231 = arith.addf %add3A_203, %get3A_230 : vector<16xf32>
        %add3A_232 = arith.constant 2 : i32
        %add3A_233 = arith.addi %add3A_176, %add3A_232 : i32
        %get3A_234 = arith.index_cast %add3A_233 : i32 to index
        %get3A_235 = arith.constant 0 : index
        %get3A_236 = tpu.vector_load %arg7[%get3A_234, %get3A_235] {strides = array<i32>} : memref<100x64xf32, #tpu.memory_space<vmem>>, vector<1x16xf32>,
        %get3A_237 = vector.shape_cast %get3A_236 : vector<1x16xf32> to vector<16xf32>
        %add3A_238 = arith.addf %add3A_210, %get3A_237 : vector<16xf32>
        %add3A_239 = arith.constant 2 : i32
        %add3A_240 = arith.addi %add3A_176, %add3A_239 : i32
        %get3A_241 = arith.index_cast %add3A_240 : i32 to index
        %get3A_242 = arith.constant 16 : index
        %get3A_243 = tpu.vector_load %arg7[%get3A_241, %get3A_242] {strides = array<i32>} : memref<100x64xf32, #tpu.memory_space<vmem>>, vector<1x16xf32>,
        %get3A_244 = vector.shape_cast %get3A_243 : vector<1x16xf32> to vector<16xf32>
        %add3A_245 = arith.addf %add3A_217, %get3A_244 : vector<16xf32>
        %add3A_246 = arith.constant 2 : i32
        %add3A_247 = arith.addi %add3A_176, %add3A_246 : i32
        %get3A_248 = arith.index_cast %add3A_247 : i32 to index
        %get3A_249 = arith.constant 32 : index
        %get3A_250 = tpu.vector_load %arg7[%get3A_248, %get3A_249] {strides = array<i32>} : memref<100x64xf32, #tpu.memory_space<vmem>>, vector<1x16xf32>,
        %get3A_251 = vector.shape_cast %get3A_250 : vector<1x16xf32> to vector<16xf32>
        %add3A_252 = arith.addf %add3A_224, %get3A_251 : vector<16xf32>
        %add3A_253 = arith.constant 2 : i32
        %add3A_254 = arith.addi %add3A_176, %add3A_253 : i32
        %get3A_255 = arith.index_cast %add3A_254 : i32 to index
        %get3A_256 = arith.constant 48 : index
        %get3A_257 = tpu.vector_load %arg7[%get3A_255, %get3A_256] {strides = array<i32>} : memref<100x64xf32, #tpu.memory_space<vmem>>, vector<1x16xf32>,
        %get3A_258 = vector.shape_cast %get3A_257 : vector<1x16xf32> to vector<16xf32>
        %add3A_259 = arith.addf %add3A_231, %get3A_258 : vector<16xf32>
        %add3A_260 = arith.constant 3 : i32
        %add3A_261 = arith.addi %add3A_176, %add3A_260 : i32
        %get3A_262 = arith.index_cast %add3A_261 : i32 to index
        %get3A_263 = arith.constant 0 : index
        %get3A_264 = tpu.vector_load %arg7[%get3A_262, %get3A_263] {strides = array<i32>} : memref<100x64xf32, #tpu.memory_space<vmem>>, vector<1x16xf32>,
        %get3A_265 = vector.shape_cast %get3A_264 : vector<1x16xf32> to vector<16xf32>
        %add3A_266 = arith.addf %add3A_238, %get3A_265 : vector<16xf32>
        %add3A_267 = arith.constant 3 : i32
        %add3A_268 = arith.addi %add3A_176, %add3A_267 : i32
        %get3A_269 = arith.index_cast %add3A_268 : i32 to index
        %get3A_270 = arith.constant 16 : index
        %get3A_271 = tpu.vector_load %arg7[%get3A_269, %get3A_270] {strides = array<i32>} : memref<100x64xf32, #tpu.memory_space<vmem>>, vector<1x16xf32>,
        %get3A_272 = vector.shape_cast %get3A_271 : vector<1x16xf32> to vector<16xf32>
        %add3A_273 = arith.addf %add3A_245, %get3A_272 : vector<16xf32>
        %add3A_274 = arith.constant 3 : i32
        %add3A_275 = arith.addi %add3A_176, %add3A_274 : i32
        %get3A_276 = arith.index_cast %add3A_275 : i32 to index
        %get3A_277 = arith.constant 32 : index
        %get3A_278 = tpu.vector_load %arg7[%get3A_276, %get3A_277] {strides = array<i32>} : memref<100x64xf32, #tpu.memory_space<vmem>>, vector<1x16xf32>,
        %get3A_279 = vector.shape_cast %get3A_278 : vector<1x16xf32> to vector<16xf32>
        %add3A_280 = arith.addf %add3A_252, %get3A_279 : vector<16xf32>
        %add3A_281 = arith.constant 3 : i32
        %add3A_282 = arith.addi %add3A_176, %add3A_281 : i32
        %get3A_283 = arith.index_cast %add3A_282 : i32 to index
        %get3A_284 = arith.constant 48 : index
        %get3A_285 = tpu.vector_load %arg7[%get3A_283, %get3A_284] {strides = array<i32>} : memref<100x64xf32, #tpu.memory_space<vmem>>, vector<1x16xf32>,
        %get3A_286 = vector.shape_cast %get3A_285 : vector<1x16xf32> to vector<16xf32>
        %add3A_287 = arith.addf %add3A_259, %get3A_286 : vector<16xf32>
        %add3A_288 = arith.constant 4 : i32
        %add3A_289 = arith.addi %add3A_176, %add3A_288 : i32
        %get3A_290 = arith.index_cast %add3A_289 : i32 to index
        %get3A_291 = arith.constant 0 : index
        %get3A_292 = tpu.vector_load %arg7[%get3A_290, %get3A_291] {strides = array<i32>} : memref<100x64xf32, #tpu.memory_space<vmem>>, vector<1x16xf32>,
        %get3A_293 = vector.shape_cast %get3A_292 : vector<1x16xf32> to vector<16xf32>
        %add3A_294 = arith.addf %add3A_266, %get3A_293 : vector<16xf32>
        %add3A_295 = arith.constant 4 : i32
        %add3A_296 = arith.addi %add3A_176, %add3A_295 : i32
        %get3A_297 = arith.index_cast %add3A_296 : i32 to index
        %get3A_298 = arith.constant 16 : index
        %get3A_299 = tpu.vector_load %arg7[%get3A_297, %get3A_298] {strides = array<i32>} : memref<100x64xf32, #tpu.memory_space<vmem>>, vector<1x16xf32>,
        %get3A_300 = vector.shape_cast %get3A_299 : vector<1x16xf32> to vector<16xf32>
        %add3A_301 = arith.addf %add3A_273, %get3A_300 : vector<16xf32>
        %add3A_302 = arith.constant 4 : i32
        %add3A_303 = arith.addi %add3A_176, %add3A_302 : i32
        %get3A_304 = arith.index_cast %add3A_303 : i32 to index
        %get3A_305 = arith.constant 32 : index
        %get3A_306 = tpu.vector_load %arg7[%get3A_304, %get3A_305] {strides = array<i32>} : memref<100x64xf32, #tpu.memory_space<vmem>>, vector<1x16xf32>,
        %get3A_307 = vector.shape_cast %get3A_306 : vector<1x16xf32> to vector<16xf32>
        %add3A_308 = arith.addf %add3A_280, %get3A_307 : vector<16xf32>
        %add3A_309 = arith.constant 4 : i32
        %add3A_310 = arith.addi %add3A_176, %add3A_309 : i32
        %get3A_311 = arith.index_cast %add3A_310 : i32 to index
        %get3A_312 = arith.constant 48 : index
        %get3A_313 = tpu.vector_load %arg7[%get3A_311, %get3A_312] {strides = array<i32>} : memref<100x64xf32, #tpu.memory_space<vmem>>, vector<1x16xf32>,
        %get3A_314 = vector.shape_cast %get3A_313 : vector<1x16xf32> to vector<16xf32>
        %add3A_315 = arith.addf %add3A_287, %get3A_314 : vector<16xf32>
        scf.yield %add3A_294, %add3A_301, %add3A_308, %add3A_315 : vector<16xf32>, vector<16xf32>, vector<16xf32>, vector<16xf32>
      }
      %scan3A_147 = arith.constant 10 : i32
      %swap3A_148 = arith.index_cast %add3A_139 : i32 to index
      %swap3A_149 = arith.constant 0 : index
      %swap3A_150 = tpu.vector_load %arg8[%swap3A_148, %swap3A_149] {strides = array<i32>} : memref<128x64xf32, #tpu.memory_space<vmem>>, vector<1x16xf32>,
      %swap3A_151 = vector.shape_cast %swap3A_150 : vector<1x16xf32> to vector<16xf32>
      %swap3A_152 = vector.shape_cast %scan3A_146#0 : vector<16xf32> to vector<1x16xf32>
      tpu.vector_store %arg8[%swap3A_148, %swap3A_149], %swap3A_152 {strides = array<i32>} : memref<128x64xf32, #tpu.memory_space<vmem>>, vector<1x16xf32>,
      %swap3A_153 = arith.index_cast %add3A_139 : i32 to index
      %swap3A_154 = arith.constant 16 : index
      %swap3A_155 = tpu.vector_load %arg8[%swap3A_153, %swap3A_154] {strides = array<i32>} : memref<128x64xf32, #tpu.memory_space<vmem>>, vector<1x16xf32>,
      %swap3A_156 = vector.shape_cast %swap3A_155 : vector<1x16xf32> to vector<16xf32>
      %swap3A_157 = vector.shape_cast %scan3A_146#1 : vector<16xf32> to vector<1x16xf32>
      tpu.vector_store %arg8[%swap3A_153, %swap3A_154], %swap3A_157 {strides = array<i32>} : memref<128x64xf32, #tpu.memory_space<vmem>>, vector<1x16xf32>,
      %swap3A_158 = arith.index_cast %add3A_139 : i32 to index
      %swap3A_159 = arith.constant 32 : index
      %swap3A_160 = tpu.vector_load %arg8[%swap3A_158, %swap3A_159] {strides = array<i32>} : memref<128x64xf32, #tpu.memory_space<vmem>>, vector<1x16xf32>,
      %swap3A_161 = vector.shape_cast %swap3A_160 : vector<1x16xf32> to vector<16xf32>
      %swap3A_162 = vector.shape_cast %scan3A_146#2 : vector<16xf32> to vector<1x16xf32>
      tpu.vector_store %arg8[%swap3A_158, %swap3A_159], %swap3A_162 {strides = array<i32>} : memref<128x64xf32, #tpu.memory_space<vmem>>, vector<1x16xf32>,
      %swap3A_163 = arith.index_cast %add3A_139 : i32 to index
      %swap3A_164 = arith.constant 48 : index
      %swap3A_165 = tpu.vector_load %arg8[%swap3A_163, %swap3A_164] {strides = array<i32>} : memref<128x64xf32, #tpu.memory_space<vmem>>, vector<1x16xf32>,
      %swap3A_166 = vector.shape_cast %swap3A_165 : vector<1x16xf32> to vector<16xf32>
      %swap3A_167 = vector.shape_cast %scan3A_146#3 : vector<16xf32> to vector<1x16xf32>
      tpu.vector_store %arg8[%swap3A_163, %swap3A_164], %swap3A_167 {strides = array<i32>} : memref<128x64xf32, #tpu.memory_space<vmem>>, vector<1x16xf32>,
    }
    %scan3A_11 = arith.constant 32 : i32
    %mul3A_12 = arith.constant 128 : i32
    %mul3A_13 = arith.muli %add3A, %mul3A_12 : i32
    "tpu.region"() ({
      %run_scoped3A = tpu.sem_alloc : memref<!tpu.dma_semaphore, #tpu.memory_space<semaphore_mem>>
      %dma_start3A_14 = arith.constant 0 : i32
      %dma_start3A_15 = tpu.memref_slice %arg4[%mul3A_13, %dma_start3A_14] : memref<4096x64xf32, #tpu.memory_space<hbm>> -> memref<128x64xf32, #tpu.memory_space<hbm>>
      %dma_start3A_16 = arith.constant 0 : i32
      %dma_start3A_17 = tpu.memref_slice %arg4[%mul3A_13, %dma_start3A_16] : memref<4096x64xf32, #tpu.memory_space<hbm>> -> memref<128x64xf32, #tpu.memory_space<hbm>>
      tpu.enqueue_dma source(%arg8 : memref<128x64xf32, #tpu.memory_space<vmem>>) target(%dma_start3A_17 : memref<128x64xf32, #tpu.memory_space<hbm>>) target_semaphore(%run_scoped3A : memref<!tpu.dma_semaphore, #tpu.memory_space<semaphore_mem>>)
      %dma_wait3A = arith.constant 0 : i32
      %dma_wait3A_18 = tpu.memref_slice %arg4[%mul3A_13, %dma_wait3A] : memref<4096x64xf32, #tpu.memory_space<hbm>> -> memref<128x64xf32, #tpu.memory_space<hbm>>
      %dma_wait3A_19 = arith.constant 0 : i32
      %dma_wait3A_20 = tpu.memref_slice %arg4[%mul3A_13, %dma_wait3A_19] : memref<4096x64xf32, #tpu.memory_space<hbm>> -> memref<128x64xf32, #tpu.memory_space<hbm>>
      tpu.wait_dma2 semaphore(%run_scoped3A : memref<!tpu.dma_semaphore, #tpu.memory_space<semaphore_mem>>) src(%arg8 : memref<128x64xf32, #tpu.memory_space<vmem>>) dst(%dma_wait3A_20 : memref<128x64xf32, #tpu.memory_space<hbm>>)
      tpu.yield
    }) : () -> ()
    return
  }
}

#map = affine_map<(d0, d1) -> (0, 0, 0)>
#map1 = affine_map<(d0, d1) -> (0, 0)>
module attributes {stable_mosaic.version = 14 : i64} {
  func.func @_pool_word_table(%arg0: i32, %arg1: i32, %arg2: memref<32x64x100xi32, #tpu.memory_space<hbm>>, %arg3: memref<100000x64xf32, #tpu.memory_space<hbm>>, %arg4: memref<4096x64xf32, #tpu.memory_space<hbm>>, %arg5: memref<8x64xf32, #tpu.memory_space<hbm>>, %arg6: memref<64x100xi32, #tpu.memory_space<vmem>>, %arg7: memref<100x64xf32, #tpu.memory_space<vmem>>, %arg8: memref<100x64xf32, #tpu.memory_space<vmem>>, %arg9: memref<128x64xf32, #tpu.memory_space<vmem>>, %arg10: memref<16xi32, #tpu.memory_space<vmem>>, %arg11: memref<8x64xf32, #tpu.memory_space<vmem>>, %arg12: memref<!tpu.dma_semaphore, #tpu.memory_space<semaphore_mem>>, %arg13: memref<!tpu.dma_semaphore, #tpu.memory_space<semaphore_mem>>) attributes {dimension_semantics = [#tpu.dimension_semantics<core_parallel>, #tpu.dimension_semantics<subcore_parallel>], iteration_bounds = array<i64: 2, 16>, scalar_prefetch = 0 : i64, scratch_operands = 8 : i64, tpu.core_type = #tpu.core_type<sc_vector_subcore>, window_params = [{transform_indices = #map}, {transform_indices = #map1}, {transform_indices = #map1}, {transform_indices = #map1}]} {
    %mul3A = arith.constant 2 : i32
    %mul3A_0 = arith.muli %arg1, %mul3A : i32
    %add3A = arith.addi %mul3A_0, %arg0 : i32
    %eq3A = arith.constant 0 : i32
    %eq3A_1 = arith.cmpi eq, %add3A, %eq3A : i32
    %convert_element_type3A = arith.extui %eq3A_1 : i1 to i32
    %cond3A = arith.constant 0 : i32
    %cond3A_2 = arith.cmpi ne, %convert_element_type3A, %cond3A : i32
    scf.if %cond3A_2 {
      %broadcast_in_dim3A = arith.constant 0 : i32
      %broadcast_in_dim3A_19 = vector.broadcast %broadcast_in_dim3A : i32 to vector<16xi32>
      %swap3A = arith.constant 0 : index
      %swap3A_20 = tpu.vector_load %arg10[%swap3A] {strides = array<i32>} : memref<16xi32, #tpu.memory_space<vmem>>, vector<16xi32>,
      %swap3A_21 = vector.shape_cast %swap3A_20 : vector<16xi32> to vector<16xi32>
      %swap3A_22 = vector.shape_cast %broadcast_in_dim3A_19 : vector<16xi32> to vector<16xi32>
      tpu.vector_store %arg10[%swap3A], %swap3A_22 {strides = array<i32>} : memref<16xi32, #tpu.memory_space<vmem>>, vector<16xi32>,
      %dma_start3A_23 = arith.constant 0 : i32
      %dma_start3A_24 = tpu.memref_slice %arg10[%dma_start3A_23] : memref<16xi32, #tpu.memory_space<vmem>> -> memref<8xi32, #tpu.memory_space<vmem>>
      %dma_start3A_25 = arith.constant 0 : i32
      %dma_start3A_26 = arith.constant 0 : i32
      %dma_start3A_27 = tpu.memref_slice %arg3[%dma_start3A_25, %dma_start3A_26] : memref<100000x64xf32, #tpu.memory_space<hbm>> -> memref<100000x64xf32, #tpu.memory_space<hbm>>
      tpu.enqueue_indirect_dma source(%dma_start3A_27 : memref<100000x64xf32, #tpu.memory_space<hbm>>) target(%arg11 : memref<8x64xf32, #tpu.memory_space<vmem>>) offsets(%dma_start3A_24 : memref<8xi32, #tpu.memory_space<vmem>>) semaphore(%arg12 : memref<!tpu.dma_semaphore, #tpu.memory_space<semaphore_mem>>)
      %dma_wait3A = arith.constant 0 : i32
      %dma_wait3A_28 = tpu.memref_slice %arg10[%dma_wait3A] : memref<16xi32, #tpu.memory_space<vmem>> -> memref<8xi32, #tpu.memory_space<vmem>>
      %dma_wait3A_29 = arith.constant 0 : i32
      %dma_wait3A_30 = arith.constant 0 : i32
      %dma_wait3A_31 = tpu.memref_slice %arg3[%dma_wait3A_29, %dma_wait3A_30] : memref<100000x64xf32, #tpu.memory_space<hbm>> -> memref<100000x64xf32, #tpu.memory_space<hbm>>
      tpu.wait_indirect_dma semaphore(%arg12 : memref<!tpu.dma_semaphore, #tpu.memory_space<semaphore_mem>>) src(%dma_wait3A_31 : memref<100000x64xf32, #tpu.memory_space<hbm>>) dst(%arg11 : memref<8x64xf32, #tpu.memory_space<vmem>>)
      "tpu.region"() ({
        %run_scoped3A = tpu.sem_alloc : memref<!tpu.dma_semaphore, #tpu.memory_space<semaphore_mem>>
        tpu.enqueue_dma source(%arg11 : memref<8x64xf32, #tpu.memory_space<vmem>>) target(%arg5 : memref<8x64xf32, #tpu.memory_space<hbm>>) target_semaphore(%run_scoped3A : memref<!tpu.dma_semaphore, #tpu.memory_space<semaphore_mem>>)
        tpu.wait_dma2 semaphore(%run_scoped3A : memref<!tpu.dma_semaphore, #tpu.memory_space<semaphore_mem>>) src(%arg11 : memref<8x64xf32, #tpu.memory_space<vmem>>) dst(%arg5 : memref<8x64xf32, #tpu.memory_space<hbm>>)
        tpu.yield
      }) : () -> ()
    } else {
    }
    %mul3A_3 = arith.constant 2 : i32
    %mul3A_4 = arith.muli %arg1, %mul3A_3 : i32
    %add3A_5 = arith.addi %mul3A_4, %arg0 : i32
    "tpu.region"() ({
      %run_scoped3A = tpu.sem_alloc : memref<!tpu.dma_semaphore, #tpu.memory_space<semaphore_mem>>
      %dma_start3A_19 = arith.constant 0 : i32
      %dma_start3A_20 = arith.constant 0 : i32
      %dma_start3A_21 = tpu.memref_slice %arg2[%add3A_5, %dma_start3A_19, %dma_start3A_20] : memref<32x64x100xi32, #tpu.memory_space<hbm>> -> memref<1x64x100xi32, #tpu.memory_space<hbm>>
      %dma_start3A_22 = tpu.memref_squeeze %dma_start3A_21 : memref<1x64x100xi32, #tpu.memory_space<hbm>> -> memref<64x100xi32, #tpu.memory_space<hbm>>
      %dma_start3A_23 = arith.constant 0 : i32
      %dma_start3A_24 = arith.constant 0 : i32
      %dma_start3A_25 = tpu.memref_slice %arg2[%add3A_5, %dma_start3A_23, %dma_start3A_24] : memref<32x64x100xi32, #tpu.memory_space<hbm>> -> memref<1x64x100xi32, #tpu.memory_space<hbm>>
      %dma_start3A_26 = tpu.memref_squeeze %dma_start3A_25 : memref<1x64x100xi32, #tpu.memory_space<hbm>> -> memref<64x100xi32, #tpu.memory_space<hbm>>
      tpu.enqueue_dma source(%dma_start3A_26 : memref<64x100xi32, #tpu.memory_space<hbm>>) target(%arg6 : memref<64x100xi32, #tpu.memory_space<vmem>>) target_semaphore(%run_scoped3A : memref<!tpu.dma_semaphore, #tpu.memory_space<semaphore_mem>>)
      %dma_wait3A = arith.constant 0 : i32
      %dma_wait3A_27 = arith.constant 0 : i32
      %dma_wait3A_28 = tpu.memref_slice %arg2[%add3A_5, %dma_wait3A, %dma_wait3A_27] : memref<32x64x100xi32, #tpu.memory_space<hbm>> -> memref<1x64x100xi32, #tpu.memory_space<hbm>>
      %dma_wait3A_29 = tpu.memref_squeeze %dma_wait3A_28 : memref<1x64x100xi32, #tpu.memory_space<hbm>> -> memref<64x100xi32, #tpu.memory_space<hbm>>
      %dma_wait3A_30 = arith.constant 0 : i32
      %dma_wait3A_31 = arith.constant 0 : i32
      %dma_wait3A_32 = tpu.memref_slice %arg2[%add3A_5, %dma_wait3A_30, %dma_wait3A_31] : memref<32x64x100xi32, #tpu.memory_space<hbm>> -> memref<1x64x100xi32, #tpu.memory_space<hbm>>
      %dma_wait3A_33 = tpu.memref_squeeze %dma_wait3A_32 : memref<1x64x100xi32, #tpu.memory_space<hbm>> -> memref<64x100xi32, #tpu.memory_space<hbm>>
      tpu.wait_dma2 semaphore(%run_scoped3A : memref<!tpu.dma_semaphore, #tpu.memory_space<semaphore_mem>>) src(%dma_wait3A_33 : memref<64x100xi32, #tpu.memory_space<hbm>>) dst(%arg6 : memref<64x100xi32, #tpu.memory_space<vmem>>)
      tpu.yield
    }) : () -> ()
    %dma_start3A = arith.constant 0 : i32
    %dma_start3A_6 = arith.constant 0 : i32
    %dma_start3A_7 = tpu.memref_slice %arg6[%dma_start3A, %dma_start3A_6] : memref<64x100xi32, #tpu.memory_space<vmem>> -> memref<1x100xi32, #tpu.memory_space<vmem>>
    %dma_start3A_8 = tpu.memref_squeeze %dma_start3A_7 : memref<1x100xi32, #tpu.memory_space<vmem>> -> memref<100xi32, #tpu.memory_space<vmem>>
    %dma_start3A_9 = arith.constant 0 : i32
    %dma_start3A_10 = arith.constant 0 : i32
    %dma_start3A_11 = tpu.memref_slice %arg3[%dma_start3A_9, %dma_start3A_10] : memref<100000x64xf32, #tpu.memory_space<hbm>> -> memref<100000x64xf32, #tpu.memory_space<hbm>>
    tpu.enqueue_indirect_dma source(%dma_start3A_11 : memref<100000x64xf32, #tpu.memory_space<hbm>>) target(%arg7 : memref<100x64xf32, #tpu.memory_space<vmem>>) offsets(%dma_start3A_8 : memref<100xi32, #tpu.memory_space<vmem>>) semaphore(%arg12 : memref<!tpu.dma_semaphore, #tpu.memory_space<semaphore_mem>>)
    %scan3A = arith.constant 0 : i32
    %scan3A_12 = arith.constant 0 : i32
    %scan3A_13 = arith.constant 32 : i32
    %scan3A_14 = arith.addi %scan3A_12, %scan3A_13 : i32
    %scan3A_15 = arith.constant 1 : i32
    scf.for %scan3A_19 = %scan3A_12 to %scan3A_14 step %scan3A_15  : i32 {
      %mul3A_20 = arith.constant 2 : i32
      %mul3A_21 = arith.muli %mul3A_20, %scan3A_19 : i32
      %add3A_22 = arith.constant 1 : i32
      %add3A_23 = arith.addi %mul3A_21, %add3A_22 : i32
      %dma_start3A_24 = arith.constant 0 : i32
      %dma_start3A_25 = tpu.memref_slice %arg6[%add3A_23, %dma_start3A_24] : memref<64x100xi32, #tpu.memory_space<vmem>> -> memref<1x100xi32, #tpu.memory_space<vmem>>
      %dma_start3A_26 = tpu.memref_squeeze %dma_start3A_25 : memref<1x100xi32, #tpu.memory_space<vmem>> -> memref<100xi32, #tpu.memory_space<vmem>>
      %dma_start3A_27 = arith.constant 0 : i32
      %dma_start3A_28 = arith.constant 0 : i32
      %dma_start3A_29 = tpu.memref_slice %arg3[%dma_start3A_27, %dma_start3A_28] : memref<100000x64xf32, #tpu.memory_space<hbm>> -> memref<100000x64xf32, #tpu.memory_space<hbm>>
      tpu.enqueue_indirect_dma source(%dma_start3A_29 : memref<100000x64xf32, #tpu.memory_space<hbm>>) target(%arg8 : memref<100x64xf32, #tpu.memory_space<vmem>>) offsets(%dma_start3A_26 : memref<100xi32, #tpu.memory_space<vmem>>) semaphore(%arg13 : memref<!tpu.dma_semaphore, #tpu.memory_space<semaphore_mem>>)
      %dma_wait3A = arith.constant 0 : i32
      %dma_wait3A_30 = tpu.memref_slice %arg6[%mul3A_21, %dma_wait3A] : memref<64x100xi32, #tpu.memory_space<vmem>> -> memref<1x100xi32, #tpu.memory_space<vmem>>
      %dma_wait3A_31 = tpu.memref_squeeze %dma_wait3A_30 : memref<1x100xi32, #tpu.memory_space<vmem>> -> memref<100xi32, #tpu.memory_space<vmem>>
      %dma_wait3A_32 = arith.constant 0 : i32
      %dma_wait3A_33 = arith.constant 0 : i32
      %dma_wait3A_34 = tpu.memref_slice %arg3[%dma_wait3A_32, %dma_wait3A_33] : memref<100000x64xf32, #tpu.memory_space<hbm>> -> memref<100000x64xf32, #tpu.memory_space<hbm>>
      tpu.wait_indirect_dma semaphore(%arg12 : memref<!tpu.dma_semaphore, #tpu.memory_space<semaphore_mem>>) src(%dma_wait3A_34 : memref<100000x64xf32, #tpu.memory_space<hbm>>) dst(%arg7 : memref<100x64xf32, #tpu.memory_space<vmem>>)
      %mul3A_35 = arith.constant 2 : i32
      %mul3A_36 = arith.muli %mul3A_35, %mul3A_21 : i32
      %add3A_37 = arith.constant 0 : i32
      %add3A_38 = arith.addi %mul3A_36, %add3A_37 : i32
      %broadcast_in_dim3A = arith.constant 0.000000e+00 : f32
      %broadcast_in_dim3A_39 = vector.broadcast %broadcast_in_dim3A : f32 to vector<16xf32>
      %scan3A_40 = arith.constant 0 : i32
      %scan3A_41 = arith.constant 10 : i32
      %scan3A_42 = arith.addi %scan3A_40, %scan3A_41 : i32
      %scan3A_43 = arith.constant 1 : i32
      %scan3A_44:4 = scf.for %scan3A_175 = %scan3A_40 to %scan3A_42 step %scan3A_43 iter_args(%scan3A_176 = %broadcast_in_dim3A_39, %scan3A_177 = %broadcast_in_dim3A_39, %scan3A_178 = %broadcast_in_dim3A_39, %scan3A_179 = %broadcast_in_dim3A_39) -> (vector<16xf32>, vector<16xf32>, vector<16xf32>, vector<16xf32>)  : i32 {
        %mul3A_180 = arith.constant 5 : i32
        %mul3A_181 = arith.muli %scan3A_175, %mul3A_180 : i32
        %add3A_182 = arith.constant 0 : i32
        %add3A_183 = arith.addi %add3A_182, %mul3A_181 : i32
        %add3A_184 = arith.constant 0 : i32
        %add3A_185 = arith.addi %add3A_183, %add3A_184 : i32
        %get3A = arith.index_cast %add3A_185 : i32 to index
        %get3A_186 = arith.constant 0 : index
        %get3A_187 = tpu.vector_load %arg7[%get3A, %get3A_186] {strides = array<i32>} : memref<100x64xf32, #tpu.memory_space<vmem>>, vector<1x16xf32>,
        %get3A_188 = vector.shape_cast %get3A_187 : vector<1x16xf32> to vector<16xf32>
        %add3A_189 = arith.addf %scan3A_176, %get3A_188 : vector<16xf32>
        %add3A_190 = arith.constant 0 : i32
        %add3A_191 = arith.addi %add3A_183, %add3A_190 : i32
        %get3A_192 = arith.index_cast %add3A_191 : i32 to index
        %get3A_193 = arith.constant 16 : index
        %get3A_194 = tpu.vector_load %arg7[%get3A_192, %get3A_193] {strides = array<i32>} : memref<100x64xf32, #tpu.memory_space<vmem>>, vector<1x16xf32>,
        %get3A_195 = vector.shape_cast %get3A_194 : vector<1x16xf32> to vector<16xf32>
        %add3A_196 = arith.addf %scan3A_177, %get3A_195 : vector<16xf32>
        %add3A_197 = arith.constant 0 : i32
        %add3A_198 = arith.addi %add3A_183, %add3A_197 : i32
        %get3A_199 = arith.index_cast %add3A_198 : i32 to index
        %get3A_200 = arith.constant 32 : index
        %get3A_201 = tpu.vector_load %arg7[%get3A_199, %get3A_200] {strides = array<i32>} : memref<100x64xf32, #tpu.memory_space<vmem>>, vector<1x16xf32>,
        %get3A_202 = vector.shape_cast %get3A_201 : vector<1x16xf32> to vector<16xf32>
        %add3A_203 = arith.addf %scan3A_178, %get3A_202 : vector<16xf32>
        %add3A_204 = arith.constant 0 : i32
        %add3A_205 = arith.addi %add3A_183, %add3A_204 : i32
        %get3A_206 = arith.index_cast %add3A_205 : i32 to index
        %get3A_207 = arith.constant 48 : index
        %get3A_208 = tpu.vector_load %arg7[%get3A_206, %get3A_207] {strides = array<i32>} : memref<100x64xf32, #tpu.memory_space<vmem>>, vector<1x16xf32>,
        %get3A_209 = vector.shape_cast %get3A_208 : vector<1x16xf32> to vector<16xf32>
        %add3A_210 = arith.addf %scan3A_179, %get3A_209 : vector<16xf32>
        %add3A_211 = arith.constant 1 : i32
        %add3A_212 = arith.addi %add3A_183, %add3A_211 : i32
        %get3A_213 = arith.index_cast %add3A_212 : i32 to index
        %get3A_214 = arith.constant 0 : index
        %get3A_215 = tpu.vector_load %arg7[%get3A_213, %get3A_214] {strides = array<i32>} : memref<100x64xf32, #tpu.memory_space<vmem>>, vector<1x16xf32>,
        %get3A_216 = vector.shape_cast %get3A_215 : vector<1x16xf32> to vector<16xf32>
        %add3A_217 = arith.addf %add3A_189, %get3A_216 : vector<16xf32>
        %add3A_218 = arith.constant 1 : i32
        %add3A_219 = arith.addi %add3A_183, %add3A_218 : i32
        %get3A_220 = arith.index_cast %add3A_219 : i32 to index
        %get3A_221 = arith.constant 16 : index
        %get3A_222 = tpu.vector_load %arg7[%get3A_220, %get3A_221] {strides = array<i32>} : memref<100x64xf32, #tpu.memory_space<vmem>>, vector<1x16xf32>,
        %get3A_223 = vector.shape_cast %get3A_222 : vector<1x16xf32> to vector<16xf32>
        %add3A_224 = arith.addf %add3A_196, %get3A_223 : vector<16xf32>
        %add3A_225 = arith.constant 1 : i32
        %add3A_226 = arith.addi %add3A_183, %add3A_225 : i32
        %get3A_227 = arith.index_cast %add3A_226 : i32 to index
        %get3A_228 = arith.constant 32 : index
        %get3A_229 = tpu.vector_load %arg7[%get3A_227, %get3A_228] {strides = array<i32>} : memref<100x64xf32, #tpu.memory_space<vmem>>, vector<1x16xf32>,
        %get3A_230 = vector.shape_cast %get3A_229 : vector<1x16xf32> to vector<16xf32>
        %add3A_231 = arith.addf %add3A_203, %get3A_230 : vector<16xf32>
        %add3A_232 = arith.constant 1 : i32
        %add3A_233 = arith.addi %add3A_183, %add3A_232 : i32
        %get3A_234 = arith.index_cast %add3A_233 : i32 to index
        %get3A_235 = arith.constant 48 : index
        %get3A_236 = tpu.vector_load %arg7[%get3A_234, %get3A_235] {strides = array<i32>} : memref<100x64xf32, #tpu.memory_space<vmem>>, vector<1x16xf32>,
        %get3A_237 = vector.shape_cast %get3A_236 : vector<1x16xf32> to vector<16xf32>
        %add3A_238 = arith.addf %add3A_210, %get3A_237 : vector<16xf32>
        %add3A_239 = arith.constant 2 : i32
        %add3A_240 = arith.addi %add3A_183, %add3A_239 : i32
        %get3A_241 = arith.index_cast %add3A_240 : i32 to index
        %get3A_242 = arith.constant 0 : index
        %get3A_243 = tpu.vector_load %arg7[%get3A_241, %get3A_242] {strides = array<i32>} : memref<100x64xf32, #tpu.memory_space<vmem>>, vector<1x16xf32>,
        %get3A_244 = vector.shape_cast %get3A_243 : vector<1x16xf32> to vector<16xf32>
        %add3A_245 = arith.addf %add3A_217, %get3A_244 : vector<16xf32>
        %add3A_246 = arith.constant 2 : i32
        %add3A_247 = arith.addi %add3A_183, %add3A_246 : i32
        %get3A_248 = arith.index_cast %add3A_247 : i32 to index
        %get3A_249 = arith.constant 16 : index
        %get3A_250 = tpu.vector_load %arg7[%get3A_248, %get3A_249] {strides = array<i32>} : memref<100x64xf32, #tpu.memory_space<vmem>>, vector<1x16xf32>,
        %get3A_251 = vector.shape_cast %get3A_250 : vector<1x16xf32> to vector<16xf32>
        %add3A_252 = arith.addf %add3A_224, %get3A_251 : vector<16xf32>
        %add3A_253 = arith.constant 2 : i32
        %add3A_254 = arith.addi %add3A_183, %add3A_253 : i32
        %get3A_255 = arith.index_cast %add3A_254 : i32 to index
        %get3A_256 = arith.constant 32 : index
        %get3A_257 = tpu.vector_load %arg7[%get3A_255, %get3A_256] {strides = array<i32>} : memref<100x64xf32, #tpu.memory_space<vmem>>, vector<1x16xf32>,
        %get3A_258 = vector.shape_cast %get3A_257 : vector<1x16xf32> to vector<16xf32>
        %add3A_259 = arith.addf %add3A_231, %get3A_258 : vector<16xf32>
        %add3A_260 = arith.constant 2 : i32
        %add3A_261 = arith.addi %add3A_183, %add3A_260 : i32
        %get3A_262 = arith.index_cast %add3A_261 : i32 to index
        %get3A_263 = arith.constant 48 : index
        %get3A_264 = tpu.vector_load %arg7[%get3A_262, %get3A_263] {strides = array<i32>} : memref<100x64xf32, #tpu.memory_space<vmem>>, vector<1x16xf32>,
        %get3A_265 = vector.shape_cast %get3A_264 : vector<1x16xf32> to vector<16xf32>
        %add3A_266 = arith.addf %add3A_238, %get3A_265 : vector<16xf32>
        %add3A_267 = arith.constant 3 : i32
        %add3A_268 = arith.addi %add3A_183, %add3A_267 : i32
        %get3A_269 = arith.index_cast %add3A_268 : i32 to index
        %get3A_270 = arith.constant 0 : index
        %get3A_271 = tpu.vector_load %arg7[%get3A_269, %get3A_270] {strides = array<i32>} : memref<100x64xf32, #tpu.memory_space<vmem>>, vector<1x16xf32>,
        %get3A_272 = vector.shape_cast %get3A_271 : vector<1x16xf32> to vector<16xf32>
        %add3A_273 = arith.addf %add3A_245, %get3A_272 : vector<16xf32>
        %add3A_274 = arith.constant 3 : i32
        %add3A_275 = arith.addi %add3A_183, %add3A_274 : i32
        %get3A_276 = arith.index_cast %add3A_275 : i32 to index
        %get3A_277 = arith.constant 16 : index
        %get3A_278 = tpu.vector_load %arg7[%get3A_276, %get3A_277] {strides = array<i32>} : memref<100x64xf32, #tpu.memory_space<vmem>>, vector<1x16xf32>,
        %get3A_279 = vector.shape_cast %get3A_278 : vector<1x16xf32> to vector<16xf32>
        %add3A_280 = arith.addf %add3A_252, %get3A_279 : vector<16xf32>
        %add3A_281 = arith.constant 3 : i32
        %add3A_282 = arith.addi %add3A_183, %add3A_281 : i32
        %get3A_283 = arith.index_cast %add3A_282 : i32 to index
        %get3A_284 = arith.constant 32 : index
        %get3A_285 = tpu.vector_load %arg7[%get3A_283, %get3A_284] {strides = array<i32>} : memref<100x64xf32, #tpu.memory_space<vmem>>, vector<1x16xf32>,
        %get3A_286 = vector.shape_cast %get3A_285 : vector<1x16xf32> to vector<16xf32>
        %add3A_287 = arith.addf %add3A_259, %get3A_286 : vector<16xf32>
        %add3A_288 = arith.constant 3 : i32
        %add3A_289 = arith.addi %add3A_183, %add3A_288 : i32
        %get3A_290 = arith.index_cast %add3A_289 : i32 to index
        %get3A_291 = arith.constant 48 : index
        %get3A_292 = tpu.vector_load %arg7[%get3A_290, %get3A_291] {strides = array<i32>} : memref<100x64xf32, #tpu.memory_space<vmem>>, vector<1x16xf32>,
        %get3A_293 = vector.shape_cast %get3A_292 : vector<1x16xf32> to vector<16xf32>
        %add3A_294 = arith.addf %add3A_266, %get3A_293 : vector<16xf32>
        %add3A_295 = arith.constant 4 : i32
        %add3A_296 = arith.addi %add3A_183, %add3A_295 : i32
        %get3A_297 = arith.index_cast %add3A_296 : i32 to index
        %get3A_298 = arith.constant 0 : index
        %get3A_299 = tpu.vector_load %arg7[%get3A_297, %get3A_298] {strides = array<i32>} : memref<100x64xf32, #tpu.memory_space<vmem>>, vector<1x16xf32>,
        %get3A_300 = vector.shape_cast %get3A_299 : vector<1x16xf32> to vector<16xf32>
        %add3A_301 = arith.addf %add3A_273, %get3A_300 : vector<16xf32>
        %add3A_302 = arith.constant 4 : i32
        %add3A_303 = arith.addi %add3A_183, %add3A_302 : i32
        %get3A_304 = arith.index_cast %add3A_303 : i32 to index
        %get3A_305 = arith.constant 16 : index
        %get3A_306 = tpu.vector_load %arg7[%get3A_304, %get3A_305] {strides = array<i32>} : memref<100x64xf32, #tpu.memory_space<vmem>>, vector<1x16xf32>,
        %get3A_307 = vector.shape_cast %get3A_306 : vector<1x16xf32> to vector<16xf32>
        %add3A_308 = arith.addf %add3A_280, %get3A_307 : vector<16xf32>
        %add3A_309 = arith.constant 4 : i32
        %add3A_310 = arith.addi %add3A_183, %add3A_309 : i32
        %get3A_311 = arith.index_cast %add3A_310 : i32 to index
        %get3A_312 = arith.constant 32 : index
        %get3A_313 = tpu.vector_load %arg7[%get3A_311, %get3A_312] {strides = array<i32>} : memref<100x64xf32, #tpu.memory_space<vmem>>, vector<1x16xf32>,
        %get3A_314 = vector.shape_cast %get3A_313 : vector<1x16xf32> to vector<16xf32>
        %add3A_315 = arith.addf %add3A_287, %get3A_314 : vector<16xf32>
        %add3A_316 = arith.constant 4 : i32
        %add3A_317 = arith.addi %add3A_183, %add3A_316 : i32
        %get3A_318 = arith.index_cast %add3A_317 : i32 to index
        %get3A_319 = arith.constant 48 : index
        %get3A_320 = tpu.vector_load %arg7[%get3A_318, %get3A_319] {strides = array<i32>} : memref<100x64xf32, #tpu.memory_space<vmem>>, vector<1x16xf32>,
        %get3A_321 = vector.shape_cast %get3A_320 : vector<1x16xf32> to vector<16xf32>
        %add3A_322 = arith.addf %add3A_294, %get3A_321 : vector<16xf32>
        scf.yield %add3A_301, %add3A_308, %add3A_315, %add3A_322 : vector<16xf32>, vector<16xf32>, vector<16xf32>, vector<16xf32>
      }
      %scan3A_45 = arith.constant 10 : i32
      %swap3A = arith.index_cast %add3A_38 : i32 to index
      %swap3A_46 = arith.constant 0 : index
      %swap3A_47 = tpu.vector_load %arg9[%swap3A, %swap3A_46] {strides = array<i32>} : memref<128x64xf32, #tpu.memory_space<vmem>>, vector<1x16xf32>,
      %swap3A_48 = vector.shape_cast %swap3A_47 : vector<1x16xf32> to vector<16xf32>
      %swap3A_49 = vector.shape_cast %scan3A_44#0 : vector<16xf32> to vector<1x16xf32>
      tpu.vector_store %arg9[%swap3A, %swap3A_46], %swap3A_49 {strides = array<i32>} : memref<128x64xf32, #tpu.memory_space<vmem>>, vector<1x16xf32>,
      %swap3A_50 = arith.index_cast %add3A_38 : i32 to index
      %swap3A_51 = arith.constant 16 : index
      %swap3A_52 = tpu.vector_load %arg9[%swap3A_50, %swap3A_51] {strides = array<i32>} : memref<128x64xf32, #tpu.memory_space<vmem>>, vector<1x16xf32>,
      %swap3A_53 = vector.shape_cast %swap3A_52 : vector<1x16xf32> to vector<16xf32>
      %swap3A_54 = vector.shape_cast %scan3A_44#1 : vector<16xf32> to vector<1x16xf32>
      tpu.vector_store %arg9[%swap3A_50, %swap3A_51], %swap3A_54 {strides = array<i32>} : memref<128x64xf32, #tpu.memory_space<vmem>>, vector<1x16xf32>,
      %swap3A_55 = arith.index_cast %add3A_38 : i32 to index
      %swap3A_56 = arith.constant 32 : index
      %swap3A_57 = tpu.vector_load %arg9[%swap3A_55, %swap3A_56] {strides = array<i32>} : memref<128x64xf32, #tpu.memory_space<vmem>>, vector<1x16xf32>,
      %swap3A_58 = vector.shape_cast %swap3A_57 : vector<1x16xf32> to vector<16xf32>
      %swap3A_59 = vector.shape_cast %scan3A_44#2 : vector<16xf32> to vector<1x16xf32>
      tpu.vector_store %arg9[%swap3A_55, %swap3A_56], %swap3A_59 {strides = array<i32>} : memref<128x64xf32, #tpu.memory_space<vmem>>, vector<1x16xf32>,
      %swap3A_60 = arith.index_cast %add3A_38 : i32 to index
      %swap3A_61 = arith.constant 48 : index
      %swap3A_62 = tpu.vector_load %arg9[%swap3A_60, %swap3A_61] {strides = array<i32>} : memref<128x64xf32, #tpu.memory_space<vmem>>, vector<1x16xf32>,
      %swap3A_63 = vector.shape_cast %swap3A_62 : vector<1x16xf32> to vector<16xf32>
      %swap3A_64 = vector.shape_cast %scan3A_44#3 : vector<16xf32> to vector<1x16xf32>
      tpu.vector_store %arg9[%swap3A_60, %swap3A_61], %swap3A_64 {strides = array<i32>} : memref<128x64xf32, #tpu.memory_space<vmem>>, vector<1x16xf32>,
      %mul3A_65 = arith.constant 2 : i32
      %mul3A_66 = arith.muli %mul3A_65, %mul3A_21 : i32
      %add3A_67 = arith.constant 1 : i32
      %add3A_68 = arith.addi %mul3A_66, %add3A_67 : i32
      %broadcast_in_dim3A_69 = arith.constant 0.000000e+00 : f32
      %broadcast_in_dim3A_70 = vector.broadcast %broadcast_in_dim3A_69 : f32 to vector<16xf32>
      %scan3A_71 = arith.constant 0 : i32
      %scan3A_72 = arith.constant 10 : i32
      %scan3A_73 = arith.addi %scan3A_71, %scan3A_72 : i32
      %scan3A_74 = arith.constant 1 : i32
      %scan3A_75:4 = scf.for %scan3A_175 = %scan3A_71 to %scan3A_73 step %scan3A_74 iter_args(%scan3A_176 = %broadcast_in_dim3A_70, %scan3A_177 = %broadcast_in_dim3A_70, %scan3A_178 = %broadcast_in_dim3A_70, %scan3A_179 = %broadcast_in_dim3A_70) -> (vector<16xf32>, vector<16xf32>, vector<16xf32>, vector<16xf32>)  : i32 {
        %mul3A_180 = arith.constant 5 : i32
        %mul3A_181 = arith.muli %scan3A_175, %mul3A_180 : i32
        %add3A_182 = arith.constant 50 : i32
        %add3A_183 = arith.addi %add3A_182, %mul3A_181 : i32
        %add3A_184 = arith.constant 0 : i32
        %add3A_185 = arith.addi %add3A_183, %add3A_184 : i32
        %get3A = arith.index_cast %add3A_185 : i32 to index
        %get3A_186 = arith.constant 0 : index
        %get3A_187 = tpu.vector_load %arg7[%get3A, %get3A_186] {strides = array<i32>} : memref<100x64xf32, #tpu.memory_space<vmem>>, vector<1x16xf32>,
        %get3A_188 = vector.shape_cast %get3A_187 : vector<1x16xf32> to vector<16xf32>
        %add3A_189 = arith.addf %scan3A_176, %get3A_188 : vector<16xf32>
        %add3A_190 = arith.constant 0 : i32
        %add3A_191 = arith.addi %add3A_183, %add3A_190 : i32
        %get3A_192 = arith.index_cast %add3A_191 : i32 to index
        %get3A_193 = arith.constant 16 : index
        %get3A_194 = tpu.vector_load %arg7[%get3A_192, %get3A_193] {strides = array<i32>} : memref<100x64xf32, #tpu.memory_space<vmem>>, vector<1x16xf32>,
        %get3A_195 = vector.shape_cast %get3A_194 : vector<1x16xf32> to vector<16xf32>
        %add3A_196 = arith.addf %scan3A_177, %get3A_195 : vector<16xf32>
        %add3A_197 = arith.constant 0 : i32
        %add3A_198 = arith.addi %add3A_183, %add3A_197 : i32
        %get3A_199 = arith.index_cast %add3A_198 : i32 to index
        %get3A_200 = arith.constant 32 : index
        %get3A_201 = tpu.vector_load %arg7[%get3A_199, %get3A_200] {strides = array<i32>} : memref<100x64xf32, #tpu.memory_space<vmem>>, vector<1x16xf32>,
        %get3A_202 = vector.shape_cast %get3A_201 : vector<1x16xf32> to vector<16xf32>
        %add3A_203 = arith.addf %scan3A_178, %get3A_202 : vector<16xf32>
        %add3A_204 = arith.constant 0 : i32
        %add3A_205 = arith.addi %add3A_183, %add3A_204 : i32
        %get3A_206 = arith.index_cast %add3A_205 : i32 to index
        %get3A_207 = arith.constant 48 : index
        %get3A_208 = tpu.vector_load %arg7[%get3A_206, %get3A_207] {strides = array<i32>} : memref<100x64xf32, #tpu.memory_space<vmem>>, vector<1x16xf32>,
        %get3A_209 = vector.shape_cast %get3A_208 : vector<1x16xf32> to vector<16xf32>
        %add3A_210 = arith.addf %scan3A_179, %get3A_209 : vector<16xf32>
        %add3A_211 = arith.constant 1 : i32
        %add3A_212 = arith.addi %add3A_183, %add3A_211 : i32
        %get3A_213 = arith.index_cast %add3A_212 : i32 to index
        %get3A_214 = arith.constant 0 : index
        %get3A_215 = tpu.vector_load %arg7[%get3A_213, %get3A_214] {strides = array<i32>} : memref<100x64xf32, #tpu.memory_space<vmem>>, vector<1x16xf32>,
        %get3A_216 = vector.shape_cast %get3A_215 : vector<1x16xf32> to vector<16xf32>
        %add3A_217 = arith.addf %add3A_189, %get3A_216 : vector<16xf32>
        %add3A_218 = arith.constant 1 : i32
        %add3A_219 = arith.addi %add3A_183, %add3A_218 : i32
        %get3A_220 = arith.index_cast %add3A_219 : i32 to index
        %get3A_221 = arith.constant 16 : index
        %get3A_222 = tpu.vector_load %arg7[%get3A_220, %get3A_221] {strides = array<i32>} : memref<100x64xf32, #tpu.memory_space<vmem>>, vector<1x16xf32>,
        %get3A_223 = vector.shape_cast %get3A_222 : vector<1x16xf32> to vector<16xf32>
        %add3A_224 = arith.addf %add3A_196, %get3A_223 : vector<16xf32>
        %add3A_225 = arith.constant 1 : i32
        %add3A_226 = arith.addi %add3A_183, %add3A_225 : i32
        %get3A_227 = arith.index_cast %add3A_226 : i32 to index
        %get3A_228 = arith.constant 32 : index
        %get3A_229 = tpu.vector_load %arg7[%get3A_227, %get3A_228] {strides = array<i32>} : memref<100x64xf32, #tpu.memory_space<vmem>>, vector<1x16xf32>,
        %get3A_230 = vector.shape_cast %get3A_229 : vector<1x16xf32> to vector<16xf32>
        %add3A_231 = arith.addf %add3A_203, %get3A_230 : vector<16xf32>
        %add3A_232 = arith.constant 1 : i32
        %add3A_233 = arith.addi %add3A_183, %add3A_232 : i32
        %get3A_234 = arith.index_cast %add3A_233 : i32 to index
        %get3A_235 = arith.constant 48 : index
        %get3A_236 = tpu.vector_load %arg7[%get3A_234, %get3A_235] {strides = array<i32>} : memref<100x64xf32, #tpu.memory_space<vmem>>, vector<1x16xf32>,
        %get3A_237 = vector.shape_cast %get3A_236 : vector<1x16xf32> to vector<16xf32>
        %add3A_238 = arith.addf %add3A_210, %get3A_237 : vector<16xf32>
        %add3A_239 = arith.constant 2 : i32
        %add3A_240 = arith.addi %add3A_183, %add3A_239 : i32
        %get3A_241 = arith.index_cast %add3A_240 : i32 to index
        %get3A_242 = arith.constant 0 : index
        %get3A_243 = tpu.vector_load %arg7[%get3A_241, %get3A_242] {strides = array<i32>} : memref<100x64xf32, #tpu.memory_space<vmem>>, vector<1x16xf32>,
        %get3A_244 = vector.shape_cast %get3A_243 : vector<1x16xf32> to vector<16xf32>
        %add3A_245 = arith.addf %add3A_217, %get3A_244 : vector<16xf32>
        %add3A_246 = arith.constant 2 : i32
        %add3A_247 = arith.addi %add3A_183, %add3A_246 : i32
        %get3A_248 = arith.index_cast %add3A_247 : i32 to index
        %get3A_249 = arith.constant 16 : index
        %get3A_250 = tpu.vector_load %arg7[%get3A_248, %get3A_249] {strides = array<i32>} : memref<100x64xf32, #tpu.memory_space<vmem>>, vector<1x16xf32>,
        %get3A_251 = vector.shape_cast %get3A_250 : vector<1x16xf32> to vector<16xf32>
        %add3A_252 = arith.addf %add3A_224, %get3A_251 : vector<16xf32>
        %add3A_253 = arith.constant 2 : i32
        %add3A_254 = arith.addi %add3A_183, %add3A_253 : i32
        %get3A_255 = arith.index_cast %add3A_254 : i32 to index
        %get3A_256 = arith.constant 32 : index
        %get3A_257 = tpu.vector_load %arg7[%get3A_255, %get3A_256] {strides = array<i32>} : memref<100x64xf32, #tpu.memory_space<vmem>>, vector<1x16xf32>,
        %get3A_258 = vector.shape_cast %get3A_257 : vector<1x16xf32> to vector<16xf32>
        %add3A_259 = arith.addf %add3A_231, %get3A_258 : vector<16xf32>
        %add3A_260 = arith.constant 2 : i32
        %add3A_261 = arith.addi %add3A_183, %add3A_260 : i32
        %get3A_262 = arith.index_cast %add3A_261 : i32 to index
        %get3A_263 = arith.constant 48 : index
        %get3A_264 = tpu.vector_load %arg7[%get3A_262, %get3A_263] {strides = array<i32>} : memref<100x64xf32, #tpu.memory_space<vmem>>, vector<1x16xf32>,
        %get3A_265 = vector.shape_cast %get3A_264 : vector<1x16xf32> to vector<16xf32>
        %add3A_266 = arith.addf %add3A_238, %get3A_265 : vector<16xf32>
        %add3A_267 = arith.constant 3 : i32
        %add3A_268 = arith.addi %add3A_183, %add3A_267 : i32
        %get3A_269 = arith.index_cast %add3A_268 : i32 to index
        %get3A_270 = arith.constant 0 : index
        %get3A_271 = tpu.vector_load %arg7[%get3A_269, %get3A_270] {strides = array<i32>} : memref<100x64xf32, #tpu.memory_space<vmem>>, vector<1x16xf32>,
        %get3A_272 = vector.shape_cast %get3A_271 : vector<1x16xf32> to vector<16xf32>
        %add3A_273 = arith.addf %add3A_245, %get3A_272 : vector<16xf32>
        %add3A_274 = arith.constant 3 : i32
        %add3A_275 = arith.addi %add3A_183, %add3A_274 : i32
        %get3A_276 = arith.index_cast %add3A_275 : i32 to index
        %get3A_277 = arith.constant 16 : index
        %get3A_278 = tpu.vector_load %arg7[%get3A_276, %get3A_277] {strides = array<i32>} : memref<100x64xf32, #tpu.memory_space<vmem>>, vector<1x16xf32>,
        %get3A_279 = vector.shape_cast %get3A_278 : vector<1x16xf32> to vector<16xf32>
        %add3A_280 = arith.addf %add3A_252, %get3A_279 : vector<16xf32>
        %add3A_281 = arith.constant 3 : i32
        %add3A_282 = arith.addi %add3A_183, %add3A_281 : i32
        %get3A_283 = arith.index_cast %add3A_282 : i32 to index
        %get3A_284 = arith.constant 32 : index
        %get3A_285 = tpu.vector_load %arg7[%get3A_283, %get3A_284] {strides = array<i32>} : memref<100x64xf32, #tpu.memory_space<vmem>>, vector<1x16xf32>,
        %get3A_286 = vector.shape_cast %get3A_285 : vector<1x16xf32> to vector<16xf32>
        %add3A_287 = arith.addf %add3A_259, %get3A_286 : vector<16xf32>
        %add3A_288 = arith.constant 3 : i32
        %add3A_289 = arith.addi %add3A_183, %add3A_288 : i32
        %get3A_290 = arith.index_cast %add3A_289 : i32 to index
        %get3A_291 = arith.constant 48 : index
        %get3A_292 = tpu.vector_load %arg7[%get3A_290, %get3A_291] {strides = array<i32>} : memref<100x64xf32, #tpu.memory_space<vmem>>, vector<1x16xf32>,
        %get3A_293 = vector.shape_cast %get3A_292 : vector<1x16xf32> to vector<16xf32>
        %add3A_294 = arith.addf %add3A_266, %get3A_293 : vector<16xf32>
        %add3A_295 = arith.constant 4 : i32
        %add3A_296 = arith.addi %add3A_183, %add3A_295 : i32
        %get3A_297 = arith.index_cast %add3A_296 : i32 to index
        %get3A_298 = arith.constant 0 : index
        %get3A_299 = tpu.vector_load %arg7[%get3A_297, %get3A_298] {strides = array<i32>} : memref<100x64xf32, #tpu.memory_space<vmem>>, vector<1x16xf32>,
        %get3A_300 = vector.shape_cast %get3A_299 : vector<1x16xf32> to vector<16xf32>
        %add3A_301 = arith.addf %add3A_273, %get3A_300 : vector<16xf32>
        %add3A_302 = arith.constant 4 : i32
        %add3A_303 = arith.addi %add3A_183, %add3A_302 : i32
        %get3A_304 = arith.index_cast %add3A_303 : i32 to index
        %get3A_305 = arith.constant 16 : index
        %get3A_306 = tpu.vector_load %arg7[%get3A_304, %get3A_305] {strides = array<i32>} : memref<100x64xf32, #tpu.memory_space<vmem>>, vector<1x16xf32>,
        %get3A_307 = vector.shape_cast %get3A_306 : vector<1x16xf32> to vector<16xf32>
        %add3A_308 = arith.addf %add3A_280, %get3A_307 : vector<16xf32>
        %add3A_309 = arith.constant 4 : i32
        %add3A_310 = arith.addi %add3A_183, %add3A_309 : i32
        %get3A_311 = arith.index_cast %add3A_310 : i32 to index
        %get3A_312 = arith.constant 32 : index
        %get3A_313 = tpu.vector_load %arg7[%get3A_311, %get3A_312] {strides = array<i32>} : memref<100x64xf32, #tpu.memory_space<vmem>>, vector<1x16xf32>,
        %get3A_314 = vector.shape_cast %get3A_313 : vector<1x16xf32> to vector<16xf32>
        %add3A_315 = arith.addf %add3A_287, %get3A_314 : vector<16xf32>
        %add3A_316 = arith.constant 4 : i32
        %add3A_317 = arith.addi %add3A_183, %add3A_316 : i32
        %get3A_318 = arith.index_cast %add3A_317 : i32 to index
        %get3A_319 = arith.constant 48 : index
        %get3A_320 = tpu.vector_load %arg7[%get3A_318, %get3A_319] {strides = array<i32>} : memref<100x64xf32, #tpu.memory_space<vmem>>, vector<1x16xf32>,
        %get3A_321 = vector.shape_cast %get3A_320 : vector<1x16xf32> to vector<16xf32>
        %add3A_322 = arith.addf %add3A_294, %get3A_321 : vector<16xf32>
        scf.yield %add3A_301, %add3A_308, %add3A_315, %add3A_322 : vector<16xf32>, vector<16xf32>, vector<16xf32>, vector<16xf32>
      }
      %scan3A_76 = arith.constant 10 : i32
      %swap3A_77 = arith.index_cast %add3A_68 : i32 to index
      %swap3A_78 = arith.constant 0 : index
      %swap3A_79 = tpu.vector_load %arg9[%swap3A_77, %swap3A_78] {strides = array<i32>} : memref<128x64xf32, #tpu.memory_space<vmem>>, vector<1x16xf32>,
      %swap3A_80 = vector.shape_cast %swap3A_79 : vector<1x16xf32> to vector<16xf32>
      %swap3A_81 = vector.shape_cast %scan3A_75#0 : vector<16xf32> to vector<1x16xf32>
      tpu.vector_store %arg9[%swap3A_77, %swap3A_78], %swap3A_81 {strides = array<i32>} : memref<128x64xf32, #tpu.memory_space<vmem>>, vector<1x16xf32>,
      %swap3A_82 = arith.index_cast %add3A_68 : i32 to index
      %swap3A_83 = arith.constant 16 : index
      %swap3A_84 = tpu.vector_load %arg9[%swap3A_82, %swap3A_83] {strides = array<i32>} : memref<128x64xf32, #tpu.memory_space<vmem>>, vector<1x16xf32>,
      %swap3A_85 = vector.shape_cast %swap3A_84 : vector<1x16xf32> to vector<16xf32>
      %swap3A_86 = vector.shape_cast %scan3A_75#1 : vector<16xf32> to vector<1x16xf32>
      tpu.vector_store %arg9[%swap3A_82, %swap3A_83], %swap3A_86 {strides = array<i32>} : memref<128x64xf32, #tpu.memory_space<vmem>>, vector<1x16xf32>,
      %swap3A_87 = arith.index_cast %add3A_68 : i32 to index
      %swap3A_88 = arith.constant 32 : index
      %swap3A_89 = tpu.vector_load %arg9[%swap3A_87, %swap3A_88] {strides = array<i32>} : memref<128x64xf32, #tpu.memory_space<vmem>>, vector<1x16xf32>,
      %swap3A_90 = vector.shape_cast %swap3A_89 : vector<1x16xf32> to vector<16xf32>
      %swap3A_91 = vector.shape_cast %scan3A_75#2 : vector<16xf32> to vector<1x16xf32>
      tpu.vector_store %arg9[%swap3A_87, %swap3A_88], %swap3A_91 {strides = array<i32>} : memref<128x64xf32, #tpu.memory_space<vmem>>, vector<1x16xf32>,
      %swap3A_92 = arith.index_cast %add3A_68 : i32 to index
      %swap3A_93 = arith.constant 48 : index
      %swap3A_94 = tpu.vector_load %arg9[%swap3A_92, %swap3A_93] {strides = array<i32>} : memref<128x64xf32, #tpu.memory_space<vmem>>, vector<1x16xf32>,
      %swap3A_95 = vector.shape_cast %swap3A_94 : vector<1x16xf32> to vector<16xf32>
      %swap3A_96 = vector.shape_cast %scan3A_75#3 : vector<16xf32> to vector<1x16xf32>
      tpu.vector_store %arg9[%swap3A_92, %swap3A_93], %swap3A_96 {strides = array<i32>} : memref<128x64xf32, #tpu.memory_space<vmem>>, vector<1x16xf32>,
      %lt3A = arith.constant 31 : i32
      %lt3A_97 = arith.cmpi slt, %scan3A_19, %lt3A : i32
      %convert_element_type3A_98 = arith.extui %lt3A_97 : i1 to i32
      %cond3A_99 = arith.constant 0 : i32
      %cond3A_100 = arith.cmpi ne, %convert_element_type3A_98, %cond3A_99 : i32
      scf.if %cond3A_100 {
        %add3A_175 = arith.constant 2 : i32
        %add3A_176 = arith.addi %mul3A_21, %add3A_175 : i32
        %dma_start3A_177 = arith.constant 0 : i32
        %dma_start3A_178 = tpu.memref_slice %arg6[%add3A_176, %dma_start3A_177] : memref<64x100xi32, #tpu.memory_space<vmem>> -> memref<1x100xi32, #tpu.memory_space<vmem>>
        %dma_start3A_179 = tpu.memref_squeeze %dma_start3A_178 : memref<1x100xi32, #tpu.memory_space<vmem>> -> memref<100xi32, #tpu.memory_space<vmem>>
        %dma_start3A_180 = arith.constant 0 : i32
        %dma_start3A_181 = arith.constant 0 : i32
        %dma_start3A_182 = tpu.memref_slice %arg3[%dma_start3A_180, %dma_start3A_181] : memref<100000x64xf32, #tpu.memory_space<hbm>> -> memref<100000x64xf32, #tpu.memory_space<hbm>>
        tpu.enqueue_indirect_dma source(%dma_start3A_182 : memref<100000x64xf32, #tpu.memory_space<hbm>>) target(%arg7 : memref<100x64xf32, #tpu.memory_space<vmem>>) offsets(%dma_start3A_179 : memref<100xi32, #tpu.memory_space<vmem>>) semaphore(%arg12 : memref<!tpu.dma_semaphore, #tpu.memory_space<semaphore_mem>>)
      } else {
      }
      %add3A_101 = arith.constant 1 : i32
      %add3A_102 = arith.addi %mul3A_21, %add3A_101 : i32
      %dma_wait3A_103 = arith.constant 0 : i32
      %dma_wait3A_104 = tpu.memref_slice %arg6[%add3A_102, %dma_wait3A_103] : memref<64x100xi32, #tpu.memory_space<vmem>> -> memref<1x100xi32, #tpu.memory_space<vmem>>
      %dma_wait3A_105 = tpu.memref_squeeze %dma_wait3A_104 : memref<1x100xi32, #tpu.memory_space<vmem>> -> memref<100xi32, #tpu.memory_space<vmem>>
      %dma_wait3A_106 = arith.constant 0 : i32
      %dma_wait3A_107 = arith.constant 0 : i32
      %dma_wait3A_108 = tpu.memref_slice %arg3[%dma_wait3A_106, %dma_wait3A_107] : memref<100000x64xf32, #tpu.memory_space<hbm>> -> memref<100000x64xf32, #tpu.memory_space<hbm>>
      tpu.wait_indirect_dma semaphore(%arg13 : memref<!tpu.dma_semaphore, #tpu.memory_space<semaphore_mem>>) src(%dma_wait3A_108 : memref<100000x64xf32, #tpu.memory_space<hbm>>) dst(%arg8 : memref<100x64xf32, #tpu.memory_space<vmem>>)
      %add3A_109 = arith.constant 1 : i32
      %add3A_110 = arith.addi %mul3A_21, %add3A_109 : i32
      %mul3A_111 = arith.constant 2 : i32
      %mul3A_112 = arith.muli %mul3A_111, %add3A_110 : i32
      %add3A_113 = arith.constant 0 : i32
      %add3A_114 = arith.addi %mul3A_112, %add3A_113 : i32
      %broadcast_in_dim3A_115 = arith.constant 0.000000e+00 : f32
      %broadcast_in_dim3A_116 = vector.broadcast %broadcast_in_dim3A_115 : f32 to vector<16xf32>
      %scan3A_117 = arith.constant 0 : i32
      %scan3A_118 = arith.constant 10 : i32
      %scan3A_119 = arith.addi %scan3A_117, %scan3A_118 : i32
      %scan3A_120 = arith.constant 1 : i32
      %scan3A_121:4 = scf.for %scan3A_175 = %scan3A_117 to %scan3A_119 step %scan3A_120 iter_args(%scan3A_176 = %broadcast_in_dim3A_116, %scan3A_177 = %broadcast_in_dim3A_116, %scan3A_178 = %broadcast_in_dim3A_116, %scan3A_179 = %broadcast_in_dim3A_116) -> (vector<16xf32>, vector<16xf32>, vector<16xf32>, vector<16xf32>)  : i32 {
        %mul3A_180 = arith.constant 5 : i32
        %mul3A_181 = arith.muli %scan3A_175, %mul3A_180 : i32
        %add3A_182 = arith.constant 0 : i32
        %add3A_183 = arith.addi %add3A_182, %mul3A_181 : i32
        %add3A_184 = arith.constant 0 : i32
        %add3A_185 = arith.addi %add3A_183, %add3A_184 : i32
        %get3A = arith.index_cast %add3A_185 : i32 to index
        %get3A_186 = arith.constant 0 : index
        %get3A_187 = tpu.vector_load %arg8[%get3A, %get3A_186] {strides = array<i32>} : memref<100x64xf32, #tpu.memory_space<vmem>>, vector<1x16xf32>,
        %get3A_188 = vector.shape_cast %get3A_187 : vector<1x16xf32> to vector<16xf32>
        %add3A_189 = arith.addf %scan3A_176, %get3A_188 : vector<16xf32>
        %add3A_190 = arith.constant 0 : i32
        %add3A_191 = arith.addi %add3A_183, %add3A_190 : i32
        %get3A_192 = arith.index_cast %add3A_191 : i32 to index
        %get3A_193 = arith.constant 16 : index
        %get3A_194 = tpu.vector_load %arg8[%get3A_192, %get3A_193] {strides = array<i32>} : memref<100x64xf32, #tpu.memory_space<vmem>>, vector<1x16xf32>,
        %get3A_195 = vector.shape_cast %get3A_194 : vector<1x16xf32> to vector<16xf32>
        %add3A_196 = arith.addf %scan3A_177, %get3A_195 : vector<16xf32>
        %add3A_197 = arith.constant 0 : i32
        %add3A_198 = arith.addi %add3A_183, %add3A_197 : i32
        %get3A_199 = arith.index_cast %add3A_198 : i32 to index
        %get3A_200 = arith.constant 32 : index
        %get3A_201 = tpu.vector_load %arg8[%get3A_199, %get3A_200] {strides = array<i32>} : memref<100x64xf32, #tpu.memory_space<vmem>>, vector<1x16xf32>,
        %get3A_202 = vector.shape_cast %get3A_201 : vector<1x16xf32> to vector<16xf32>
        %add3A_203 = arith.addf %scan3A_178, %get3A_202 : vector<16xf32>
        %add3A_204 = arith.constant 0 : i32
        %add3A_205 = arith.addi %add3A_183, %add3A_204 : i32
        %get3A_206 = arith.index_cast %add3A_205 : i32 to index
        %get3A_207 = arith.constant 48 : index
        %get3A_208 = tpu.vector_load %arg8[%get3A_206, %get3A_207] {strides = array<i32>} : memref<100x64xf32, #tpu.memory_space<vmem>>, vector<1x16xf32>,
        %get3A_209 = vector.shape_cast %get3A_208 : vector<1x16xf32> to vector<16xf32>
        %add3A_210 = arith.addf %scan3A_179, %get3A_209 : vector<16xf32>
        %add3A_211 = arith.constant 1 : i32
        %add3A_212 = arith.addi %add3A_183, %add3A_211 : i32
        %get3A_213 = arith.index_cast %add3A_212 : i32 to index
        %get3A_214 = arith.constant 0 : index
        %get3A_215 = tpu.vector_load %arg8[%get3A_213, %get3A_214] {strides = array<i32>} : memref<100x64xf32, #tpu.memory_space<vmem>>, vector<1x16xf32>,
        %get3A_216 = vector.shape_cast %get3A_215 : vector<1x16xf32> to vector<16xf32>
        %add3A_217 = arith.addf %add3A_189, %get3A_216 : vector<16xf32>
        %add3A_218 = arith.constant 1 : i32
        %add3A_219 = arith.addi %add3A_183, %add3A_218 : i32
        %get3A_220 = arith.index_cast %add3A_219 : i32 to index
        %get3A_221 = arith.constant 16 : index
        %get3A_222 = tpu.vector_load %arg8[%get3A_220, %get3A_221] {strides = array<i32>} : memref<100x64xf32, #tpu.memory_space<vmem>>, vector<1x16xf32>,
        %get3A_223 = vector.shape_cast %get3A_222 : vector<1x16xf32> to vector<16xf32>
        %add3A_224 = arith.addf %add3A_196, %get3A_223 : vector<16xf32>
        %add3A_225 = arith.constant 1 : i32
        %add3A_226 = arith.addi %add3A_183, %add3A_225 : i32
        %get3A_227 = arith.index_cast %add3A_226 : i32 to index
        %get3A_228 = arith.constant 32 : index
        %get3A_229 = tpu.vector_load %arg8[%get3A_227, %get3A_228] {strides = array<i32>} : memref<100x64xf32, #tpu.memory_space<vmem>>, vector<1x16xf32>,
        %get3A_230 = vector.shape_cast %get3A_229 : vector<1x16xf32> to vector<16xf32>
        %add3A_231 = arith.addf %add3A_203, %get3A_230 : vector<16xf32>
        %add3A_232 = arith.constant 1 : i32
        %add3A_233 = arith.addi %add3A_183, %add3A_232 : i32
        %get3A_234 = arith.index_cast %add3A_233 : i32 to index
        %get3A_235 = arith.constant 48 : index
        %get3A_236 = tpu.vector_load %arg8[%get3A_234, %get3A_235] {strides = array<i32>} : memref<100x64xf32, #tpu.memory_space<vmem>>, vector<1x16xf32>,
        %get3A_237 = vector.shape_cast %get3A_236 : vector<1x16xf32> to vector<16xf32>
        %add3A_238 = arith.addf %add3A_210, %get3A_237 : vector<16xf32>
        %add3A_239 = arith.constant 2 : i32
        %add3A_240 = arith.addi %add3A_183, %add3A_239 : i32
        %get3A_241 = arith.index_cast %add3A_240 : i32 to index
        %get3A_242 = arith.constant 0 : index
        %get3A_243 = tpu.vector_load %arg8[%get3A_241, %get3A_242] {strides = array<i32>} : memref<100x64xf32, #tpu.memory_space<vmem>>, vector<1x16xf32>,
        %get3A_244 = vector.shape_cast %get3A_243 : vector<1x16xf32> to vector<16xf32>
        %add3A_245 = arith.addf %add3A_217, %get3A_244 : vector<16xf32>
        %add3A_246 = arith.constant 2 : i32
        %add3A_247 = arith.addi %add3A_183, %add3A_246 : i32
        %get3A_248 = arith.index_cast %add3A_247 : i32 to index
        %get3A_249 = arith.constant 16 : index
        %get3A_250 = tpu.vector_load %arg8[%get3A_248, %get3A_249] {strides = array<i32>} : memref<100x64xf32, #tpu.memory_space<vmem>>, vector<1x16xf32>,
        %get3A_251 = vector.shape_cast %get3A_250 : vector<1x16xf32> to vector<16xf32>
        %add3A_252 = arith.addf %add3A_224, %get3A_251 : vector<16xf32>
        %add3A_253 = arith.constant 2 : i32
        %add3A_254 = arith.addi %add3A_183, %add3A_253 : i32
        %get3A_255 = arith.index_cast %add3A_254 : i32 to index
        %get3A_256 = arith.constant 32 : index
        %get3A_257 = tpu.vector_load %arg8[%get3A_255, %get3A_256] {strides = array<i32>} : memref<100x64xf32, #tpu.memory_space<vmem>>, vector<1x16xf32>,
        %get3A_258 = vector.shape_cast %get3A_257 : vector<1x16xf32> to vector<16xf32>
        %add3A_259 = arith.addf %add3A_231, %get3A_258 : vector<16xf32>
        %add3A_260 = arith.constant 2 : i32
        %add3A_261 = arith.addi %add3A_183, %add3A_260 : i32
        %get3A_262 = arith.index_cast %add3A_261 : i32 to index
        %get3A_263 = arith.constant 48 : index
        %get3A_264 = tpu.vector_load %arg8[%get3A_262, %get3A_263] {strides = array<i32>} : memref<100x64xf32, #tpu.memory_space<vmem>>, vector<1x16xf32>,
        %get3A_265 = vector.shape_cast %get3A_264 : vector<1x16xf32> to vector<16xf32>
        %add3A_266 = arith.addf %add3A_238, %get3A_265 : vector<16xf32>
        %add3A_267 = arith.constant 3 : i32
        %add3A_268 = arith.addi %add3A_183, %add3A_267 : i32
        %get3A_269 = arith.index_cast %add3A_268 : i32 to index
        %get3A_270 = arith.constant 0 : index
        %get3A_271 = tpu.vector_load %arg8[%get3A_269, %get3A_270] {strides = array<i32>} : memref<100x64xf32, #tpu.memory_space<vmem>>, vector<1x16xf32>,
        %get3A_272 = vector.shape_cast %get3A_271 : vector<1x16xf32> to vector<16xf32>
        %add3A_273 = arith.addf %add3A_245, %get3A_272 : vector<16xf32>
        %add3A_274 = arith.constant 3 : i32
        %add3A_275 = arith.addi %add3A_183, %add3A_274 : i32
        %get3A_276 = arith.index_cast %add3A_275 : i32 to index
        %get3A_277 = arith.constant 16 : index
        %get3A_278 = tpu.vector_load %arg8[%get3A_276, %get3A_277] {strides = array<i32>} : memref<100x64xf32, #tpu.memory_space<vmem>>, vector<1x16xf32>,
        %get3A_279 = vector.shape_cast %get3A_278 : vector<1x16xf32> to vector<16xf32>
        %add3A_280 = arith.addf %add3A_252, %get3A_279 : vector<16xf32>
        %add3A_281 = arith.constant 3 : i32
        %add3A_282 = arith.addi %add3A_183, %add3A_281 : i32
        %get3A_283 = arith.index_cast %add3A_282 : i32 to index
        %get3A_284 = arith.constant 32 : index
        %get3A_285 = tpu.vector_load %arg8[%get3A_283, %get3A_284] {strides = array<i32>} : memref<100x64xf32, #tpu.memory_space<vmem>>, vector<1x16xf32>,
        %get3A_286 = vector.shape_cast %get3A_285 : vector<1x16xf32> to vector<16xf32>
        %add3A_287 = arith.addf %add3A_259, %get3A_286 : vector<16xf32>
        %add3A_288 = arith.constant 3 : i32
        %add3A_289 = arith.addi %add3A_183, %add3A_288 : i32
        %get3A_290 = arith.index_cast %add3A_289 : i32 to index
        %get3A_291 = arith.constant 48 : index
        %get3A_292 = tpu.vector_load %arg8[%get3A_290, %get3A_291] {strides = array<i32>} : memref<100x64xf32, #tpu.memory_space<vmem>>, vector<1x16xf32>,
        %get3A_293 = vector.shape_cast %get3A_292 : vector<1x16xf32> to vector<16xf32>
        %add3A_294 = arith.addf %add3A_266, %get3A_293 : vector<16xf32>
        %add3A_295 = arith.constant 4 : i32
        %add3A_296 = arith.addi %add3A_183, %add3A_295 : i32
        %get3A_297 = arith.index_cast %add3A_296 : i32 to index
        %get3A_298 = arith.constant 0 : index
        %get3A_299 = tpu.vector_load %arg8[%get3A_297, %get3A_298] {strides = array<i32>} : memref<100x64xf32, #tpu.memory_space<vmem>>, vector<1x16xf32>,
        %get3A_300 = vector.shape_cast %get3A_299 : vector<1x16xf32> to vector<16xf32>
        %add3A_301 = arith.addf %add3A_273, %get3A_300 : vector<16xf32>
        %add3A_302 = arith.constant 4 : i32
        %add3A_303 = arith.addi %add3A_183, %add3A_302 : i32
        %get3A_304 = arith.index_cast %add3A_303 : i32 to index
        %get3A_305 = arith.constant 16 : index
        %get3A_306 = tpu.vector_load %arg8[%get3A_304, %get3A_305] {strides = array<i32>} : memref<100x64xf32, #tpu.memory_space<vmem>>, vector<1x16xf32>,
        %get3A_307 = vector.shape_cast %get3A_306 : vector<1x16xf32> to vector<16xf32>
        %add3A_308 = arith.addf %add3A_280, %get3A_307 : vector<16xf32>
        %add3A_309 = arith.constant 4 : i32
        %add3A_310 = arith.addi %add3A_183, %add3A_309 : i32
        %get3A_311 = arith.index_cast %add3A_310 : i32 to index
        %get3A_312 = arith.constant 32 : index
        %get3A_313 = tpu.vector_load %arg8[%get3A_311, %get3A_312] {strides = array<i32>} : memref<100x64xf32, #tpu.memory_space<vmem>>, vector<1x16xf32>,
        %get3A_314 = vector.shape_cast %get3A_313 : vector<1x16xf32> to vector<16xf32>
        %add3A_315 = arith.addf %add3A_287, %get3A_314 : vector<16xf32>
        %add3A_316 = arith.constant 4 : i32
        %add3A_317 = arith.addi %add3A_183, %add3A_316 : i32
        %get3A_318 = arith.index_cast %add3A_317 : i32 to index
        %get3A_319 = arith.constant 48 : index
        %get3A_320 = tpu.vector_load %arg8[%get3A_318, %get3A_319] {strides = array<i32>} : memref<100x64xf32, #tpu.memory_space<vmem>>, vector<1x16xf32>,
        %get3A_321 = vector.shape_cast %get3A_320 : vector<1x16xf32> to vector<16xf32>
        %add3A_322 = arith.addf %add3A_294, %get3A_321 : vector<16xf32>
        scf.yield %add3A_301, %add3A_308, %add3A_315, %add3A_322 : vector<16xf32>, vector<16xf32>, vector<16xf32>, vector<16xf32>
      }
      %scan3A_122 = arith.constant 10 : i32
      %swap3A_123 = arith.index_cast %add3A_114 : i32 to index
      %swap3A_124 = arith.constant 0 : index
      %swap3A_125 = tpu.vector_load %arg9[%swap3A_123, %swap3A_124] {strides = array<i32>} : memref<128x64xf32, #tpu.memory_space<vmem>>, vector<1x16xf32>,
      %swap3A_126 = vector.shape_cast %swap3A_125 : vector<1x16xf32> to vector<16xf32>
      %swap3A_127 = vector.shape_cast %scan3A_121#0 : vector<16xf32> to vector<1x16xf32>
      tpu.vector_store %arg9[%swap3A_123, %swap3A_124], %swap3A_127 {strides = array<i32>} : memref<128x64xf32, #tpu.memory_space<vmem>>, vector<1x16xf32>,
      %swap3A_128 = arith.index_cast %add3A_114 : i32 to index
      %swap3A_129 = arith.constant 16 : index
      %swap3A_130 = tpu.vector_load %arg9[%swap3A_128, %swap3A_129] {strides = array<i32>} : memref<128x64xf32, #tpu.memory_space<vmem>>, vector<1x16xf32>,
      %swap3A_131 = vector.shape_cast %swap3A_130 : vector<1x16xf32> to vector<16xf32>
      %swap3A_132 = vector.shape_cast %scan3A_121#1 : vector<16xf32> to vector<1x16xf32>
      tpu.vector_store %arg9[%swap3A_128, %swap3A_129], %swap3A_132 {strides = array<i32>} : memref<128x64xf32, #tpu.memory_space<vmem>>, vector<1x16xf32>,
      %swap3A_133 = arith.index_cast %add3A_114 : i32 to index
      %swap3A_134 = arith.constant 32 : index
      %swap3A_135 = tpu.vector_load %arg9[%swap3A_133, %swap3A_134] {strides = array<i32>} : memref<128x64xf32, #tpu.memory_space<vmem>>, vector<1x16xf32>,
      %swap3A_136 = vector.shape_cast %swap3A_135 : vector<1x16xf32> to vector<16xf32>
      %swap3A_137 = vector.shape_cast %scan3A_121#2 : vector<16xf32> to vector<1x16xf32>
      tpu.vector_store %arg9[%swap3A_133, %swap3A_134], %swap3A_137 {strides = array<i32>} : memref<128x64xf32, #tpu.memory_space<vmem>>, vector<1x16xf32>,
      %swap3A_138 = arith.index_cast %add3A_114 : i32 to index
      %swap3A_139 = arith.constant 48 : index
      %swap3A_140 = tpu.vector_load %arg9[%swap3A_138, %swap3A_139] {strides = array<i32>} : memref<128x64xf32, #tpu.memory_space<vmem>>, vector<1x16xf32>,
      %swap3A_141 = vector.shape_cast %swap3A_140 : vector<1x16xf32> to vector<16xf32>
      %swap3A_142 = vector.shape_cast %scan3A_121#3 : vector<16xf32> to vector<1x16xf32>
      tpu.vector_store %arg9[%swap3A_138, %swap3A_139], %swap3A_142 {strides = array<i32>} : memref<128x64xf32, #tpu.memory_space<vmem>>, vector<1x16xf32>,
      %mul3A_143 = arith.constant 2 : i32
      %mul3A_144 = arith.muli %mul3A_143, %add3A_110 : i32
      %add3A_145 = arith.constant 1 : i32
      %add3A_146 = arith.addi %mul3A_144, %add3A_145 : i32
      %broadcast_in_dim3A_147 = arith.constant 0.000000e+00 : f32
      %broadcast_in_dim3A_148 = vector.broadcast %broadcast_in_dim3A_147 : f32 to vector<16xf32>
      %scan3A_149 = arith.constant 0 : i32
      %scan3A_150 = arith.constant 10 : i32
      %scan3A_151 = arith.addi %scan3A_149, %scan3A_150 : i32
      %scan3A_152 = arith.constant 1 : i32
      %scan3A_153:4 = scf.for %scan3A_175 = %scan3A_149 to %scan3A_151 step %scan3A_152 iter_args(%scan3A_176 = %broadcast_in_dim3A_148, %scan3A_177 = %broadcast_in_dim3A_148, %scan3A_178 = %broadcast_in_dim3A_148, %scan3A_179 = %broadcast_in_dim3A_148) -> (vector<16xf32>, vector<16xf32>, vector<16xf32>, vector<16xf32>)  : i32 {
        %mul3A_180 = arith.constant 5 : i32
        %mul3A_181 = arith.muli %scan3A_175, %mul3A_180 : i32
        %add3A_182 = arith.constant 50 : i32
        %add3A_183 = arith.addi %add3A_182, %mul3A_181 : i32
        %add3A_184 = arith.constant 0 : i32
        %add3A_185 = arith.addi %add3A_183, %add3A_184 : i32
        %get3A = arith.index_cast %add3A_185 : i32 to index
        %get3A_186 = arith.constant 0 : index
        %get3A_187 = tpu.vector_load %arg8[%get3A, %get3A_186] {strides = array<i32>} : memref<100x64xf32, #tpu.memory_space<vmem>>, vector<1x16xf32>,
        %get3A_188 = vector.shape_cast %get3A_187 : vector<1x16xf32> to vector<16xf32>
        %add3A_189 = arith.addf %scan3A_176, %get3A_188 : vector<16xf32>
        %add3A_190 = arith.constant 0 : i32
        %add3A_191 = arith.addi %add3A_183, %add3A_190 : i32
        %get3A_192 = arith.index_cast %add3A_191 : i32 to index
        %get3A_193 = arith.constant 16 : index
        %get3A_194 = tpu.vector_load %arg8[%get3A_192, %get3A_193] {strides = array<i32>} : memref<100x64xf32, #tpu.memory_space<vmem>>, vector<1x16xf32>,
        %get3A_195 = vector.shape_cast %get3A_194 : vector<1x16xf32> to vector<16xf32>
        %add3A_196 = arith.addf %scan3A_177, %get3A_195 : vector<16xf32>
        %add3A_197 = arith.constant 0 : i32
        %add3A_198 = arith.addi %add3A_183, %add3A_197 : i32
        %get3A_199 = arith.index_cast %add3A_198 : i32 to index
        %get3A_200 = arith.constant 32 : index
        %get3A_201 = tpu.vector_load %arg8[%get3A_199, %get3A_200] {strides = array<i32>} : memref<100x64xf32, #tpu.memory_space<vmem>>, vector<1x16xf32>,
        %get3A_202 = vector.shape_cast %get3A_201 : vector<1x16xf32> to vector<16xf32>
        %add3A_203 = arith.addf %scan3A_178, %get3A_202 : vector<16xf32>
        %add3A_204 = arith.constant 0 : i32
        %add3A_205 = arith.addi %add3A_183, %add3A_204 : i32
        %get3A_206 = arith.index_cast %add3A_205 : i32 to index
        %get3A_207 = arith.constant 48 : index
        %get3A_208 = tpu.vector_load %arg8[%get3A_206, %get3A_207] {strides = array<i32>} : memref<100x64xf32, #tpu.memory_space<vmem>>, vector<1x16xf32>,
        %get3A_209 = vector.shape_cast %get3A_208 : vector<1x16xf32> to vector<16xf32>
        %add3A_210 = arith.addf %scan3A_179, %get3A_209 : vector<16xf32>
        %add3A_211 = arith.constant 1 : i32
        %add3A_212 = arith.addi %add3A_183, %add3A_211 : i32
        %get3A_213 = arith.index_cast %add3A_212 : i32 to index
        %get3A_214 = arith.constant 0 : index
        %get3A_215 = tpu.vector_load %arg8[%get3A_213, %get3A_214] {strides = array<i32>} : memref<100x64xf32, #tpu.memory_space<vmem>>, vector<1x16xf32>,
        %get3A_216 = vector.shape_cast %get3A_215 : vector<1x16xf32> to vector<16xf32>
        %add3A_217 = arith.addf %add3A_189, %get3A_216 : vector<16xf32>
        %add3A_218 = arith.constant 1 : i32
        %add3A_219 = arith.addi %add3A_183, %add3A_218 : i32
        %get3A_220 = arith.index_cast %add3A_219 : i32 to index
        %get3A_221 = arith.constant 16 : index
        %get3A_222 = tpu.vector_load %arg8[%get3A_220, %get3A_221] {strides = array<i32>} : memref<100x64xf32, #tpu.memory_space<vmem>>, vector<1x16xf32>,
        %get3A_223 = vector.shape_cast %get3A_222 : vector<1x16xf32> to vector<16xf32>
        %add3A_224 = arith.addf %add3A_196, %get3A_223 : vector<16xf32>
        %add3A_225 = arith.constant 1 : i32
        %add3A_226 = arith.addi %add3A_183, %add3A_225 : i32
        %get3A_227 = arith.index_cast %add3A_226 : i32 to index
        %get3A_228 = arith.constant 32 : index
        %get3A_229 = tpu.vector_load %arg8[%get3A_227, %get3A_228] {strides = array<i32>} : memref<100x64xf32, #tpu.memory_space<vmem>>, vector<1x16xf32>,
        %get3A_230 = vector.shape_cast %get3A_229 : vector<1x16xf32> to vector<16xf32>
        %add3A_231 = arith.addf %add3A_203, %get3A_230 : vector<16xf32>
        %add3A_232 = arith.constant 1 : i32
        %add3A_233 = arith.addi %add3A_183, %add3A_232 : i32
        %get3A_234 = arith.index_cast %add3A_233 : i32 to index
        %get3A_235 = arith.constant 48 : index
        %get3A_236 = tpu.vector_load %arg8[%get3A_234, %get3A_235] {strides = array<i32>} : memref<100x64xf32, #tpu.memory_space<vmem>>, vector<1x16xf32>,
        %get3A_237 = vector.shape_cast %get3A_236 : vector<1x16xf32> to vector<16xf32>
        %add3A_238 = arith.addf %add3A_210, %get3A_237 : vector<16xf32>
        %add3A_239 = arith.constant 2 : i32
        %add3A_240 = arith.addi %add3A_183, %add3A_239 : i32
        %get3A_241 = arith.index_cast %add3A_240 : i32 to index
        %get3A_242 = arith.constant 0 : index
        %get3A_243 = tpu.vector_load %arg8[%get3A_241, %get3A_242] {strides = array<i32>} : memref<100x64xf32, #tpu.memory_space<vmem>>, vector<1x16xf32>,
        %get3A_244 = vector.shape_cast %get3A_243 : vector<1x16xf32> to vector<16xf32>
        %add3A_245 = arith.addf %add3A_217, %get3A_244 : vector<16xf32>
        %add3A_246 = arith.constant 2 : i32
        %add3A_247 = arith.addi %add3A_183, %add3A_246 : i32
        %get3A_248 = arith.index_cast %add3A_247 : i32 to index
        %get3A_249 = arith.constant 16 : index
        %get3A_250 = tpu.vector_load %arg8[%get3A_248, %get3A_249] {strides = array<i32>} : memref<100x64xf32, #tpu.memory_space<vmem>>, vector<1x16xf32>,
        %get3A_251 = vector.shape_cast %get3A_250 : vector<1x16xf32> to vector<16xf32>
        %add3A_252 = arith.addf %add3A_224, %get3A_251 : vector<16xf32>
        %add3A_253 = arith.constant 2 : i32
        %add3A_254 = arith.addi %add3A_183, %add3A_253 : i32
        %get3A_255 = arith.index_cast %add3A_254 : i32 to index
        %get3A_256 = arith.constant 32 : index
        %get3A_257 = tpu.vector_load %arg8[%get3A_255, %get3A_256] {strides = array<i32>} : memref<100x64xf32, #tpu.memory_space<vmem>>, vector<1x16xf32>,
        %get3A_258 = vector.shape_cast %get3A_257 : vector<1x16xf32> to vector<16xf32>
        %add3A_259 = arith.addf %add3A_231, %get3A_258 : vector<16xf32>
        %add3A_260 = arith.constant 2 : i32
        %add3A_261 = arith.addi %add3A_183, %add3A_260 : i32
        %get3A_262 = arith.index_cast %add3A_261 : i32 to index
        %get3A_263 = arith.constant 48 : index
        %get3A_264 = tpu.vector_load %arg8[%get3A_262, %get3A_263] {strides = array<i32>} : memref<100x64xf32, #tpu.memory_space<vmem>>, vector<1x16xf32>,
        %get3A_265 = vector.shape_cast %get3A_264 : vector<1x16xf32> to vector<16xf32>
        %add3A_266 = arith.addf %add3A_238, %get3A_265 : vector<16xf32>
        %add3A_267 = arith.constant 3 : i32
        %add3A_268 = arith.addi %add3A_183, %add3A_267 : i32
        %get3A_269 = arith.index_cast %add3A_268 : i32 to index
        %get3A_270 = arith.constant 0 : index
        %get3A_271 = tpu.vector_load %arg8[%get3A_269, %get3A_270] {strides = array<i32>} : memref<100x64xf32, #tpu.memory_space<vmem>>, vector<1x16xf32>,
        %get3A_272 = vector.shape_cast %get3A_271 : vector<1x16xf32> to vector<16xf32>
        %add3A_273 = arith.addf %add3A_245, %get3A_272 : vector<16xf32>
        %add3A_274 = arith.constant 3 : i32
        %add3A_275 = arith.addi %add3A_183, %add3A_274 : i32
        %get3A_276 = arith.index_cast %add3A_275 : i32 to index
        %get3A_277 = arith.constant 16 : index
        %get3A_278 = tpu.vector_load %arg8[%get3A_276, %get3A_277] {strides = array<i32>} : memref<100x64xf32, #tpu.memory_space<vmem>>, vector<1x16xf32>,
        %get3A_279 = vector.shape_cast %get3A_278 : vector<1x16xf32> to vector<16xf32>
        %add3A_280 = arith.addf %add3A_252, %get3A_279 : vector<16xf32>
        %add3A_281 = arith.constant 3 : i32
        %add3A_282 = arith.addi %add3A_183, %add3A_281 : i32
        %get3A_283 = arith.index_cast %add3A_282 : i32 to index
        %get3A_284 = arith.constant 32 : index
        %get3A_285 = tpu.vector_load %arg8[%get3A_283, %get3A_284] {strides = array<i32>} : memref<100x64xf32, #tpu.memory_space<vmem>>, vector<1x16xf32>,
        %get3A_286 = vector.shape_cast %get3A_285 : vector<1x16xf32> to vector<16xf32>
        %add3A_287 = arith.addf %add3A_259, %get3A_286 : vector<16xf32>
        %add3A_288 = arith.constant 3 : i32
        %add3A_289 = arith.addi %add3A_183, %add3A_288 : i32
        %get3A_290 = arith.index_cast %add3A_289 : i32 to index
        %get3A_291 = arith.constant 48 : index
        %get3A_292 = tpu.vector_load %arg8[%get3A_290, %get3A_291] {strides = array<i32>} : memref<100x64xf32, #tpu.memory_space<vmem>>, vector<1x16xf32>,
        %get3A_293 = vector.shape_cast %get3A_292 : vector<1x16xf32> to vector<16xf32>
        %add3A_294 = arith.addf %add3A_266, %get3A_293 : vector<16xf32>
        %add3A_295 = arith.constant 4 : i32
        %add3A_296 = arith.addi %add3A_183, %add3A_295 : i32
        %get3A_297 = arith.index_cast %add3A_296 : i32 to index
        %get3A_298 = arith.constant 0 : index
        %get3A_299 = tpu.vector_load %arg8[%get3A_297, %get3A_298] {strides = array<i32>} : memref<100x64xf32, #tpu.memory_space<vmem>>, vector<1x16xf32>,
        %get3A_300 = vector.shape_cast %get3A_299 : vector<1x16xf32> to vector<16xf32>
        %add3A_301 = arith.addf %add3A_273, %get3A_300 : vector<16xf32>
        %add3A_302 = arith.constant 4 : i32
        %add3A_303 = arith.addi %add3A_183, %add3A_302 : i32
        %get3A_304 = arith.index_cast %add3A_303 : i32 to index
        %get3A_305 = arith.constant 16 : index
        %get3A_306 = tpu.vector_load %arg8[%get3A_304, %get3A_305] {strides = array<i32>} : memref<100x64xf32, #tpu.memory_space<vmem>>, vector<1x16xf32>,
        %get3A_307 = vector.shape_cast %get3A_306 : vector<1x16xf32> to vector<16xf32>
        %add3A_308 = arith.addf %add3A_280, %get3A_307 : vector<16xf32>
        %add3A_309 = arith.constant 4 : i32
        %add3A_310 = arith.addi %add3A_183, %add3A_309 : i32
        %get3A_311 = arith.index_cast %add3A_310 : i32 to index
        %get3A_312 = arith.constant 32 : index
        %get3A_313 = tpu.vector_load %arg8[%get3A_311, %get3A_312] {strides = array<i32>} : memref<100x64xf32, #tpu.memory_space<vmem>>, vector<1x16xf32>,
        %get3A_314 = vector.shape_cast %get3A_313 : vector<1x16xf32> to vector<16xf32>
        %add3A_315 = arith.addf %add3A_287, %get3A_314 : vector<16xf32>
        %add3A_316 = arith.constant 4 : i32
        %add3A_317 = arith.addi %add3A_183, %add3A_316 : i32
        %get3A_318 = arith.index_cast %add3A_317 : i32 to index
        %get3A_319 = arith.constant 48 : index
        %get3A_320 = tpu.vector_load %arg8[%get3A_318, %get3A_319] {strides = array<i32>} : memref<100x64xf32, #tpu.memory_space<vmem>>, vector<1x16xf32>,
        %get3A_321 = vector.shape_cast %get3A_320 : vector<1x16xf32> to vector<16xf32>
        %add3A_322 = arith.addf %add3A_294, %get3A_321 : vector<16xf32>
        scf.yield %add3A_301, %add3A_308, %add3A_315, %add3A_322 : vector<16xf32>, vector<16xf32>, vector<16xf32>, vector<16xf32>
      }
      %scan3A_154 = arith.constant 10 : i32
      %swap3A_155 = arith.index_cast %add3A_146 : i32 to index
      %swap3A_156 = arith.constant 0 : index
      %swap3A_157 = tpu.vector_load %arg9[%swap3A_155, %swap3A_156] {strides = array<i32>} : memref<128x64xf32, #tpu.memory_space<vmem>>, vector<1x16xf32>,
      %swap3A_158 = vector.shape_cast %swap3A_157 : vector<1x16xf32> to vector<16xf32>
      %swap3A_159 = vector.shape_cast %scan3A_153#0 : vector<16xf32> to vector<1x16xf32>
      tpu.vector_store %arg9[%swap3A_155, %swap3A_156], %swap3A_159 {strides = array<i32>} : memref<128x64xf32, #tpu.memory_space<vmem>>, vector<1x16xf32>,
      %swap3A_160 = arith.index_cast %add3A_146 : i32 to index
      %swap3A_161 = arith.constant 16 : index
      %swap3A_162 = tpu.vector_load %arg9[%swap3A_160, %swap3A_161] {strides = array<i32>} : memref<128x64xf32, #tpu.memory_space<vmem>>, vector<1x16xf32>,
      %swap3A_163 = vector.shape_cast %swap3A_162 : vector<1x16xf32> to vector<16xf32>
      %swap3A_164 = vector.shape_cast %scan3A_153#1 : vector<16xf32> to vector<1x16xf32>
      tpu.vector_store %arg9[%swap3A_160, %swap3A_161], %swap3A_164 {strides = array<i32>} : memref<128x64xf32, #tpu.memory_space<vmem>>, vector<1x16xf32>,
      %swap3A_165 = arith.index_cast %add3A_146 : i32 to index
      %swap3A_166 = arith.constant 32 : index
      %swap3A_167 = tpu.vector_load %arg9[%swap3A_165, %swap3A_166] {strides = array<i32>} : memref<128x64xf32, #tpu.memory_space<vmem>>, vector<1x16xf32>,
      %swap3A_168 = vector.shape_cast %swap3A_167 : vector<1x16xf32> to vector<16xf32>
      %swap3A_169 = vector.shape_cast %scan3A_153#2 : vector<16xf32> to vector<1x16xf32>
      tpu.vector_store %arg9[%swap3A_165, %swap3A_166], %swap3A_169 {strides = array<i32>} : memref<128x64xf32, #tpu.memory_space<vmem>>, vector<1x16xf32>,
      %swap3A_170 = arith.index_cast %add3A_146 : i32 to index
      %swap3A_171 = arith.constant 48 : index
      %swap3A_172 = tpu.vector_load %arg9[%swap3A_170, %swap3A_171] {strides = array<i32>} : memref<128x64xf32, #tpu.memory_space<vmem>>, vector<1x16xf32>,
      %swap3A_173 = vector.shape_cast %swap3A_172 : vector<1x16xf32> to vector<16xf32>
      %swap3A_174 = vector.shape_cast %scan3A_153#3 : vector<16xf32> to vector<1x16xf32>
      tpu.vector_store %arg9[%swap3A_170, %swap3A_171], %swap3A_174 {strides = array<i32>} : memref<128x64xf32, #tpu.memory_space<vmem>>, vector<1x16xf32>,
    }
    %scan3A_16 = arith.constant 32 : i32
    %mul3A_17 = arith.constant 128 : i32
    %mul3A_18 = arith.muli %add3A_5, %mul3A_17 : i32
    "tpu.region"() ({
      %run_scoped3A = tpu.sem_alloc : memref<!tpu.dma_semaphore, #tpu.memory_space<semaphore_mem>>
      %dma_start3A_19 = arith.constant 0 : i32
      %dma_start3A_20 = tpu.memref_slice %arg4[%mul3A_18, %dma_start3A_19] : memref<4096x64xf32, #tpu.memory_space<hbm>> -> memref<128x64xf32, #tpu.memory_space<hbm>>
      %dma_start3A_21 = arith.constant 0 : i32
      %dma_start3A_22 = tpu.memref_slice %arg4[%mul3A_18, %dma_start3A_21] : memref<4096x64xf32, #tpu.memory_space<hbm>> -> memref<128x64xf32, #tpu.memory_space<hbm>>
      tpu.enqueue_dma source(%arg9 : memref<128x64xf32, #tpu.memory_space<vmem>>) target(%dma_start3A_22 : memref<128x64xf32, #tpu.memory_space<hbm>>) target_semaphore(%run_scoped3A : memref<!tpu.dma_semaphore, #tpu.memory_space<semaphore_mem>>)
      %dma_wait3A = arith.constant 0 : i32
      %dma_wait3A_23 = tpu.memref_slice %arg4[%mul3A_18, %dma_wait3A] : memref<4096x64xf32, #tpu.memory_space<hbm>> -> memref<128x64xf32, #tpu.memory_space<hbm>>
      %dma_wait3A_24 = arith.constant 0 : i32
      %dma_wait3A_25 = tpu.memref_slice %arg4[%mul3A_18, %dma_wait3A_24] : memref<4096x64xf32, #tpu.memory_space<hbm>> -> memref<128x64xf32, #tpu.memory_space<hbm>>
      tpu.wait_dma2 semaphore(%run_scoped3A : memref<!tpu.dma_semaphore, #tpu.memory_space<semaphore_mem>>) src(%arg9 : memref<128x64xf32, #tpu.memory_space<vmem>>) dst(%dma_wait3A_25 : memref<128x64xf32, #tpu.memory_space<hbm>>)
      tpu.yield
    }) : () -> ()
    return
  }
}

module attributes {stable_mosaic.version = 14 : i64} {
  func.func @_tc_body(%arg0: i32, %arg1: memref<4096x64xf32, #tpu.memory_space<vmem>>, %arg2: memref<4096x64xf32, #tpu.memory_space<vmem>>, %arg3: memref<4096x64xf32, #tpu.memory_space<vmem>>, %arg4: memref<8x64xf32, #tpu.memory_space<vmem>>, %arg5: memref<4096x50xi32, #tpu.memory_space<vmem>>, %arg6: memref<128x192xf32, #tpu.memory_space<vmem>>, %arg7: memref<1x128xf32, #tpu.memory_space<vmem>>, %arg8: memref<1x128xf32, #tpu.memory_space<vmem>>, %arg9: memref<1x128xf32, #tpu.memory_space<vmem>>, %arg10: memref<2x128xf32, #tpu.memory_space<vmem>>, %arg11: memref<1x2xf32, #tpu.memory_space<vmem>>, %arg12: memref<4096x2xf32, #tpu.memory_space<vmem>>) attributes {dimension_semantics = [#tpu.dimension_semantics<arbitrary>], iteration_bounds = array<i64: 1>, scalar_prefetch = 0 : i64, scratch_operands = 0 : i64, tpu.core_type = #tpu.core_type<tc>, window_params = [{pipeline_mode = #tpu.pipeline_mode<synchronous>, transform_indices = @transform_0, window_bounds = array<i64: 4096, 64>}, {pipeline_mode = #tpu.pipeline_mode<synchronous>, transform_indices = @transform_1, window_bounds = array<i64: 4096, 64>}, {pipeline_mode = #tpu.pipeline_mode<synchronous>, transform_indices = @transform_2, window_bounds = array<i64: 4096, 64>}, {pipeline_mode = #tpu.pipeline_mode<synchronous>, transform_indices = @transform_3, window_bounds = array<i64: 8, 64>}, {pipeline_mode = #tpu.pipeline_mode<synchronous>, transform_indices = @transform_4, window_bounds = array<i64: 4096, 50>}, {pipeline_mode = #tpu.pipeline_mode<synchronous>, transform_indices = @transform_5, window_bounds = array<i64: 128, 192>}, {pipeline_mode = #tpu.pipeline_mode<synchronous>, transform_indices = @transform_6, window_bounds = array<i64: 1, 128>}, {pipeline_mode = #tpu.pipeline_mode<synchronous>, transform_indices = @transform_7, window_bounds = array<i64: 1, 128>}, {pipeline_mode = #tpu.pipeline_mode<synchronous>, transform_indices = @transform_8, window_bounds = array<i64: 1, 128>}, {pipeline_mode = #tpu.pipeline_mode<synchronous>, transform_indices = @transform_9, window_bounds = array<i64: 2, 128>}, {pipeline_mode = #tpu.pipeline_mode<synchronous>, transform_indices = @transform_10, window_bounds = array<i64: 1, 2>}, {pipeline_mode = #tpu.pipeline_mode<synchronous>, transform_indices = @transform_11, window_bounds = array<i64: 4096, 2>}]} {
    %get3A = arith.constant 0 : index
    %get3A_0 = arith.constant 0 : index
    %get3A_1 = vector.load %arg5[%get3A, %get3A_0] : memref<4096x50xi32, #tpu.memory_space<vmem>>, vector<4096x50xi32>
    %eq3A = arith.constant 0 : i32
    %eq3A_2 = vector.broadcast %eq3A : i32 to vector<4096x50xi32>
    %eq3A_3 = arith.cmpi eq, %get3A_1, %eq3A_2 : vector<4096x50xi32>
    %convert_element_type3A = arith.extui %eq3A_3 : vector<4096x50xi1> to vector<4096x50xi32>
    %convert_element_type3A_4 = arith.sitofp %convert_element_type3A : vector<4096x50xi32> to vector<4096x50xf32>
    %reduce_sum3A = arith.constant dense<0.000000e+00> : vector<4096xf32>
    %reduce_sum3A_5 = vector.multi_reduction <add>, %convert_element_type3A_4, %reduce_sum3A [1] : vector<4096x50xf32> to vector<4096xf32>
    %broadcast_in_dim3A = vector.shape_cast %reduce_sum3A_5 : vector<4096xf32> to vector<4096x1xf32>
    %get3A_6 = arith.constant 0 : index
    %get3A_7 = arith.constant 0 : index
    %get3A_8 = vector.load %arg1[%get3A_6, %get3A_7] : memref<4096x64xf32, #tpu.memory_space<vmem>>, vector<4096x64xf32>
    %get3A_9 = arith.constant 0 : index
    %get3A_10 = arith.constant 0 : index
    %get3A_11 = vector.load %arg4[%get3A_9, %get3A_10] : memref<8x64xf32, #tpu.memory_space<vmem>>, vector<1x64xf32>
    %mul3A = vector.broadcast %broadcast_in_dim3A : vector<4096x1xf32> to vector<4096x64xf32>
    %mul3A_12 = vector.broadcast %get3A_11 : vector<1x64xf32> to vector<4096x64xf32>
    %mul3A_13 = arith.mulf %mul3A, %mul3A_12 : vector<4096x64xf32>
    %sub3A = arith.subf %get3A_8, %mul3A_13 : vector<4096x64xf32>
    %mul3A_14 = arith.constant 2.000000e-02 : f32
    %mul3A_15 = vector.broadcast %mul3A_14 : f32 to vector<4096x64xf32>
    %mul3A_16 = arith.mulf %sub3A, %mul3A_15 : vector<4096x64xf32>
    %get3A_17 = arith.constant 0 : index
    %get3A_18 = arith.constant 0 : index
    %get3A_19 = vector.load %arg2[%get3A_17, %get3A_18] : memref<4096x64xf32, #tpu.memory_space<vmem>>, vector<4096x64xf32>
    %mul3A_20 = arith.constant 2.000000e-02 : f32
    %mul3A_21 = vector.broadcast %mul3A_20 : f32 to vector<4096x64xf32>
    %mul3A_22 = arith.mulf %get3A_19, %mul3A_21 : vector<4096x64xf32>
    %get3A_23 = arith.constant 0 : index
    %get3A_24 = arith.constant 0 : index
    %get3A_25 = vector.load %arg3[%get3A_23, %get3A_24] : memref<4096x64xf32, #tpu.memory_space<vmem>>, vector<4096x64xf32>
    %mul3A_26 = arith.constant 2.000000e-02 : f32
    %mul3A_27 = vector.broadcast %mul3A_26 : f32 to vector<4096x64xf32>
    %mul3A_28 = arith.mulf %get3A_25, %mul3A_27 : vector<4096x64xf32>
    %get3A_29 = arith.constant 0 : index
    %get3A_30 = arith.constant 0 : index
    %get3A_31 = vector.load %arg6[%get3A_29, %get3A_30] : memref<128x192xf32, #tpu.memory_space<vmem>>, vector<128x192xf32>
    %slice3A = vector.extract_strided_slice %get3A_31 {offsets = [0, 0], sizes = [128, 64], strides = [1, 1]} : vector<128x192xf32> to vector<128x64xf32>
    %dot_general3A = arith.constant dense<0.000000e+00> : vector<4096x128xf32>
    %dot_general3A_32 = tpu.matmul %mul3A_16, %slice3A, %dot_general3A {dimension_numbers = #tpu.dot_dimension_numbers<[1], [1], [0], [0], [0, 0, 1, 0], [], []>, transpose_lhs_hint = false} : vector<4096x64xf32>, vector<128x64xf32>, vector<4096x128xf32> -> vector<4096x128xf32>
    %slice3A_33 = vector.extract_strided_slice %get3A_31 {offsets = [0, 64], sizes = [128, 64], strides = [1, 1]} : vector<128x192xf32> to vector<128x64xf32>
    %dot_general3A_34 = arith.constant dense<0.000000e+00> : vector<4096x128xf32>
    %dot_general3A_35 = tpu.matmul %mul3A_22, %slice3A_33, %dot_general3A_34 {dimension_numbers = #tpu.dot_dimension_numbers<[1], [1], [0], [0], [0, 0, 1, 0], [], []>, transpose_lhs_hint = false} : vector<4096x64xf32>, vector<128x64xf32>, vector<4096x128xf32> -> vector<4096x128xf32>
    %add3A = arith.addf %dot_general3A_32, %dot_general3A_35 : vector<4096x128xf32>
    %slice3A_36 = vector.extract_strided_slice %get3A_31 {offsets = [0, 128], sizes = [128, 64], strides = [1, 1]} : vector<128x192xf32> to vector<128x64xf32>
    %dot_general3A_37 = arith.constant dense<0.000000e+00> : vector<4096x128xf32>
    %dot_general3A_38 = tpu.matmul %mul3A_28, %slice3A_36, %dot_general3A_37 {dimension_numbers = #tpu.dot_dimension_numbers<[1], [1], [0], [0], [0, 0, 1, 0], [], []>, transpose_lhs_hint = false} : vector<4096x64xf32>, vector<128x64xf32>, vector<4096x128xf32> -> vector<4096x128xf32>
    %add3A_39 = arith.addf %add3A, %dot_general3A_38 : vector<4096x128xf32>
    %get3A_40 = arith.constant 0 : index
    %get3A_41 = arith.constant 0 : index
    %get3A_42 = vector.load %arg7[%get3A_40, %get3A_41] : memref<1x128xf32, #tpu.memory_space<vmem>>, vector<1x128xf32>
    %add3A_43 = vector.broadcast %get3A_42 : vector<1x128xf32> to vector<4096x128xf32>
    %add3A_44 = arith.addf %add3A_39, %add3A_43 : vector<4096x128xf32>
    %max3A = arith.constant 0.000000e+00 : f32
    %max3A_45 = vector.broadcast %max3A : f32 to vector<4096x128xf32>
    %max3A_46 = arith.maximumf %add3A_44, %max3A_45 : vector<4096x128xf32>
    %reduce_sum3A_47 = arith.constant dense<0.000000e+00> : vector<128xf32>
    %reduce_sum3A_48 = vector.multi_reduction <add>, %max3A_46, %reduce_sum3A_47 [0] : vector<4096x128xf32> to vector<128xf32>
    %broadcast_in_dim3A_49 = vector.shape_cast %reduce_sum3A_48 : vector<128xf32> to vector<1x128xf32>
    %div3A = arith.constant 4.096000e+03 : f32
    %div3A_50 = vector.broadcast %div3A : f32 to vector<1x128xf32>
    %div3A_51 = arith.divf %broadcast_in_dim3A_49, %div3A_50 : vector<1x128xf32>
    %sub3A_52 = vector.broadcast %div3A_51 : vector<1x128xf32> to vector<4096x128xf32>
    %sub3A_53 = arith.subf %max3A_46, %sub3A_52 : vector<4096x128xf32>
    %sub3A_54 = vector.broadcast %div3A_51 : vector<1x128xf32> to vector<4096x128xf32>
    %sub3A_55 = arith.subf %max3A_46, %sub3A_54 : vector<4096x128xf32>
    %mul3A_56 = arith.mulf %sub3A_53, %sub3A_55 : vector<4096x128xf32>
    %reduce_sum3A_57 = arith.constant dense<0.000000e+00> : vector<128xf32>
    %reduce_sum3A_58 = vector.multi_reduction <add>, %mul3A_56, %reduce_sum3A_57 [0] : vector<4096x128xf32> to vector<128xf32>
    %broadcast_in_dim3A_59 = vector.shape_cast %reduce_sum3A_58 : vector<128xf32> to vector<1x128xf32>
    %div3A_60 = arith.constant 4.096000e+03 : f32
    %div3A_61 = vector.broadcast %div3A_60 : f32 to vector<1x128xf32>
    %div3A_62 = arith.divf %broadcast_in_dim3A_59, %div3A_61 : vector<1x128xf32>
    %sub3A_63 = vector.broadcast %div3A_51 : vector<1x128xf32> to vector<4096x128xf32>
    %sub3A_64 = arith.subf %max3A_46, %sub3A_63 : vector<4096x128xf32>
    %add3A_65 = arith.constant 9.99999974E-6 : f32
    %add3A_66 = vector.broadcast %add3A_65 : f32 to vector<1x128xf32>
    %add3A_67 = arith.addf %div3A_62, %add3A_66 : vector<1x128xf32>
    %rsqrt3A = math.rsqrt %add3A_67 : vector<1x128xf32>
    %mul3A_68 = vector.broadcast %rsqrt3A : vector<1x128xf32> to vector<4096x128xf32>
    %mul3A_69 = arith.mulf %sub3A_64, %mul3A_68 : vector<4096x128xf32>
    %get3A_70 = arith.constant 0 : index
    %get3A_71 = arith.constant 0 : index
    %get3A_72 = vector.load %arg8[%get3A_70, %get3A_71] : memref<1x128xf32, #tpu.memory_space<vmem>>, vector<1x128xf32>
    %mul3A_73 = vector.broadcast %get3A_72 : vector<1x128xf32> to vector<4096x128xf32>
    %mul3A_74 = arith.mulf %mul3A_69, %mul3A_73 : vector<4096x128xf32>
    %get3A_75 = arith.constant 0 : index
    %get3A_76 = arith.constant 0 : index
    %get3A_77 = vector.load %arg9[%get3A_75, %get3A_76] : memref<1x128xf32, #tpu.memory_space<vmem>>, vector<1x128xf32>
    %add3A_78 = vector.broadcast %get3A_77 : vector<1x128xf32> to vector<4096x128xf32>
    %add3A_79 = arith.addf %mul3A_74, %add3A_78 : vector<4096x128xf32>
    %get3A_80 = arith.constant 0 : index
    %get3A_81 = arith.constant 0 : index
    %get3A_82 = vector.load %arg10[%get3A_80, %get3A_81] : memref<2x128xf32, #tpu.memory_space<vmem>>, vector<2x128xf32>
    %dot_general3A_83 = arith.constant dense<0.000000e+00> : vector<4096x2xf32>
    %dot_general3A_84 = tpu.matmul %add3A_79, %get3A_82, %dot_general3A_83 {dimension_numbers = #tpu.dot_dimension_numbers<[1], [1], [0], [0], [0, 0, 1, 0], [], []>, transpose_lhs_hint = false} : vector<4096x128xf32>, vector<2x128xf32>, vector<4096x2xf32> -> vector<4096x2xf32>
    %get3A_85 = arith.constant 0 : index
    %get3A_86 = arith.constant 0 : index
    %get3A_87 = vector.load %arg11[%get3A_85, %get3A_86] : memref<1x2xf32, #tpu.memory_space<vmem>>, vector<1x2xf32>
    %add3A_88 = vector.broadcast %get3A_87 : vector<1x2xf32> to vector<4096x2xf32>
    %add3A_89 = arith.addf %dot_general3A_84, %add3A_88 : vector<4096x2xf32>
    %swap3A = arith.constant 0 : index
    %swap3A_90 = arith.constant 0 : index
    %swap3A_91 = vector.load %arg12[%swap3A, %swap3A_90] : memref<4096x2xf32, #tpu.memory_space<vmem>>, vector<4096x2xf32>
    tpu.vector_store %arg12[%swap3A, %swap3A_90], %add3A_89 {strides = array<i32>} : memref<4096x2xf32, #tpu.memory_space<vmem>>, vector<4096x2xf32>,
    return
  }
  func.func @transform_0(%arg0: i32) -> (i32, i32) {
    %c0_i32 = arith.constant 0 : i32
    %c0_i32_0 = arith.constant 0 : i32
    %c0_i32_1 = arith.constant 0 : i32
    return %c0_i32, %c0_i32_0 : i32, i32
  }
  func.func @transform_1(%arg0: i32) -> (i32, i32) {
    %c0_i32 = arith.constant 0 : i32
    %c0_i32_0 = arith.constant 0 : i32
    %c0_i32_1 = arith.constant 0 : i32
    return %c0_i32, %c0_i32_0 : i32, i32
  }
  func.func @transform_2(%arg0: i32) -> (i32, i32) {
    %c0_i32 = arith.constant 0 : i32
    %c0_i32_0 = arith.constant 0 : i32
    %c0_i32_1 = arith.constant 0 : i32
    return %c0_i32, %c0_i32_0 : i32, i32
  }
  func.func @transform_3(%arg0: i32) -> (i32, i32) {
    %c0_i32 = arith.constant 0 : i32
    %c0_i32_0 = arith.constant 0 : i32
    %c0_i32_1 = arith.constant 0 : i32
    return %c0_i32, %c0_i32_0 : i32, i32
  }
  func.func @transform_4(%arg0: i32) -> (i32, i32) {
    %c0_i32 = arith.constant 0 : i32
    %c0_i32_0 = arith.constant 0 : i32
    %c0_i32_1 = arith.constant 0 : i32
    return %c0_i32, %c0_i32_0 : i32, i32
  }
  func.func @transform_5(%arg0: i32) -> (i32, i32) {
    %c0_i32 = arith.constant 0 : i32
    %c0_i32_0 = arith.constant 0 : i32
    %c0_i32_1 = arith.constant 0 : i32
    return %c0_i32, %c0_i32_0 : i32, i32
  }
  func.func @transform_6(%arg0: i32) -> (i32, i32) {
    %c0_i32 = arith.constant 0 : i32
    %c0_i32_0 = arith.constant 0 : i32
    %c0_i32_1 = arith.constant 0 : i32
    return %c0_i32, %c0_i32_0 : i32, i32
  }
  func.func @transform_7(%arg0: i32) -> (i32, i32) {
    %c0_i32 = arith.constant 0 : i32
    %c0_i32_0 = arith.constant 0 : i32
    %c0_i32_1 = arith.constant 0 : i32
    return %c0_i32, %c0_i32_0 : i32, i32
  }
  func.func @transform_8(%arg0: i32) -> (i32, i32) {
    %c0_i32 = arith.constant 0 : i32
    %c0_i32_0 = arith.constant 0 : i32
    %c0_i32_1 = arith.constant 0 : i32
    return %c0_i32, %c0_i32_0 : i32, i32
  }
  func.func @transform_9(%arg0: i32) -> (i32, i32) {
    %c0_i32 = arith.constant 0 : i32
    %c0_i32_0 = arith.constant 0 : i32
    %c0_i32_1 = arith.constant 0 : i32
    return %c0_i32, %c0_i32_0 : i32, i32
  }
  func.func @transform_10(%arg0: i32) -> (i32, i32) {
    %c0_i32 = arith.constant 0 : i32
    %c0_i32_0 = arith.constant 0 : i32
    %c0_i32_1 = arith.constant 0 : i32
    return %c0_i32, %c0_i32_0 : i32, i32
  }
  func.func @transform_11(%arg0: i32) -> (i32, i32) {
    %c0_i32 = arith.constant 0 : i32
    %c0_i32_0 = arith.constant 0 : i32
    %c0_i32_1 = arith.constant 0 : i32
    return %c0_i32, %c0_i32_0 : i32, i32
  }
}

</mosaic_0001>

<sc_bundles>
// kernel: kernel.12.cloned.1.call-start
scs
__scs_entry_jumppad:
0x0: {  	(pc) =	sbr.rel $0x88, $3  }
0x1: {  	(tag) =	ssettag $0x0;
	lr =	simm.s32 $0x1  }
0x2: {  	[smem:$0x3F97] =	sst lr;
	_ =	strace $0xD0000000  }
0x3: {  	_ = 	snop  }
0x4: {  	_ = 	snop  }
0x5: {  	_ = 	snop  }
0x6: {  	_ = 	snop  }
0x7: {  	_ = 	snop  }
__scs_overlays_trampoline_lowered:
0x8: {  	[smem:$0x3FA6] =	sst s0  }
0x9: {  	[smem:$0x3FA7] =	sst s1  }
0xa: {  	[smem:$0x3FA8] =	sst s2  }
0xb: {  	[smem:$0x3FA9] =	sst s3  }
0xc: {  	[smem:$0x3FAA] =	sst s4  }
0xd: {  	[smem:$0x3FAB] =	sst s5  }
0xe: {  	[smem:$0x3FAC] =	sst s6  }
0xf: {  	[smem:$0x3FAD] =	sst s7  }
0x10: {  	[smem:$0x3FAE] =	sst s8  }
0x11: {  	[smem:$0x3FAF] =	sst s9;
	s0 =	simm.s32 @!p0 $0x0  }
0x12: {  	s1 =	sld [smem:$0x3F95];
	s0 =	simm.s32 @p0 $0x1  }
0x13: {  	[smem:$0x3FB0] =	sst s0;
	s0 =	simm.s32 @!p1 $0x0  }
0x14: {  	s2 =	sld [smem:$0x3F94];
	s0 =	simm.s32 @p1 $0x1  }
0x15: {  	[smem:$0x3FB1] =	sst s0;
	s0 =	simm.s32 @!p2 $0x0  }
0x16: {  	s3 =	sld [smem:$0x3FDB];
	s0 =	simm.s32 @p2 $0x1  }
0x17: {  	s4 =	simm.s32 $0x1BF5;
	[smem:$0x3FB3] =	sst s0  }
0x18: {  	s0 =	sld [smem:$0x3F96];
	_ =	swait.ge [sflag:s4], $0x0  }
0x19: {  	s7 =	sld [smem:$0x3F97]  }
0x1a: {  	s8 =	sadd.s32 $0xFFFFE003, lr  }
0x1b: {  	s9 =	sadd.s32 $0xFFFFFEF7, lr;
	s5 =	simm.s32 $0xFFFFFFFF;
	p2 =	slt.u32 s8, $0xFFFFF086  }
0x1c: {  	p1 =	slt.u32 s9, $0xF7A;
	s5 =	simm.s32 @!p2 $0x0  }
0x1d: {  	s5 =	simm.s32 @p1 $0x1;
	p0 =	seq.s32 s7, s2  }
0x1e: {  	s7 =	smul.u32 @!p0 $0xF7A, s2;
	p2 =	seq.s32 @!p0 s5, $0x0  }
0x1f: {  	s9 =	smul.u32 $0xF7A, s1;
	s8 =	simm.s32 @!p0 $0x1BF5;
	p2 =	por !p2, p0  }
0x20: {  	[sflag:s8] =	ssyncset.s32 @!p0 $0xFFFFF086;
	s6 =	sadd.s32 @!p0 s3, s7;
	s7 =	simm.s32 @!p0 $0x108  }
0x21: {  	s3 =	sadd.s32 s3, s9;
	s6 =	sadd.s32 @!p0 $0x88, s6;
	s7 =	simm.s32 @p2 $0x1082  }
0x22: {  	[simem:s7], [sflag:s8] =	dma.local @!p0 [hbm:s6], $0xF7A  }
0x23: {  	s9 =	sor.u32 $0xD0000000, s2;
	s6 =	simm.s32 $0x108;
	_ =	swait.ge @!p0 [sflag:s8], $0x0  }
0x24: {  	s3 =	sadd.s32 $0x88, s3;
	s6 =	simm.s32 @!p1 $0x1082;
	[sflag:s4] =	ssyncset.s32 $0xFFFFF086  }
0x25: {  	[simem:s6], [sflag:s4] =	dma.local [hbm:s3], $0xF7A  }
0x26: {  	[smem:$0x3F97] =	sst s1;
	(tag) =	ssettag s2;
	_ =	strace s9  }
0x27: {  	s1 =	sld [smem:$0x3FA7]  }
0x28: {  	s2 =	sld [smem:$0x3FA8]  }
0x29: {  	s4 =	sld [smem:$0x3FAA]  }
0x2a: {  	p0 =	seq.s32 s5, $0x0;
	s5 =	sld [smem:$0x3FAB]  }
0x2b: {  	s6 =	sld [smem:$0x3FAC]  }
0x2c: {  	s7 =	sld [smem:$0x3FAD]  }
0x2d: {  	s3 =	simm.s32 $0x108;
	s8 =	sld [smem:$0x3FAE]  }
0x2e: {  	s3 =	simm.s32 @!p0 $0x1082;
	s9 =	sld [smem:$0x3FAF]  }
0x2f: {  	lr =	sadd.s32 s0, s3;
	s0 =	sld [smem:$0x3FA6]  }
0x30: {  	s3 =	sld [smem:$0x3FA9]  }
0x31: {  	[smem:$0x3FB2] =	sst s10  }
0x32: {  	s10 =	sld [smem:$0x3FB0];
	_ =	sdelay $0x3  }
0x33: {  	p0 =	seq.s32 s10, $0x1;
	s10 =	sld [smem:$0x3FB2];
	_ =	sdelay $0x3  }
0x34: {  	[smem:$0x3FB2] =	sst s10  }
0x35: {  	s10 =	sld [smem:$0x3FB1];
	_ =	sdelay $0x3  }
0x36: {  	p1 =	seq.s32 s10, $0x1;
	s10 =	sld [smem:$0x3FB2];
	_ =	sdelay $0x3  }
0x37: {  	[smem:$0x3FB2] =	sst s10  }
0x38: {  	s10 =	sld [smem:$0x3FB3]  }
0x39: {  	_ = 	snop;
	(pc) =	sbr.ind lr, $3  }
0x3a: {  	_ = 	snop  }
0x3b: {  	_ = 	snop  }
0x3c: {  	p2 =	seq.s32 s10, $0x1;
	s10 =	sld [smem:$0x3FB2]  }
0x3d: {  	_ =	shalt  }
0x3e: {  	_ =	shalt  }
0x3f: {  	_ =	shalt  }
0x40: {  	_ =	shalt  }
0x41: {  	_ =	shalt  }
0x42: {  	_ =	shalt  }
0x43: {  	_ =	shalt  }
0x44: {  	_ =	shalt  }
0x45: {  	_ =	shalt  }
0x46: {  	_ =	shalt  }
0x47: {  	_ =	shalt  }
0x48: {  	_ =	shalt  }
0x49: {  	_ =	shalt  }
0x4a: {  	_ =	shalt  }
0x4b: {  	_ =	shalt  }
0x4c: {  	_ =	shalt  }
0x4d: {  	_ =	shalt  }
0x4e: {  	_ =	shalt  }
0x4f: {  	_ =	shalt  }
0x50: {  	_ =	shalt  }
0x51: {  	_ =	shalt  }
0x52: {  	_ =	shalt  }
0x53: {  	_ =	shalt  }
0x54: {  	_ =	shalt  }
0x55: {  	_ =	shalt  }
0x56: {  	_ =	shalt  }
0x57: {  	_ =	shalt  }
0x58: {  	_ =	shalt  }
0x59: {  	_ =	shalt  }
0x5a: {  	_ =	shalt  }
0x5b: {  	_ =	shalt  }
0x5c: {  	_ =	shalt  }
0x5d: {  	_ =	shalt  }
0x5e: {  	_ =	shalt  }
0x5f: {  	_ =	shalt  }
0x60: {  	_ =	shalt  }
0x61: {  	_ =	shalt  }
0x62: {  	_ =	shalt  }
0x63: {  	_ =	shalt  }
0x64: {  	_ =	shalt  }
0x65: {  	_ =	shalt  }
0x66: {  	_ =	shalt  }
0x67: {  	_ =	shalt  }
0x68: {  	_ =	shalt  }
0x69: {  	_ =	shalt  }
0x6a: {  	_ =	shalt  }
0x6b: {  	_ =	shalt  }
0x6c: {  	_ =	shalt  }
0x6d: {  	_ =	shalt  }
0x6e: {  	_ =	shalt  }
0x6f: {  	_ =	shalt  }
0x70: {  	_ =	shalt  }
0x71: {  	_ =	shalt  }
0x72: {  	_ =	shalt  }
0x73: {  	_ =	shalt  }
0x74: {  	_ =	shalt  }
0x75: {  	_ =	shalt  }
0x76: {  	_ =	shalt  }
0x77: {  	_ =	shalt  }
0x78: {  	_ =	shalt  }
0x79: {  	_ =	shalt  }
0x7a: {  	_ =	shalt  }
0x7b: {  	_ =	shalt  }
0x7c: {  	_ =	shalt  }
0x7d: {  	_ =	shalt  }
0x7e: {  	_ =	shalt  }
0x7f: {  	_ =	shalt  }
0x80: {  	_ =	shalt  }
0x81: {  	_ =	shalt  }
0x82: {  	_ =	shalt  }
0x83: {  	_ =	shalt  }
0x84: {  	_ =	shalt  }
0x85: {  	_ =	shalt  }
0x86: {  	_ =	shalt  }
0x87: {  	_ =	shalt  }
.Lfunc_end0:
.L_simem_size_0:
called_computation.2_lowered:
.L_overlay_start_0:
0x88: {  	s2 =	sld [smem:$0x3FD9]  }
0x89: {  	s3 =	sld [smem:$0x3FFE];
	_ =	sdelay $0x1  }
0x8a: {  	s1 =	srdreg.scid  }
0x8b: {  	s0 =	sand.u32 $0x1, s1  }
0x8c: {  	s17 =	sshll.u32 s0, $0xA;
	s2 =	sadd.s32 s3, s2  }
0x8d: {  	s2 =	sadd.s32 s2, s17  }
0x8e: {  	[smem:$0x3FBE] =	sst s2  }
0x8f: {  	_ = 	snop  }
0x90: {  	(tm) =	ssettm $0x1  }
0x91: {  	s18 =	sld [smem:$0x3FFB];
	_ =	sdelay $0x3  }
0x92: {  	_ =	strace s18  }
0x93: {  	s2 =	sld [smem:$0x3FFC];
	_ =	sdelay $0x3  }
0x94: {  	_ =	strace s2  }
0x95: {  	s2 =	sld [smem:$0x3FFD];
	_ =	sdelay $0x3  }
0x96: {  	_ =	strace s2  }
0x97: {  	_ =	strace $0x8FFFFFFF  }
0x98: {  	s19 =	sld [smem:$0x3FDB];
	_ =	sdelay $0x1  }
0x99: {  	s20 =	simm.s32 $_scs_section_size  }
0x9a: {  	s4 =	simm.s32 $_size__tile_overlayer_lowered;
	s5 =	simm.s32 $_tile_overlayer_lowered  }
0x9b: {  	s6 =	simm.s32 $0x1BFF;
	s21 =	sshll.u32 s5, $0x1;
	s3 =	sadd.s32 s20, s19  }
0x9c: {  	s22 =	simm.s32 $0x0;
	s4 =	sshll.u32 s4, $0x1;
	s5 =	sadd.s32 s21, s3  }
0x9d: {  	[timem:s22], [sflag:s6] =	dma.local [hbm:s5], s4  }
0x9e: {  	_ =	swait.ge [sflag:s6], s4  }
0x9f: {  	s4 =	ssub.s32 $0x0, s4;
	[sflag:s6] =	ssyncset.done $0x0  }
0xa0: {  	[sflag:s6] =	ssyncadd.s32 s4;
	_ =	sdelay $0x1  }
0xa1: {  	s23 =	simm.s32 $0x1B8B  }
0xa2: {  	_ =	swait.ge [sflag:s23], $0x1  }
0xa3: {  	[sflag:s23] =	ssyncset.done $0x0  }
0xa4: {  	[sflag:s23] =	ssyncadd.s32 $0xFFFFFFFF  }
0xa5: {  	s4 =	sld [smem:$0x0]  }
0xa6: {  	s5 =	sand.u32 $0xFFFFFFFE, s1  }
0xa7: {  	p0 =	sne.s32 s1, s5  }
0xa8: {  	s5 =	sshll.u32 @p0 s5, $0xE  }
0xa9: {  	s5 =	sadd.s32 @p0 $0x11B8D, s5;
	s6 =	sshll.u32 @p0 s4, $0x11  }
0xaa: {  	s5 =	sor.u32 @p0 s6, s5  }
0xab: {  	[sflag:s5] =	ssyncadd.remote.s32 @p0 $0x1;
	_ =	sdelay $0x1  }
0xac: {  	s5 =	simm.s32 @p0 $0x1B8D  }
0xad: {  	_ =	swait.eq @p0 [sflag:s5], $0x1  }
0xae: {  	[sflag:s5] =	ssyncadd.s32 @p0 $0xFFFFFFFF  }
0xaf: {  	s6 =	sshll.u32 @!p0 s1, $0xE  }
0xb0: {  	s6 =	sor.u32 @!p0 $0x4000, s6;
	s5 =	simm.s32 @!p0 $0x1B8D  }
0xb1: {  	s4 =	sshll.u32 @!p0 s4, $0x11;
	s6 =	sadd.s32 @!p0 $0x11B8D, s6;
	_ =	swait.eq @!p0 [sflag:s5], $0x1  }
0xb2: {  	s4 =	sor.u32 @!p0 s4, s6;
	[sflag:s5] =	ssyncadd.s32 @!p0 $0xFFFFFFFF  }
0xb3: {  	s25 =	simm.s32 $0x1B8E;
	s24 =	sld [smem:$0x3FFE];
	[sflag:s4] =	ssyncadd.remote.s32 @!p0 $0x1  }
0xb4: {  	s26 =	simm.s32 $execute0_lowered;
	[smem:$0x3FD2] =	sst s25  }
0xb5: {  	s5 =	sshll.u32 s26, $0x1;
	_ =	strace $0x8000004C;
	[dreg:$0x1] =	wrdreg $0xFFFFFFFF  }
0xb6: {  	s28 =	simm.s32 $_size_execute0_lowered;
	s3 =	sadd.s32 s3, s5;
	[dreg:$0x0] =	wrdreg $0x0  }
0xb7: {  	s5 =	sshll.u32 s28, $0x1;
	[dreg:$0x2] =	wrdreg s3  }
0xb8: {  	[dreg:$0x3] =	wrdreg s5  }
0xb9: {  	[dreg:$0x4] =	wrdreg $0xC0  }
0xba: {  	_ =	task [dreg:s22], $0x5FFFF  }
0xbb: {  	[dreg:$0x1] =	wrdreg $0xFFFFFFFF  }
0xbc: {  	[dreg:$0x0] =	wrdreg $0x60  }
0xbd: {  	[dreg:$0x2] =	wrdreg s24  }
0xbe: {  	[dreg:$0x3] =	wrdreg $0xB  }
0xbf: {  	_ =	task.clear_ibuf [dreg:s22], $0x4FFFF;
	_ =	strace $0x9000004C  }
0xc0: {  	s29 =	simm.s32 $0xB;
	_ =	strace $0x8000004E  }
0xc1: {  	_ =	swait.ge [sflag:s29], $0x1  }
0xc2: {  	[sflag:s29] =	ssyncadd.s32 $0xFFFFFFFF  }
0xc3: {  	_ =	strace $0x9000004E  }
0xc4: {  	_ =	sfence  }
0xc5: {  	s30 =	sld [smem:$0x0];
	_ =	sdelay $0x2  }
0xc6: {  	s31 =	sshll.u32 s1, $0xD;
	s1 =	sshrl.u32 s1, $0x2  }
0xc7: {  	s4 =	sand.u32 $0x4000, s31;
	s1 =	sadd.s32 s1, s30  }
0xc8: {  	s0 =	sor.u32 s4, s0;
	s1 =	sshll.u32 s1, $0x11  }
0xc9: {  	s0 =	sor.u32 s1, s0  }
0xca: {  	s0 =	sadd.s32 $0x8F2B, s0  }
0xcb: {  	[sflag:s0] =	ssyncadd.remote.s32 $0x1  }
0xcc: {  	_ =	sfence.sel $0xFFFF  }
0xcd: {  	[dreg:$0x0] =	wrdreg $0xFFFFFFFF;
	(pc) =	sbr.abs _section_cstart, $3  }
0xce: {  	[dreg:$0x1] =	wrdreg $0xFFFFFFFF  }
0xcf: {  	_ =	task.clear_ibuf [dreg:s22], $0x2FFFF;
	_ =	strace $0x9FFFFFFF  }
0xd0: {  	(tm) =	ssettm $0x7FFFFFFF  }
0xd1: {  	_ =	shalt  }
tec
execute0_lowered:
.L_overlay_start_1:
0x0: {  	(tag) =	ssettag $0x1  }
0x1: {  	s1 =	srdreg.scid;
	s0 =	stileid.u32  }
0x2: {  	s4 =	rddreg [dreg:$0x0];
	s2 =	simm.s32 $0x0;
	s8 =	simm.s32 $0x64  }
0x3: {  	s9 =	simm.s32 $0x1A00;
	s10 =	simm.s32 $0x3300;
	s11 =	simm.s32 $0x1  }
0x4: {  	s12 =	simm.s32 $0x2;
	s13 =	simm.s32 $0x4C00;
	s14 =	simm.s32 $0x0  }
0x5: {  	s3 =	sand.u32 $0x1, s1;
	s5 =	sshll.u32 s0, $0x1;
	[smem:$0x7FF] =	sst s2  }
0x6: {  	s1 =	rddreg [dreg:$0x1];
	s5 =	sor.u32 s3, s5;
	_ =	strace $0x8000004D  }
0x7: {  	s7 =	ssub.s32 $0x2, s3;
	s6 =	smul.u32 $0x340, s5;
	s5 =	sshll.u32 s5, $0xA  }
0x8: {  	s3 =	sadd.s32 $0x3DC800, s4;
	s31 =	sshrl.u32 s7, $0x1;
	s5 =	sadd.s32 s5, s4  }
0x9: {  	s7 =	ssub.s32 s7, s31;
	s6 =	sadd.s32 s6, s4;
	s5 =	sadd.s32 $0xDF400, s5  }
0xa: {  	s4 =	sadd.s32 $0x5600, s6;
	s6 =	smax.u32 s7, $0x1;
	s7 =	simm.s32 $0x3  }
.LBB2_1:
0xb: {  	[tilespmem:s2], [sflag:$0x3] =	stream.linear.gather [hbm4b:s4+s2], $0x1A00, $0x38;
	[tilespmem:$0x6C00] =	vst v63  }
0xc: {  	_ =	swait.ge [sflag:s7], $0x1A00  }
0xd: {  	[sflag:s7] =	ssyncset.done $0x0  }
0xe: {  	s15 =	simm.s32 $0x0;
	[sflag:s7] =	ssyncadd.s32 $0xFFFFE600  }
0xf: {  	[tilespmem:s9], [sflag:$0x1] =	stream.indirect.gather [hbm4b:s3+s8], $0x40, s2, s8, $0xb8;
	[tilespmem:$0x6C00] =	vst v63  }
.LBB2_2:
0x10: {  	s16 =	sshllo.u32 s15, $0x1  }
0x11: {  	s17 =	smul.u32 $0x1A0, s16;
	_ =	sdelay $0x1  }
0x12: {  	s17 =	sshra.s32 s17, $0x2  }
0x13: {  	[tilespmem:s10], [sflag:$0x2] =	stream.indirect.gather [hbm4b:s3+s8], $0x40, s17, s8, $0xb8;
	[tilespmem:$0x6C00] =	vst v63  }
0x14: {  	_ =	swait.ge [sflag:s11], $0x1900  }
0x15: {  	[sflag:s11] =	ssyncset.done $0x0  }
0x16: {  	s17 =	simm.s32 $0x0;
	[sflag:s11] =	ssyncadd.s32 $0xFFFFE700  }
0x17: {  	v0 =	vld [tilespmem:s17+$0x1B00]  }
0x18: {  	v1 =	vld [tilespmem:s17+$0x1B10]  }
0x19: {  	v2 =	vld [tilespmem:s17+$0x1AC0]  }
0x1a: {  	v3 =	vld [tilespmem:s17+$0x1AD0]  }
0x1b: {  	v4 =	vld [tilespmem:s17+$0x1A80]  }
0x1c: {  	v5 =	vld [tilespmem:s17+$0x1A90]  }
0x1d: {  	v6 =	vld [tilespmem:s17+$0x1A40]  }
0x1e: {  	v7 =	vld [tilespmem:s17+$0x1A50]  }
0x1f: {  	v13 =	vld [tilespmem:s17+$0x1A00]  }
0x20: {  	v8 =	vimm.f32 $0.0e+00;
	v14 =	vld [tilespmem:s17+$0x1A10]  }
0x21: {  	s18 =	simm.s32 $0x500;
	v11 =	vimm.f32 $0.0e+00;
	v10 =	vimm.f32 $0.0e+00;
	v9 =	vimm.f32 $0.0e+00;
	v12 =	vld [tilespmem:s17+$0x1A20]  }
.LBB2_3:
0x22: {  	p0 =	sne.s32 s18, $0x2D00;
	v15 =	vld [tilespmem:s17+$0x1A30]  }
0x23: {  	v16 =	vld [tilespmem:s17+$0x1A60]  }
0x24: {  	v17 =	vld [tilespmem:s17+$0x1A70]  }
0x25: {  	v18 =	vld [tilespmem:s17+$0x1AA0]  }
0x26: {  	v8 =	vadd.f32 v13, v8;
	v11 =	vadd.f32 v14, v11;
	v13 =	vld [tilespmem:s17+$0x1AB0]  }
0x27: {  	v10 =	vadd.f32 v12, v10;
	v9 =	vadd.f32 v15, v9;
	v12 =	vld [tilespmem:s17+$0x1AE0]  }
0x28: {  	v6 =	vadd.f32 v6, v8;
	v7 =	vadd.f32 v7, v11;
	v8 =	vld [tilespmem:s17+$0x1AF0]  }
0x29: {  	v10 =	vadd.f32 v16, v10;
	v9 =	vadd.f32 v17, v9;
	v14 =	vld [tilespmem:s17+$0x1B20]  }
0x2a: {  	v4 =	vadd.f32 v4, v6;
	v5 =	vadd.f32 v5, v7;
	v6 =	vld [tilespmem:s17+$0x1B30];
	s17 =	sshra.s32 s18, $0x2  }
0x2b: {  	v10 =	vadd.f32 v18, v10;
	v7 =	vld [tilespmem:s17+$0x1B00];
	v9 =	vadd.f32 v13, v9  }
0x2c: {  	v4 =	vadd.f32 v2, v4;
	v5 =	vadd.f32 v3, v5;
	v13 =	vld [tilespmem:s17+$0x1B10]  }
0x2d: {  	v10 =	vadd.f32 v12, v10;
	v2 =	vld [tilespmem:s17+$0x1AC0];
	v9 =	vadd.f32 v8, v9  }
0x2e: {  	v8 =	vadd.f32 v0, v4;
	v11 =	vadd.f32 v1, v5;
	v3 =	vld [tilespmem:s17+$0x1AD0]  }
0x2f: {  	v10 =	vadd.f32 v14, v10;
	v4 =	vld [tilespmem:s17+$0x1A80];
	v9 =	vadd.f32 v6, v9  }
0x30: {  	v5 =	vld [tilespmem:s17+$0x1A90];
	v0 =	vmov v7  }
.Ltmp0:
0x31: {  	v6 =	vld [tilespmem:s17+$0x1A40];
	v1 =	vmov v13;
	(pc) =	sbr.rel @p0 .LBB2_3-.Ltmp0, $4  }
0x32: {  	v7 =	vld [tilespmem:s17+$0x1A50]  }
0x33: {  	v13 =	vld [tilespmem:s17+$0x1A00]  }
0x34: {  	v14 =	vld [tilespmem:s17+$0x1A10]  }
0x35: {  	s18 =	sadd.s32 $0x500, s18;
	v12 =	vld [tilespmem:s17+$0x1A20]  }
0x36: {  	v15 =	vld [tilespmem:s17+$0x1A30]  }
0x37: {  	v16 =	vld [tilespmem:s17+$0x1A60]  }
0x38: {  	v17 =	vld [tilespmem:s17+$0x1A70];
	v8 =	vadd.f32 v13, v8  }
0x39: {  	v13 =	vld [tilespmem:s17+$0x1AA0];
	v11 =	vadd.f32 v14, v11  }
0x3a: {  	v14 =	vld [tilespmem:s17+$0x1AB0];
	v10 =	vadd.f32 v12, v10;
	v6 =	vadd.f32 v6, v8  }
0x3b: {  	v8 =	vadd.f32 v15, v9;
	v9 =	vld [tilespmem:s17+$0x1AE0];
	v7 =	vadd.f32 v7, v11  }
0x3c: {  	v11 =	vld [tilespmem:s17+$0x1AF0];
	v10 =	vadd.f32 v16, v10;
	v4 =	vadd.f32 v4, v6  }
0x3d: {  	v6 =	vadd.f32 v17, v8;
	v8 =	vld [tilespmem:s17+$0x1B20];
	v5 =	vadd.f32 v5, v7  }
0x3e: {  	v7 =	vld [tilespmem:s17+$0x1B30];
	v10 =	vadd.f32 v13, v10;
	v2 =	vadd.f32 v2, v4  }
0x3f: {  	v4 =	vadd.f32 v14, v6;
	v3 =	vadd.f32 v3, v5  }
0x40: {  	s31 =	sshll.u32 s15, $0x8;
	v5 =	vadd.f32 v9, v10;
	v0 =	vadd.f32 v0, v2  }
0x41: {  	s17 =	sand.u32 $0x3FFFFF00, s31;
	v2 =	vadd.f32 v11, v4;
	v1 =	vadd.f32 v1, v3  }
0x42: {  	v3 =	vadd.f32 v8, v5;
	[tilespmem:s17+$0x4C00] =	vst v0  }
0x43: {  	v0 =	vadd.f32 v7, v2;
	[tilespmem:s17+$0x4C10] =	vst v1  }
0x44: {  	[tilespmem:s17+$0x4C20] =	vst v3  }
0x45: {  	s18 =	simm.s32 $0x0;
	[tilespmem:s17+$0x4C30] =	vst v0  }
0x46: {  	v0 =	vld [tilespmem:s18+$0x2780]  }
0x47: {  	v1 =	vld [tilespmem:s18+$0x2790]  }
0x48: {  	v2 =	vld [tilespmem:s18+$0x2740]  }
0x49: {  	v3 =	vld [tilespmem:s18+$0x2750]  }
0x4a: {  	v4 =	vld [tilespmem:s18+$0x2700]  }
0x4b: {  	v5 =	vld [tilespmem:s18+$0x2710]  }
0x4c: {  	v6 =	vld [tilespmem:s18+$0x26C0]  }
0x4d: {  	v7 =	vld [tilespmem:s18+$0x26D0]  }
0x4e: {  	v13 =	vld [tilespmem:s18+$0x2680]  }
0x4f: {  	v10 =	vimm.f32 $0.0e+00;
	v14 =	vld [tilespmem:s18+$0x2690]  }
0x50: {  	s19 =	simm.s32 $0x500;
	v9 =	vimm.f32 $0.0e+00;
	v11 =	vimm.f32 $0.0e+00;
	v8 =	vimm.f32 $0.0e+00;
	v12 =	vld [tilespmem:s18+$0x26A0]  }
.LBB2_5:
0x51: {  	p0 =	sne.s32 s19, $0x2D00;
	v15 =	vld [tilespmem:s18+$0x26B0]  }
0x52: {  	v16 =	vld [tilespmem:s18+$0x26E0]  }
0x53: {  	v17 =	vld [tilespmem:s18+$0x26F0]  }
0x54: {  	v18 =	vld [tilespmem:s18+$0x2720]  }
0x55: {  	v8 =	vadd.f32 v13, v8;
	v11 =	vadd.f32 v14, v11;
	v13 =	vld [tilespmem:s18+$0x2730]  }
0x56: {  	v10 =	vadd.f32 v12, v10;
	v9 =	vadd.f32 v15, v9;
	v12 =	vld [tilespmem:s18+$0x2760]  }
0x57: {  	v6 =	vadd.f32 v6, v8;
	v7 =	vadd.f32 v7, v11;
	v8 =	vld [tilespmem:s18+$0x2770]  }
0x58: {  	v10 =	vadd.f32 v16, v10;
	v9 =	vadd.f32 v17, v9;
	v14 =	vld [tilespmem:s18+$0x27A0]  }
0x59: {  	v4 =	vadd.f32 v4, v6;
	v5 =	vadd.f32 v5, v7;
	v6 =	vld [tilespmem:s18+$0x27B0];
	s18 =	sshra.s32 s19, $0x2  }
0x5a: {  	v10 =	vadd.f32 v18, v10;
	v7 =	vld [tilespmem:s18+$0x2780];
	v9 =	vadd.f32 v13, v9  }
0x5b: {  	v4 =	vadd.f32 v2, v4;
	v5 =	vadd.f32 v3, v5;
	v13 =	vld [tilespmem:s18+$0x2790]  }
0x5c: {  	v10 =	vadd.f32 v12, v10;
	v2 =	vld [tilespmem:s18+$0x2740];
	v9 =	vadd.f32 v8, v9  }
0x5d: {  	v8 =	vadd.f32 v0, v4;
	v11 =	vadd.f32 v1, v5;
	v3 =	vld [tilespmem:s18+$0x2750]  }
0x5e: {  	v10 =	vadd.f32 v14, v10;
	v4 =	vld [tilespmem:s18+$0x2700];
	v9 =	vadd.f32 v6, v9  }
0x5f: {  	v5 =	vld [tilespmem:s18+$0x2710];
	v0 =	vmov v7  }
.Ltmp1:
0x60: {  	v6 =	vld [tilespmem:s18+$0x26C0];
	v1 =	vmov v13;
	(pc) =	sbr.rel @p0 .LBB2_5-.Ltmp1, $4  }
0x61: {  	v7 =	vld [tilespmem:s18+$0x26D0]  }
0x62: {  	v13 =	vld [tilespmem:s18+$0x2680]  }
0x63: {  	v14 =	vld [tilespmem:s18+$0x2690]  }
0x64: {  	s19 =	sadd.s32 $0x500, s19;
	v12 =	vld [tilespmem:s18+$0x26A0]  }
0x65: {  	v15 =	vld [tilespmem:s18+$0x26B0]  }
0x66: {  	v16 =	vld [tilespmem:s18+$0x26E0]  }
0x67: {  	v17 =	vld [tilespmem:s18+$0x26F0];
	v8 =	vadd.f32 v13, v8  }
0x68: {  	v13 =	vld [tilespmem:s18+$0x2720];
	v11 =	vadd.f32 v14, v11  }
0x69: {  	v14 =	vld [tilespmem:s18+$0x2730];
	v10 =	vadd.f32 v12, v10;
	v6 =	vadd.f32 v6, v8  }
0x6a: {  	v8 =	vadd.f32 v15, v9;
	v9 =	vld [tilespmem:s18+$0x2760];
	v7 =	vadd.f32 v7, v11  }
0x6b: {  	v11 =	vld [tilespmem:s18+$0x2770];
	v10 =	vadd.f32 v16, v10;
	v4 =	vadd.f32 v4, v6  }
0x6c: {  	v6 =	vadd.f32 v17, v8;
	v8 =	vld [tilespmem:s18+$0x27A0];
	v5 =	vadd.f32 v5, v7  }
0x6d: {  	v7 =	vld [tilespmem:s18+$0x27B0];
	v10 =	vadd.f32 v13, v10;
	v2 =	vadd.f32 v2, v4  }
0x6e: {  	v4 =	vadd.f32 v14, v6;
	v3 =	vadd.f32 v3, v5  }
0x6f: {  	v5 =	vadd.f32 v9, v10;
	v0 =	vadd.f32 v0, v2  }
0x70: {  	p0 =	seq.s32 s15, $0x1F;
	v2 =	vadd.f32 v11, v4;
	v1 =	vadd.f32 v1, v3  }
0x71: {  	s18 =	smul.u32 @!p0 $0x340, s15;
	v3 =	vadd.f32 v8, v5;
	[tilespmem:s17+$0x4C40] =	vst v0  }
0x72: {  	v0 =	vadd.f32 v7, v2;
	[tilespmem:s17+$0x4C50] =	vst v1  }
0x73: {  	s18 =	sshra.s32 @!p0 s18, $0x2;
	[tilespmem:s17+$0x4C60] =	vst v3  }
0x74: {  	s19 =	simm.s32 @!p0 $0x1A00;
	[tilespmem:s17+$0x4C70] =	vst v0;
	s17 =	sadd.s32 @!p0 $0xD0, s18;
	s18 =	simm.s32 @!p0 $0x64  }
0x75: {  	[tilespmem:s19], [sflag:$0x1] =	stream.indirect.gather @!p0 [hbm4b:s3+s18], $0x40, s17, s18, $0xb8;
	[tilespmem:$0x6C00] =	vst v63  }
0x76: {  	_ =	swait.ge [sflag:s12], $0x1900  }
0x77: {  	[sflag:s12] =	ssyncset.done $0x0  }
0x78: {  	s17 =	simm.s32 $0x0;
	[sflag:s12] =	ssyncadd.s32 $0xFFFFE700  }
0x79: {  	v0 =	vld [tilespmem:s17+$0x3400]  }
0x7a: {  	v1 =	vld [tilespmem:s17+$0x3410]  }
0x7b: {  	v2 =	vld [tilespmem:s17+$0x33C0]  }
0x7c: {  	v3 =	vld [tilespmem:s17+$0x33D0]  }
0x7d: {  	v4 =	vld [tilespmem:s17+$0x3380]  }
0x7e: {  	v5 =	vld [tilespmem:s17+$0x3390]  }
0x7f: {  	v6 =	vld [tilespmem:s17+$0x3340]  }
0x80: {  	v7 =	vld [tilespmem:s17+$0x3350]  }
0x81: {  	v13 =	vld [tilespmem:s17+$0x3300]  }
0x82: {  	v10 =	vimm.f32 $0.0e+00;
	v14 =	vld [tilespmem:s17+$0x3310]  }
0x83: {  	v9 =	vimm.f32 $0.0e+00;
	v11 =	vimm.f32 $0.0e+00;
	v8 =	vimm.f32 $0.0e+00;
	s18 =	simm.s32 $0x500;
	v12 =	vld [tilespmem:s17+$0x3320]  }
.LBB2_7:
0x84: {  	p0 =	sne.s32 s18, $0x2D00;
	v15 =	vld [tilespmem:s17+$0x3330]  }
0x85: {  	v16 =	vld [tilespmem:s17+$0x3360]  }
0x86: {  	v17 =	vld [tilespmem:s17+$0x3370]  }
0x87: {  	v18 =	vld [tilespmem:s17+$0x33A0]  }
0x88: {  	v8 =	vadd.f32 v13, v8;
	v11 =	vadd.f32 v14, v11;
	v13 =	vld [tilespmem:s17+$0x33B0]  }
0x89: {  	v10 =	vadd.f32 v12, v10;
	v9 =	vadd.f32 v15, v9;
	v12 =	vld [tilespmem:s17+$0x33E0]  }
0x8a: {  	v6 =	vadd.f32 v6, v8;
	v7 =	vadd.f32 v7, v11;
	v8 =	vld [tilespmem:s17+$0x33F0]  }
0x8b: {  	v10 =	vadd.f32 v16, v10;
	v9 =	vadd.f32 v17, v9;
	v14 =	vld [tilespmem:s17+$0x3420]  }
0x8c: {  	v4 =	vadd.f32 v4, v6;
	v5 =	vadd.f32 v5, v7;
	v6 =	vld [tilespmem:s17+$0x3430];
	s17 =	sshra.s32 s18, $0x2  }
0x8d: {  	v10 =	vadd.f32 v18, v10;
	v7 =	vld [tilespmem:s17+$0x3400];
	v9 =	vadd.f32 v13, v9  }
0x8e: {  	v4 =	vadd.f32 v2, v4;
	v5 =	vadd.f32 v3, v5;
	v13 =	vld [tilespmem:s17+$0x3410]  }
0x8f: {  	v10 =	vadd.f32 v12, v10;
	v2 =	vld [tilespmem:s17+$0x33C0];
	v9 =	vadd.f32 v8, v9  }
0x90: {  	v8 =	vadd.f32 v0, v4;
	v11 =	vadd.f32 v1, v5;
	v3 =	vld [tilespmem:s17+$0x33D0]  }
0x91: {  	v10 =	vadd.f32 v14, v10;
	v4 =	vld [tilespmem:s17+$0x3380];
	v9 =	vadd.f32 v6, v9  }
0x92: {  	v5 =	vld [tilespmem:s17+$0x3390];
	v0 =	vmov v7  }
.Ltmp2:
0x93: {  	v6 =	vld [tilespmem:s17+$0x3340];
	v1 =	vmov v13;
	(pc) =	sbr.rel @p0 .LBB2_7-.Ltmp2, $4  }
0x94: {  	v7 =	vld [tilespmem:s17+$0x3350]  }
0x95: {  	v13 =	vld [tilespmem:s17+$0x3300]  }
0x96: {  	v14 =	vld [tilespmem:s17+$0x3310]  }
0x97: {  	s18 =	sadd.s32 $0x500, s18;
	v12 =	vld [tilespmem:s17+$0x3320]  }
0x98: {  	v15 =	vld [tilespmem:s17+$0x3330]  }
0x99: {  	v16 =	vld [tilespmem:s17+$0x3360]  }
0x9a: {  	v17 =	vld [tilespmem:s17+$0x3370];
	v8 =	vadd.f32 v13, v8  }
0x9b: {  	v13 =	vld [tilespmem:s17+$0x33A0];
	v11 =	vadd.f32 v14, v11  }
0x9c: {  	v14 =	vld [tilespmem:s17+$0x33B0];
	v10 =	vadd.f32 v12, v10;
	v6 =	vadd.f32 v6, v8  }
0x9d: {  	v8 =	vadd.f32 v15, v9;
	v9 =	vld [tilespmem:s17+$0x33E0];
	v7 =	vadd.f32 v7, v11  }
0x9e: {  	v11 =	vld [tilespmem:s17+$0x33F0];
	v10 =	vadd.f32 v16, v10;
	v4 =	vadd.f32 v4, v6  }
0x9f: {  	v6 =	vadd.f32 v17, v8;
	v8 =	vld [tilespmem:s17+$0x3420];
	v5 =	vadd.f32 v5, v7  }
0xa0: {  	v7 =	vld [tilespmem:s17+$0x3430];
	v10 =	vadd.f32 v13, v10;
	v2 =	vadd.f32 v2, v4  }
0xa1: {  	v4 =	vadd.f32 v14, v6;
	v3 =	vadd.f32 v3, v5  }
0xa2: {  	s16 =	sshll.u32 s16, $0x7;
	v5 =	vadd.f32 v9, v10;
	v0 =	vadd.f32 v0, v2  }
0xa3: {  	s16 =	sand.u32 $0x3FFFFF80, s16;
	v2 =	vadd.f32 v11, v4;
	v1 =	vadd.f32 v1, v3  }
0xa4: {  	v3 =	vadd.f32 v8, v5;
	[tilespmem:s16+$0x4C00] =	vst v0  }
0xa5: {  	v0 =	vadd.f32 v7, v2;
	[tilespmem:s16+$0x4C10] =	vst v1  }
0xa6: {  	[tilespmem:s16+$0x4C20] =	vst v3  }
0xa7: {  	s17 =	simm.s32 $0x0;
	[tilespmem:s16+$0x4C30] =	vst v0  }
0xa8: {  	v0 =	vld [tilespmem:s17+$0x4080]  }
0xa9: {  	v1 =	vld [tilespmem:s17+$0x4090]  }
0xaa: {  	v2 =	vld [tilespmem:s17+$0x4040]  }
0xab: {  	v3 =	vld [tilespmem:s17+$0x4050]  }
0xac: {  	v4 =	vld [tilespmem:s17+$0x4000]  }
0xad: {  	v5 =	vld [tilespmem:s17+$0x4010]  }
0xae: {  	v6 =	vld [tilespmem:s17+$0x3FC0]  }
0xaf: {  	v7 =	vld [tilespmem:s17+$0x3FD0]  }
0xb0: {  	v13 =	vld [tilespmem:s17+$0x3F80]  }
0xb1: {  	v10 =	vimm.f32 $0.0e+00;
	v14 =	vld [tilespmem:s17+$0x3F90]  }
0xb2: {  	s18 =	simm.s32 $0x500;
	v9 =	vimm.f32 $0.0e+00;
	v11 =	vimm.f32 $0.0e+00;
	v8 =	vimm.f32 $0.0e+00;
	v12 =	vld [tilespmem:s17+$0x3FA0]  }
.LBB2_9:
0xb3: {  	p0 =	sne.s32 s18, $0x2D00;
	v15 =	vld [tilespmem:s17+$0x3FB0]  }
0xb4: {  	v16 =	vld [tilespmem:s17+$0x3FE0]  }
0xb5: {  	v17 =	vld [tilespmem:s17+$0x3FF0]  }
0xb6: {  	v18 =	vld [tilespmem:s17+$0x4020]  }
0xb7: {  	v8 =	vadd.f32 v13, v8;
	v11 =	vadd.f32 v14, v11;
	v13 =	vld [tilespmem:s17+$0x4030]  }
0xb8: {  	v10 =	vadd.f32 v12, v10;
	v9 =	vadd.f32 v15, v9;
	v12 =	vld [tilespmem:s17+$0x4060]  }
0xb9: {  	v6 =	vadd.f32 v6, v8;
	v7 =	vadd.f32 v7, v11;
	v8 =	vld [tilespmem:s17+$0x4070]  }
0xba: {  	v10 =	vadd.f32 v16, v10;
	v9 =	vadd.f32 v17, v9;
	v14 =	vld [tilespmem:s17+$0x40A0]  }
0xbb: {  	v4 =	vadd.f32 v4, v6;
	v5 =	vadd.f32 v5, v7;
	v6 =	vld [tilespmem:s17+$0x40B0];
	s17 =	sshra.s32 s18, $0x2  }
0xbc: {  	v10 =	vadd.f32 v18, v10;
	v7 =	vld [tilespmem:s17+$0x4080];
	v9 =	vadd.f32 v13, v9  }
0xbd: {  	v4 =	vadd.f32 v2, v4;
	v5 =	vadd.f32 v3, v5;
	v13 =	vld [tilespmem:s17+$0x4090]  }
0xbe: {  	v10 =	vadd.f32 v12, v10;
	v2 =	vld [tilespmem:s17+$0x4040];
	v9 =	vadd.f32 v8, v9  }
0xbf: {  	v8 =	vadd.f32 v0, v4;
	v11 =	vadd.f32 v1, v5;
	v3 =	vld [tilespmem:s17+$0x4050]  }
0xc0: {  	v10 =	vadd.f32 v14, v10;
	v4 =	vld [tilespmem:s17+$0x4000];
	v9 =	vadd.f32 v6, v9  }
0xc1: {  	v5 =	vld [tilespmem:s17+$0x4010];
	v0 =	vmov v7  }
.Ltmp3:
0xc2: {  	v6 =	vld [tilespmem:s17+$0x3FC0];
	v1 =	vmov v13;
	(pc) =	sbr.rel @p0 .LBB2_9-.Ltmp3, $4  }
0xc3: {  	v7 =	vld [tilespmem:s17+$0x3FD0]  }
0xc4: {  	v13 =	vld [tilespmem:s17+$0x3F80]  }
0xc5: {  	v14 =	vld [tilespmem:s17+$0x3F90]  }
0xc6: {  	s18 =	sadd.s32 $0x500, s18;
	v12 =	vld [tilespmem:s17+$0x3FA0]  }
0xc7: {  	v15 =	vld [tilespmem:s17+$0x3FB0]  }
0xc8: {  	v16 =	vld [tilespmem:s17+$0x3FE0]  }
0xc9: {  	v17 =	vld [tilespmem:s17+$0x3FF0];
	v8 =	vadd.f32 v13, v8  }
0xca: {  	v51 =	vld [tilespmem:s17+$0x4020];
	v11 =	vadd.f32 v14, v11  }
0xcb: {  	v52 =	vld [tilespmem:s17+$0x4030];
	v10 =	vadd.f32 v12, v10;
	v6 =	vadd.f32 v6, v8  }
0xcc: {  	v54 =	vld [tilespmem:s17+$0x4060];
	v53 =	vadd.f32 v15, v9;
	v7 =	vadd.f32 v7, v11  }
0xcd: {  	v55 =	vld [tilespmem:s17+$0x4070];
	v10 =	vadd.f32 v16, v10;
	v4 =	vadd.f32 v4, v6  }
0xce: {  	v57 =	vld [tilespmem:s17+$0x40A0];
	v56 =	vadd.f32 v17, v53;
	v5 =	vadd.f32 v5, v7  }
0xcf: {  	v58 =	vld [tilespmem:s17+$0x40B0];
	v10 =	vadd.f32 v51, v10;
	v2 =	vadd.f32 v2, v4  }
0xd0: {  	s15 =	sadd.s32 $0x1, s15;
	v59 =	vadd.f32 v52, v56;
	v3 =	vadd.f32 v3, v5  }
0xd1: {  	p0 =	sne.s32 s15, $0x20;
	v60 =	vadd.f32 v54, v10;
	v0 =	vadd.f32 v0, v2  }
.Ltmp4:
0xd2: {  	v61 =	vadd.f32 v55, v59;
	v1 =	vadd.f32 v1, v3;
	(pc) =	sbr.rel @p0 .LBB2_2-.Ltmp4, $4  }
0xd3: {  	v62 =	vadd.f32 v57, v60;
	[tilespmem:s16+$0x4C40] =	vst v0  }
0xd4: {  	v63 =	vadd.f32 v58, v61;
	[tilespmem:s16+$0x4C50] =	vst v1  }
0xd5: {  	[tilespmem:s16+$0x4C60] =	vst v62  }
0xd6: {  	[tilespmem:s16+$0x4C70] =	vst v63  }
0xd7: {  	s14 =	sadd.s32 $0x1, s14  }
0xd8: {  	p0 =	sne.s32 s14, s6  }
.Ltmp5:
0xd9: {  	_ = 	snop;
	(pc) =	sbr.rel @p0 .LBB2_1-.Ltmp5, $4  }
0xda: {  	[hbm4b:s5+s2] =	stream.linear.scatter [tilespmem:s13], [sflag:$0x3], $0x2000, $0x38;
	[tilespmem:$0x6C00] =	vst v63  }
0xdb: {  	_ =	swait.ge [sflag:s7], $0x2000  }
0xdc: {  	[sflag:s7] =	ssyncset.done $0x0  }
0xdd: {  	[sflag:s7] =	ssyncadd.s32 $0xFFFFE000  }
0xde: {  	_ =	sfence.sel $0x180000  }
0xdf: {  	[bflag:$0x0] =	sbarrier.arrive $0xFFFF  }
0xe0: {  	p0 =	sne.s32 s0, $0x0;
	_ =	strace $0x9000004D  }
0xe1: {  	s0 =	sadd.s32 @!p0 $0x100000, s1;
	[bflag:$0x2] =	sbarrier.arrive $0xFFFF  }
0xe2: {  	[sflag:s0] =	ssyncadd.tile.s32 @!p0 $0x1;
	_ =	shalt  }
.Lfunc_end2:
_tile_overlayer_lowered:
.L_overlay_start_2:
0xe3: {  	(tag) =	ssettag $0x2  }
0xe4: {  	s0 =	rddreg [dreg:$0x0];
	s2 =	stileid.u32  }
0xe5: {  	s1 =	rddreg [dreg:$0x1];
	p0 =	sne.s32 s2, $0x0  }
0xe6: {  	s3 =	rddreg [dreg:$0x2];
	[bflag:$0x3] =	sbarrier.arrive $0xFFFF;
	s2 =	simm.s32 @!p0 $0x1C03  }
0xe7: {  	[timem:s3], [sflag:s2] =	dma.local @!p0 [hbm:s0], s1  }
0xe8: {  	s0 =	simm.s32 @!p0 $0x3  }
0xe9: {  	_ =	swait.ge @!p0 [sflag:s0], s1  }
0xea: {  	s1 =	ssub.s32 @!p0 $0x0, s1;
	[sflag:s0] =	ssyncset.done @!p0 $0x0  }
0xeb: {  	[sflag:s0] =	ssyncadd.s32 @!p0 s1  }
0xec: {  	[bflag:$0x3] =	sbarrier.arrive $0xFFFF  }
0xed: {  	_ =	shalt  }

// kernel: kernel.6.cloned.1.call-start
scs
__scs_entry_jumppad:
0x0: {  	(pc) =	sbr.rel $0x88, $3  }
0x1: {  	(tag) =	ssettag $0x0;
	lr =	simm.s32 $0x1  }
0x2: {  	[smem:$0x3F97] =	sst lr;
	_ =	strace $0xD0000000  }
0x3: {  	_ = 	snop  }
0x4: {  	_ = 	snop  }
0x5: {  	_ = 	snop  }
0x6: {  	_ = 	snop  }
0x7: {  	_ = 	snop  }
__scs_overlays_trampoline_lowered:
0x8: {  	[smem:$0x3FA6] =	sst s0  }
0x9: {  	[smem:$0x3FA7] =	sst s1  }
0xa: {  	[smem:$0x3FA8] =	sst s2  }
0xb: {  	[smem:$0x3FA9] =	sst s3  }
0xc: {  	[smem:$0x3FAA] =	sst s4  }
0xd: {  	[smem:$0x3FAB] =	sst s5  }
0xe: {  	[smem:$0x3FAC] =	sst s6  }
0xf: {  	[smem:$0x3FAD] =	sst s7  }
0x10: {  	[smem:$0x3FAE] =	sst s8  }
0x11: {  	[smem:$0x3FAF] =	sst s9;
	s0 =	simm.s32 @!p0 $0x0  }
0x12: {  	s1 =	sld [smem:$0x3F95];
	s0 =	simm.s32 @p0 $0x1  }
0x13: {  	[smem:$0x3FB0] =	sst s0;
	s0 =	simm.s32 @!p1 $0x0  }
0x14: {  	s2 =	sld [smem:$0x3F94];
	s0 =	simm.s32 @p1 $0x1  }
0x15: {  	[smem:$0x3FB1] =	sst s0;
	s0 =	simm.s32 @!p2 $0x0  }
0x16: {  	s3 =	sld [smem:$0x3FDB];
	s0 =	simm.s32 @p2 $0x1  }
0x17: {  	s4 =	simm.s32 $0x1BF5;
	[smem:$0x3FB3] =	sst s0  }
0x18: {  	s0 =	sld [smem:$0x3F96];
	_ =	swait.ge [sflag:s4], $0x0  }
0x19: {  	s7 =	sld [smem:$0x3F97]  }
0x1a: {  	s8 =	sadd.s32 $0xFFFFE003, lr  }
0x1b: {  	s9 =	sadd.s32 $0xFFFFFEF7, lr;
	s5 =	simm.s32 $0xFFFFFFFF;
	p2 =	slt.u32 s8, $0xFFFFF086  }
0x1c: {  	p1 =	slt.u32 s9, $0xF7A;
	s5 =	simm.s32 @!p2 $0x0  }
0x1d: {  	s5 =	simm.s32 @p1 $0x1;
	p0 =	seq.s32 s7, s2  }
0x1e: {  	s7 =	smul.u32 @!p0 $0xF7A, s2;
	p2 =	seq.s32 @!p0 s5, $0x0  }
0x1f: {  	s9 =	smul.u32 $0xF7A, s1;
	s8 =	simm.s32 @!p0 $0x1BF5;
	p2 =	por !p2, p0  }
0x20: {  	[sflag:s8] =	ssyncset.s32 @!p0 $0xFFFFF086;
	s6 =	sadd.s32 @!p0 s3, s7;
	s7 =	simm.s32 @!p0 $0x108  }
0x21: {  	s3 =	sadd.s32 s3, s9;
	s6 =	sadd.s32 @!p0 $0x88, s6;
	s7 =	simm.s32 @p2 $0x1082  }
0x22: {  	[simem:s7], [sflag:s8] =	dma.local @!p0 [hbm:s6], $0xF7A  }
0x23: {  	s9 =	sor.u32 $0xD0000000, s2;
	s6 =	simm.s32 $0x108;
	_ =	swait.ge @!p0 [sflag:s8], $0x0  }
0x24: {  	s3 =	sadd.s32 $0x88, s3;
	s6 =	simm.s32 @!p1 $0x1082;
	[sflag:s4] =	ssyncset.s32 $0xFFFFF086  }
0x25: {  	[simem:s6], [sflag:s4] =	dma.local [hbm:s3], $0xF7A  }
0x26: {  	[smem:$0x3F97] =	sst s1;
	(tag) =	ssettag s2;
	_ =	strace s9  }
0x27: {  	s1 =	sld [smem:$0x3FA7]  }
0x28: {  	s2 =	sld [smem:$0x3FA8]  }
0x29: {  	s4 =	sld [smem:$0x3FAA]  }
0x2a: {  	p0 =	seq.s32 s5, $0x0;
	s5 =	sld [smem:$0x3FAB]  }
0x2b: {  	s6 =	sld [smem:$0x3FAC]  }
0x2c: {  	s7 =	sld [smem:$0x3FAD]  }
0x2d: {  	s3 =	simm.s32 $0x108;
	s8 =	sld [smem:$0x3FAE]  }
0x2e: {  	s3 =	simm.s32 @!p0 $0x1082;
	s9 =	sld [smem:$0x3FAF]  }
0x2f: {  	lr =	sadd.s32 s0, s3;
	s0 =	sld [smem:$0x3FA6]  }
0x30: {  	s3 =	sld [smem:$0x3FA9]  }
0x31: {  	[smem:$0x3FB2] =	sst s10  }
0x32: {  	s10 =	sld [smem:$0x3FB0];
	_ =	sdelay $0x3  }
0x33: {  	p0 =	seq.s32 s10, $0x1;
	s10 =	sld [smem:$0x3FB2];
	_ =	sdelay $0x3  }
0x34: {  	[smem:$0x3FB2] =	sst s10  }
0x35: {  	s10 =	sld [smem:$0x3FB1];
	_ =	sdelay $0x3  }
0x36: {  	p1 =	seq.s32 s10, $0x1;
	s10 =	sld [smem:$0x3FB2];
	_ =	sdelay $0x3  }
0x37: {  	[smem:$0x3FB2] =	sst s10  }
0x38: {  	s10 =	sld [smem:$0x3FB3]  }
0x39: {  	_ = 	snop;
	(pc) =	sbr.ind lr, $3  }
0x3a: {  	_ = 	snop  }
0x3b: {  	_ = 	snop  }
0x3c: {  	p2 =	seq.s32 s10, $0x1;
	s10 =	sld [smem:$0x3FB2]  }
0x3d: {  	_ =	shalt  }
0x3e: {  	_ =	shalt  }
0x3f: {  	_ =	shalt  }
0x40: {  	_ =	shalt  }
0x41: {  	_ =	shalt  }
0x42: {  	_ =	shalt  }
0x43: {  	_ =	shalt  }
0x44: {  	_ =	shalt  }
0x45: {  	_ =	shalt  }
0x46: {  	_ =	shalt  }
0x47: {  	_ =	shalt  }
0x48: {  	_ =	shalt  }
0x49: {  	_ =	shalt  }
0x4a: {  	_ =	shalt  }
0x4b: {  	_ =	shalt  }
0x4c: {  	_ =	shalt  }
0x4d: {  	_ =	shalt  }
0x4e: {  	_ =	shalt  }
0x4f: {  	_ =	shalt  }
0x50: {  	_ =	shalt  }
0x51: {  	_ =	shalt  }
0x52: {  	_ =	shalt  }
0x53: {  	_ =	shalt  }
0x54: {  	_ =	shalt  }
0x55: {  	_ =	shalt  }
0x56: {  	_ =	shalt  }
0x57: {  	_ =	shalt  }
0x58: {  	_ =	shalt  }
0x59: {  	_ =	shalt  }
0x5a: {  	_ =	shalt  }
0x5b: {  	_ =	shalt  }
0x5c: {  	_ =	shalt  }
0x5d: {  	_ =	shalt  }
0x5e: {  	_ =	shalt  }
0x5f: {  	_ =	shalt  }
0x60: {  	_ =	shalt  }
0x61: {  	_ =	shalt  }
0x62: {  	_ =	shalt  }
0x63: {  	_ =	shalt  }
0x64: {  	_ =	shalt  }
0x65: {  	_ =	shalt  }
0x66: {  	_ =	shalt  }
0x67: {  	_ =	shalt  }
0x68: {  	_ =	shalt  }
0x69: {  	_ =	shalt  }
0x6a: {  	_ =	shalt  }
0x6b: {  	_ =	shalt  }
0x6c: {  	_ =	shalt  }
0x6d: {  	_ =	shalt  }
0x6e: {  	_ =	shalt  }
0x6f: {  	_ =	shalt  }
0x70: {  	_ =	shalt  }
0x71: {  	_ =	shalt  }
0x72: {  	_ =	shalt  }
0x73: {  	_ =	shalt  }
0x74: {  	_ =	shalt  }
0x75: {  	_ =	shalt  }
0x76: {  	_ =	shalt  }
0x77: {  	_ =	shalt  }
0x78: {  	_ =	shalt  }
0x79: {  	_ =	shalt  }
0x7a: {  	_ =	shalt  }
0x7b: {  	_ =	shalt  }
0x7c: {  	_ =	shalt  }
0x7d: {  	_ =	shalt  }
0x7e: {  	_ =	shalt  }
0x7f: {  	_ =	shalt  }
0x80: {  	_ =	shalt  }
0x81: {  	_ =	shalt  }
0x82: {  	_ =	shalt  }
0x83: {  	_ =	shalt  }
0x84: {  	_ =	shalt  }
0x85: {  	_ =	shalt  }
0x86: {  	_ =	shalt  }
0x87: {  	_ =	shalt  }
.Lfunc_end0:
.L_simem_size_0:
called_computation_lowered:
.L_overlay_start_0:
0x88: {  	s2 =	sld [smem:$0x3FD9]  }
0x89: {  	s3 =	sld [smem:$0x3FFE];
	_ =	sdelay $0x1  }
0x8a: {  	s1 =	srdreg.scid  }
0x8b: {  	s0 =	sand.u32 $0x1, s1  }
0x8c: {  	s17 =	sshll.u32 s0, $0xA;
	s2 =	sadd.s32 s3, s2  }
0x8d: {  	s2 =	sadd.s32 s2, s17  }
0x8e: {  	[smem:$0x3FBE] =	sst s2  }
0x8f: {  	_ = 	snop  }
0x90: {  	s2 =	sld [smem:$0x3FD0];
	(tm) =	ssettm $0x1  }
0x91: {  	s18 =	sld [smem:$0x3FFB];
	_ =	sdelay $0x3  }
0x92: {  	_ =	strace s18  }
0x93: {  	s3 =	sld [smem:$0x3FFC];
	_ =	sdelay $0x3  }
0x94: {  	_ =	strace s3  }
0x95: {  	s3 =	sld [smem:$0x3FFD];
	_ =	sdelay $0x3  }
0x96: {  	_ =	strace s3  }
0x97: {  	_ =	strace $0x8FFFFFFF  }
0x98: {  	s19 =	sld [smem:$0x3FDB];
	_ =	sdelay $0x1  }
0x99: {  	s4 =	simm.s32 $_scs_section_size  }
0x9a: {  	s5 =	simm.s32 $_size__tile_overlayer_lowered;
	s6 =	simm.s32 $_tile_overlayer_lowered  }
0x9b: {  	s22 =	simm.s32 $0x1BFF;
	s21 =	sshll.u32 s6, $0x1;
	s3 =	sadd.s32 s4, s19  }
0x9c: {  	s7 =	simm.s32 $0x0;
	s20 =	sshll.u32 s5, $0x1;
	s5 =	sadd.s32 s21, s3  }
0x9d: {  	[timem:s7], [sflag:s22] =	dma.local [hbm:s5], s20  }
0x9e: {  	_ =	swait.ge [sflag:s22], s20  }
0x9f: {  	s4 =	ssub.s32 $0x0, s20;
	[sflag:s22] =	ssyncset.done $0x0  }
0xa0: {  	[sflag:s22] =	ssyncadd.s32 s4;
	_ =	sdelay $0x1  }
0xa1: {  	s23 =	simm.s32 $0x1B8B  }
0xa2: {  	_ =	swait.ge [sflag:s23], $0x1  }
0xa3: {  	[sflag:s23] =	ssyncset.done $0x0  }
0xa4: {  	s25 =	simm.s32 $0x1B8E;
	s24 =	sld [smem:$0x3FFE];
	[sflag:s23] =	ssyncadd.s32 $0xFFFFFFFF  }
0xa5: {  	s26 =	simm.s32 $execute0_lowered;
	[smem:$0x3FD2] =	sst s25  }
0xa6: {  	s5 =	sshll.u32 s26, $0x1;
	_ =	strace $0x80000046;
	[dreg:$0x1] =	wrdreg $0xFFFFFFFF  }
0xa7: {  	s28 =	simm.s32 $_size_execute0_lowered;
	s3 =	sadd.s32 s3, s5;
	[dreg:$0x0] =	wrdreg $0x0  }
0xa8: {  	s5 =	sshll.u32 s28, $0x1;
	[dreg:$0x2] =	wrdreg s3  }
0xa9: {  	[dreg:$0x3] =	wrdreg s5  }
0xaa: {  	[dreg:$0x4] =	wrdreg $0xC0  }
0xab: {  	_ =	task [dreg:s7], $0x5FFFF  }
0xac: {  	[dreg:$0x1] =	wrdreg $0xFFFFFFFF  }
0xad: {  	[dreg:$0x0] =	wrdreg $0x60  }
0xae: {  	[dreg:$0x2] =	wrdreg s24  }
0xaf: {  	[dreg:$0x3] =	wrdreg s2  }
0xb0: {  	[dreg:$0x4] =	wrdreg $0x9  }
0xb1: {  	_ =	task.clear_ibuf [dreg:s7], $0x5FFFF;
	_ =	strace $0x90000046  }
0xb2: {  	s29 =	simm.s32 $0x9;
	_ =	strace $0x80000048  }
0xb3: {  	_ =	swait.ge [sflag:s29], $0x1  }
0xb4: {  	[sflag:s29] =	ssyncadd.s32 $0xFFFFFFFF  }
0xb5: {  	_ =	strace $0x90000048  }
0xb6: {  	_ =	sfence  }
0xb7: {  	s30 =	sld [smem:$0x0];
	_ =	sdelay $0x2  }
0xb8: {  	s31 =	sshll.u32 s1, $0xD;
	s1 =	sshrl.u32 s1, $0x2  }
0xb9: {  	s3 =	sand.u32 $0x4000, s31;
	s1 =	sadd.s32 s1, s30  }
0xba: {  	s0 =	sor.u32 s3, s0;
	s1 =	sshll.u32 s1, $0x11  }
0xbb: {  	s0 =	sor.u32 s1, s0  }
0xbc: {  	s0 =	sadd.s32 $0x8F2B, s0  }
0xbd: {  	[sflag:s0] =	ssyncadd.remote.s32 $0x1  }
0xbe: {  	_ =	sfence.sel $0xFFFF  }
0xbf: {  	[dreg:$0x0] =	wrdreg $0xFFFFFFFF;
	(pc) =	sbr.abs _section_cstart, $3  }
0xc0: {  	[dreg:$0x1] =	wrdreg $0xFFFFFFFF  }
0xc1: {  	_ =	task.clear_ibuf [dreg:s7], $0x2FFFF;
	_ =	strace $0x9FFFFFFF  }
0xc2: {  	(tm) =	ssettm $0x7FFFFFFF  }
0xc3: {  	_ =	shalt  }
tec
execute0_lowered:
.L_overlay_start_1:
0x0: {  	(tag) =	ssettag $0x1  }
0x1: {  	s5 =	rddreg [dreg:$0x0];
	s1 =	srdreg.scid  }
0x2: {  	s0 =	stileid.u32;
	s2 =	rddreg [dreg:$0x1]  }
0x3: {  	s3 =	simm.s32 $0x0;
	s11 =	simm.s32 $0x3300;
	s12 =	simm.s32 $0x1  }
0x4: {  	s13 =	simm.s32 $0x2;
	s14 =	simm.s32 $0x4C00;
	s15 =	simm.s32 $0x0  }
0x5: {  	s4 =	sand.u32 $0x1, s1;
	s6 =	sshll.u32 s0, $0x1;
	[smem:$0x7FF] =	sst s3  }
0x6: {  	s1 =	rddreg [dreg:$0x2];
	s8 =	sor.u32 s4, s6;
	_ =	strace $0x80000047  }
0x7: {  	s7 =	ssub.s32 $0x2, s4;
	s4 =	sadd.s32 $0x192800, s5;
	s6 =	smul.u32 $0x340, s8  }
0x8: {  	s9 =	sshll.u32 s8, $0xA;
	s10 =	sshrl.u32 s7, $0x1;
	p0 =	sne.s32 s8, $0x0  }
0x9: {  	s8 =	simm.s32 $0x3;
	s9 =	sadd.s32 s9, s5;
	s7 =	ssub.s32 s7, s10  }
0xa: {  	s10 =	simm.s32 $0x1A00;
	s6 =	sadd.s32 s6, s5;
	s7 =	smax.u32 s7, $0x1  }
0xb: {  	s5 =	sadd.s32 $0x5600, s6;
	s6 =	sadd.s32 $0xBE00, s9;
	s9 =	simm.s32 $0x64  }
.LBB2_1:
0xc: {  	v0 =	vimm.s32 @!p0 $0x0  }
0xd: {  	s16 =	simm.s32 @!p0 $0x8;
	s17 =	simm.s32 @!p0 $0x6C00;
	s18 =	simm.s32 @!p0 $0x6C10;
	[tilespmem:$0x6C00] =	vst @!p0 v0  }
0xe: {  	[tilespmem:s18], [sflag:$0x1] =	stream.indirect.gather @!p0 [hbm4b:s4+s16], $0x40, s17, s16, $0xb8;
	[tilespmem:$0x6E10] =	vst v63  }
0xf: {  	s16 =	simm.s32 @!p0 $0x1  }
0x10: {  	_ =	swait.ge @!p0 [sflag:s16], $0x200  }
0x11: {  	[sflag:s16] =	ssyncset.done @!p0 $0x0  }
0x12: {  	[sflag:s16] =	ssyncadd.s32 @!p0 $0xFFFFFE00;
	s16 =	simm.s32 @!p0 $0x0  }
0x13: {  	[hbm4b:s2+s16] =	stream.linear.scatter @!p0 [tilespmem:s18], [sflag:$0x3], $0x200, $0x38;
	[tilespmem:$0x6E10] =	vst v63  }
0x14: {  	s16 =	simm.s32 @!p0 $0x3  }
0x15: {  	_ =	swait.ge @!p0 [sflag:s16], $0x200  }
0x16: {  	[sflag:s16] =	ssyncset.done @!p0 $0x0  }
0x17: {  	[sflag:s16] =	ssyncadd.s32 @!p0 $0xFFFFFE00  }
0x18: {  	[tilespmem:s3], [sflag:$0x3] =	stream.linear.gather [hbm4b:s5+s3], $0x1A00, $0x38;
	[tilespmem:$0x6E10] =	vst v63  }
0x19: {  	_ =	swait.ge [sflag:s8], $0x1A00  }
0x1a: {  	[sflag:s8] =	ssyncset.done $0x0  }
0x1b: {  	s16 =	simm.s32 $0x0;
	[sflag:s8] =	ssyncadd.s32 $0xFFFFE600  }
0x1c: {  	[tilespmem:s10], [sflag:$0x1] =	stream.indirect.gather [hbm4b:s4+s9], $0x40, s3, s9, $0xb8;
	[tilespmem:$0x6E10] =	vst v63  }
.LBB2_2:
0x1d: {  	s17 =	sshllo.u32 s16, $0x1  }
0x1e: {  	s18 =	smul.u32 $0x1A0, s17;
	_ =	sdelay $0x1  }
0x1f: {  	s18 =	sshra.s32 s18, $0x2  }
0x20: {  	[tilespmem:s11], [sflag:$0x2] =	stream.indirect.gather [hbm4b:s4+s9], $0x40, s18, s9, $0xb8;
	[tilespmem:$0x6E10] =	vst v63  }
0x21: {  	_ =	swait.ge [sflag:s12], $0x1900  }
0x22: {  	[sflag:s12] =	ssyncset.done $0x0  }
0x23: {  	s18 =	simm.s32 $0x0;
	[sflag:s12] =	ssyncadd.s32 $0xFFFFE700  }
0x24: {  	v0 =	vld [tilespmem:s18+$0x1B00]  }
0x25: {  	v1 =	vld [tilespmem:s18+$0x1B10]  }
0x26: {  	v2 =	vld [tilespmem:s18+$0x1AC0]  }
0x27: {  	v3 =	vld [tilespmem:s18+$0x1AD0]  }
0x28: {  	v4 =	vld [tilespmem:s18+$0x1A80]  }
0x29: {  	v5 =	vld [tilespmem:s18+$0x1A90]  }
0x2a: {  	v6 =	vld [tilespmem:s18+$0x1A40]  }
0x2b: {  	v7 =	vld [tilespmem:s18+$0x1A50]  }
0x2c: {  	v13 =	vld [tilespmem:s18+$0x1A00]  }
0x2d: {  	v8 =	vimm.f32 $0.0e+00;
	v14 =	vld [tilespmem:s18+$0x1A10]  }
0x2e: {  	s19 =	simm.s32 $0x500;
	v11 =	vimm.f32 $0.0e+00;
	v10 =	vimm.f32 $0.0e+00;
	v9 =	vimm.f32 $0.0e+00;
	v12 =	vld [tilespmem:s18+$0x1A20]  }
.LBB2_3:
0x2f: {  	p1 =	sne.s32 s19, $0x2D00;
	v15 =	vld [tilespmem:s18+$0x1A30]  }
0x30: {  	v16 =	vld [tilespmem:s18+$0x1A60]  }
0x31: {  	v17 =	vld [tilespmem:s18+$0x1A70]  }
0x32: {  	v18 =	vld [tilespmem:s18+$0x1AA0]  }
0x33: {  	v8 =	vadd.f32 v13, v8;
	v11 =	vadd.f32 v14, v11;
	v13 =	vld [tilespmem:s18+$0x1AB0]  }
0x34: {  	v10 =	vadd.f32 v12, v10;
	v9 =	vadd.f32 v15, v9;
	v12 =	vld [tilespmem:s18+$0x1AE0]  }
0x35: {  	v6 =	vadd.f32 v6, v8;
	v7 =	vadd.f32 v7, v11;
	v8 =	vld [tilespmem:s18+$0x1AF0]  }
0x36: {  	v10 =	vadd.f32 v16, v10;
	v9 =	vadd.f32 v17, v9;
	v14 =	vld [tilespmem:s18+$0x1B20]  }
0x37: {  	v4 =	vadd.f32 v4, v6;
	v5 =	vadd.f32 v5, v7;
	v6 =	vld [tilespmem:s18+$0x1B30];
	s18 =	sshra.s32 s19, $0x2  }
0x38: {  	v10 =	vadd.f32 v18, v10;
	v7 =	vld [tilespmem:s18+$0x1B00];
	v9 =	vadd.f32 v13, v9  }
0x39: {  	v4 =	vadd.f32 v2, v4;
	v5 =	vadd.f32 v3, v5;
	v13 =	vld [tilespmem:s18+$0x1B10]  }
0x3a: {  	v10 =	vadd.f32 v12, v10;
	v2 =	vld [tilespmem:s18+$0x1AC0];
	v9 =	vadd.f32 v8, v9  }
0x3b: {  	v8 =	vadd.f32 v0, v4;
	v11 =	vadd.f32 v1, v5;
	v3 =	vld [tilespmem:s18+$0x1AD0]  }
0x3c: {  	v10 =	vadd.f32 v14, v10;
	v4 =	vld [tilespmem:s18+$0x1A80];
	v9 =	vadd.f32 v6, v9  }
0x3d: {  	v5 =	vld [tilespmem:s18+$0x1A90];
	v0 =	vmov v7  }
.Ltmp0:
0x3e: {  	v6 =	vld [tilespmem:s18+$0x1A40];
	v1 =	vmov v13;
	(pc) =	sbr.rel @p1 .LBB2_3-.Ltmp0, $4  }
0x3f: {  	v7 =	vld [tilespmem:s18+$0x1A50]  }
0x40: {  	v13 =	vld [tilespmem:s18+$0x1A00]  }
0x41: {  	v14 =	vld [tilespmem:s18+$0x1A10]  }
0x42: {  	s19 =	sadd.s32 $0x500, s19;
	v12 =	vld [tilespmem:s18+$0x1A20]  }
0x43: {  	v15 =	vld [tilespmem:s18+$0x1A30]  }
0x44: {  	v16 =	vld [tilespmem:s18+$0x1A60]  }
0x45: {  	v17 =	vld [tilespmem:s18+$0x1A70];
	v8 =	vadd.f32 v13, v8  }
0x46: {  	v13 =	vld [tilespmem:s18+$0x1AA0];
	v11 =	vadd.f32 v14, v11  }
0x47: {  	v14 =	vld [tilespmem:s18+$0x1AB0];
	v10 =	vadd.f32 v12, v10;
	v6 =	vadd.f32 v6, v8  }
0x48: {  	v8 =	vadd.f32 v15, v9;
	v9 =	vld [tilespmem:s18+$0x1AE0];
	v7 =	vadd.f32 v7, v11  }
0x49: {  	v11 =	vld [tilespmem:s18+$0x1AF0];
	v10 =	vadd.f32 v16, v10;
	v4 =	vadd.f32 v4, v6  }
0x4a: {  	v6 =	vadd.f32 v17, v8;
	v8 =	vld [tilespmem:s18+$0x1B20];
	v5 =	vadd.f32 v5, v7  }
0x4b: {  	v7 =	vld [tilespmem:s18+$0x1B30];
	v10 =	vadd.f32 v13, v10;
	v2 =	vadd.f32 v2, v4  }
0x4c: {  	v4 =	vadd.f32 v14, v6;
	v3 =	vadd.f32 v3, v5  }
0x4d: {  	s31 =	sshll.u32 s16, $0x8;
	v5 =	vadd.f32 v9, v10;
	v0 =	vadd.f32 v0, v2  }
0x4e: {  	s18 =	sand.u32 $0x3FFFFF00, s31;
	v2 =	vadd.f32 v11, v4;
	v1 =	vadd.f32 v1, v3  }
0x4f: {  	v3 =	vadd.f32 v8, v5;
	[tilespmem:s18+$0x4C00] =	vst v0  }
0x50: {  	v0 =	vadd.f32 v7, v2;
	[tilespmem:s18+$0x4C10] =	vst v1  }
0x51: {  	[tilespmem:s18+$0x4C20] =	vst v3  }
0x52: {  	s19 =	simm.s32 $0x0;
	[tilespmem:s18+$0x4C30] =	vst v0  }
0x53: {  	v0 =	vld [tilespmem:s19+$0x2780]  }
0x54: {  	v1 =	vld [tilespmem:s19+$0x2790]  }
0x55: {  	v2 =	vld [tilespmem:s19+$0x2740]  }
0x56: {  	v3 =	vld [tilespmem:s19+$0x2750]  }
0x57: {  	v4 =	vld [tilespmem:s19+$0x2700]  }
0x58: {  	v5 =	vld [tilespmem:s19+$0x2710]  }
0x59: {  	v6 =	vld [tilespmem:s19+$0x26C0]  }
0x5a: {  	v7 =	vld [tilespmem:s19+$0x26D0]  }
0x5b: {  	v13 =	vld [tilespmem:s19+$0x2680]  }
0x5c: {  	v10 =	vimm.f32 $0.0e+00;
	v14 =	vld [tilespmem:s19+$0x2690]  }
0x5d: {  	s20 =	simm.s32 $0x500;
	v9 =	vimm.f32 $0.0e+00;
	v11 =	vimm.f32 $0.0e+00;
	v8 =	vimm.f32 $0.0e+00;
	v12 =	vld [tilespmem:s19+$0x26A0]  }
.LBB2_5:
0x5e: {  	p1 =	sne.s32 s20, $0x2D00;
	v15 =	vld [tilespmem:s19+$0x26B0]  }
0x5f: {  	v16 =	vld [tilespmem:s19+$0x26E0]  }
0x60: {  	v17 =	vld [tilespmem:s19+$0x26F0]  }
0x61: {  	v18 =	vld [tilespmem:s19+$0x2720]  }
0x62: {  	v8 =	vadd.f32 v13, v8;
	v11 =	vadd.f32 v14, v11;
	v13 =	vld [tilespmem:s19+$0x2730]  }
0x63: {  	v10 =	vadd.f32 v12, v10;
	v9 =	vadd.f32 v15, v9;
	v12 =	vld [tilespmem:s19+$0x2760]  }
0x64: {  	v6 =	vadd.f32 v6, v8;
	v7 =	vadd.f32 v7, v11;
	v8 =	vld [tilespmem:s19+$0x2770]  }
0x65: {  	v10 =	vadd.f32 v16, v10;
	v9 =	vadd.f32 v17, v9;
	v14 =	vld [tilespmem:s19+$0x27A0]  }
0x66: {  	v4 =	vadd.f32 v4, v6;
	v5 =	vadd.f32 v5, v7;
	v6 =	vld [tilespmem:s19+$0x27B0];
	s19 =	sshra.s32 s20, $0x2  }
0x67: {  	v10 =	vadd.f32 v18, v10;
	v7 =	vld [tilespmem:s19+$0x2780];
	v9 =	vadd.f32 v13, v9  }
0x68: {  	v4 =	vadd.f32 v2, v4;
	v5 =	vadd.f32 v3, v5;
	v13 =	vld [tilespmem:s19+$0x2790]  }
0x69: {  	v10 =	vadd.f32 v12, v10;
	v2 =	vld [tilespmem:s19+$0x2740];
	v9 =	vadd.f32 v8, v9  }
0x6a: {  	v8 =	vadd.f32 v0, v4;
	v11 =	vadd.f32 v1, v5;
	v3 =	vld [tilespmem:s19+$0x2750]  }
0x6b: {  	v10 =	vadd.f32 v14, v10;
	v4 =	vld [tilespmem:s19+$0x2700];
	v9 =	vadd.f32 v6, v9  }
0x6c: {  	v5 =	vld [tilespmem:s19+$0x2710];
	v0 =	vmov v7  }
.Ltmp1:
0x6d: {  	v6 =	vld [tilespmem:s19+$0x26C0];
	v1 =	vmov v13;
	(pc) =	sbr.rel @p1 .LBB2_5-.Ltmp1, $4  }
0x6e: {  	v7 =	vld [tilespmem:s19+$0x26D0]  }
0x6f: {  	v13 =	vld [tilespmem:s19+$0x2680]  }
0x70: {  	v14 =	vld [tilespmem:s19+$0x2690]  }
0x71: {  	s20 =	sadd.s32 $0x500, s20;
	v12 =	vld [tilespmem:s19+$0x26A0]  }
0x72: {  	v15 =	vld [tilespmem:s19+$0x26B0]  }
0x73: {  	v16 =	vld [tilespmem:s19+$0x26E0]  }
0x74: {  	v17 =	vld [tilespmem:s19+$0x26F0];
	v8 =	vadd.f32 v13, v8  }
0x75: {  	v13 =	vld [tilespmem:s19+$0x2720];
	v11 =	vadd.f32 v14, v11  }
0x76: {  	v14 =	vld [tilespmem:s19+$0x2730];
	v10 =	vadd.f32 v12, v10;
	v6 =	vadd.f32 v6, v8  }
0x77: {  	v8 =	vadd.f32 v15, v9;
	v9 =	vld [tilespmem:s19+$0x2760];
	v7 =	vadd.f32 v7, v11  }
0x78: {  	v11 =	vld [tilespmem:s19+$0x2770];
	v10 =	vadd.f32 v16, v10;
	v4 =	vadd.f32 v4, v6  }
0x79: {  	v6 =	vadd.f32 v17, v8;
	v8 =	vld [tilespmem:s19+$0x27A0];
	v5 =	vadd.f32 v5, v7  }
0x7a: {  	v7 =	vld [tilespmem:s19+$0x27B0];
	v10 =	vadd.f32 v13, v10;
	v2 =	vadd.f32 v2, v4  }
0x7b: {  	v4 =	vadd.f32 v14, v6;
	v3 =	vadd.f32 v3, v5  }
0x7c: {  	v5 =	vadd.f32 v9, v10;
	v0 =	vadd.f32 v0, v2  }
0x7d: {  	p1 =	seq.s32 s16, $0x1F;
	v2 =	vadd.f32 v11, v4;
	v1 =	vadd.f32 v1, v3  }
0x7e: {  	s19 =	smul.u32 @!p1 $0x340, s16;
	v3 =	vadd.f32 v8, v5;
	[tilespmem:s18+$0x4C40] =	vst v0  }
0x7f: {  	v0 =	vadd.f32 v7, v2;
	[tilespmem:s18+$0x4C50] =	vst v1  }
0x80: {  	s19 =	sshra.s32 @!p1 s19, $0x2;
	[tilespmem:s18+$0x4C60] =	vst v3  }
0x81: {  	s20 =	simm.s32 @!p1 $0x1A00;
	[tilespmem:s18+$0x4C70] =	vst v0;
	s18 =	sadd.s32 @!p1 $0xD0, s19;
	s19 =	simm.s32 @!p1 $0x64  }
0x82: {  	[tilespmem:s20], [sflag:$0x1] =	stream.indirect.gather @!p1 [hbm4b:s4+s19], $0x40, s18, s19, $0xb8;
	[tilespmem:$0x6E10] =	vst v63  }
0x83: {  	_ =	swait.ge [sflag:s13], $0x1900  }
0x84: {  	[sflag:s13] =	ssyncset.done $0x0  }
0x85: {  	s18 =	simm.s32 $0x0;
	[sflag:s13] =	ssyncadd.s32 $0xFFFFE700  }
0x86: {  	v0 =	vld [tilespmem:s18+$0x3400]  }
0x87: {  	v1 =	vld [tilespmem:s18+$0x3410]  }
0x88: {  	v2 =	vld [tilespmem:s18+$0x33C0]  }
0x89: {  	v3 =	vld [tilespmem:s18+$0x33D0]  }
0x8a: {  	v4 =	vld [tilespmem:s18+$0x3380]  }
0x8b: {  	v5 =	vld [tilespmem:s18+$0x3390]  }
0x8c: {  	v6 =	vld [tilespmem:s18+$0x3340]  }
0x8d: {  	v7 =	vld [tilespmem:s18+$0x3350]  }
0x8e: {  	v13 =	vld [tilespmem:s18+$0x3300]  }
0x8f: {  	v10 =	vimm.f32 $0.0e+00;
	v14 =	vld [tilespmem:s18+$0x3310]  }
0x90: {  	v9 =	vimm.f32 $0.0e+00;
	v11 =	vimm.f32 $0.0e+00;
	v8 =	vimm.f32 $0.0e+00;
	s19 =	simm.s32 $0x500;
	v12 =	vld [tilespmem:s18+$0x3320]  }
.LBB2_7:
0x91: {  	p1 =	sne.s32 s19, $0x2D00;
	v15 =	vld [tilespmem:s18+$0x3330]  }
0x92: {  	v16 =	vld [tilespmem:s18+$0x3360]  }
0x93: {  	v17 =	vld [tilespmem:s18+$0x3370]  }
0x94: {  	v18 =	vld [tilespmem:s18+$0x33A0]  }
0x95: {  	v8 =	vadd.f32 v13, v8;
	v11 =	vadd.f32 v14, v11;
	v13 =	vld [tilespmem:s18+$0x33B0]  }
0x96: {  	v10 =	vadd.f32 v12, v10;
	v9 =	vadd.f32 v15, v9;
	v12 =	vld [tilespmem:s18+$0x33E0]  }
0x97: {  	v6 =	vadd.f32 v6, v8;
	v7 =	vadd.f32 v7, v11;
	v8 =	vld [tilespmem:s18+$0x33F0]  }
0x98: {  	v10 =	vadd.f32 v16, v10;
	v9 =	vadd.f32 v17, v9;
	v14 =	vld [tilespmem:s18+$0x3420]  }
0x99: {  	v4 =	vadd.f32 v4, v6;
	v5 =	vadd.f32 v5, v7;
	v6 =	vld [tilespmem:s18+$0x3430];
	s18 =	sshra.s32 s19, $0x2  }
0x9a: {  	v10 =	vadd.f32 v18, v10;
	v7 =	vld [tilespmem:s18+$0x3400];
	v9 =	vadd.f32 v13, v9  }
0x9b: {  	v4 =	vadd.f32 v2, v4;
	v5 =	vadd.f32 v3, v5;
	v13 =	vld [tilespmem:s18+$0x3410]  }
0x9c: {  	v10 =	vadd.f32 v12, v10;
	v2 =	vld [tilespmem:s18+$0x33C0];
	v9 =	vadd.f32 v8, v9  }
0x9d: {  	v8 =	vadd.f32 v0, v4;
	v11 =	vadd.f32 v1, v5;
	v3 =	vld [tilespmem:s18+$0x33D0]  }
0x9e: {  	v10 =	vadd.f32 v14, v10;
	v4 =	vld [tilespmem:s18+$0x3380];
	v9 =	vadd.f32 v6, v9  }
0x9f: {  	v5 =	vld [tilespmem:s18+$0x3390];
	v0 =	vmov v7  }
.Ltmp2:
0xa0: {  	v6 =	vld [tilespmem:s18+$0x3340];
	v1 =	vmov v13;
	(pc) =	sbr.rel @p1 .LBB2_7-.Ltmp2, $4  }
0xa1: {  	v7 =	vld [tilespmem:s18+$0x3350]  }
0xa2: {  	v13 =	vld [tilespmem:s18+$0x3300]  }
0xa3: {  	v14 =	vld [tilespmem:s18+$0x3310]  }
0xa4: {  	s19 =	sadd.s32 $0x500, s19;
	v12 =	vld [tilespmem:s18+$0x3320]  }
0xa5: {  	v15 =	vld [tilespmem:s18+$0x3330]  }
0xa6: {  	v16 =	vld [tilespmem:s18+$0x3360]  }
0xa7: {  	v17 =	vld [tilespmem:s18+$0x3370];
	v8 =	vadd.f32 v13, v8  }
0xa8: {  	v13 =	vld [tilespmem:s18+$0x33A0];
	v11 =	vadd.f32 v14, v11  }
0xa9: {  	v14 =	vld [tilespmem:s18+$0x33B0];
	v10 =	vadd.f32 v12, v10;
	v6 =	vadd.f32 v6, v8  }
0xaa: {  	v8 =	vadd.f32 v15, v9;
	v9 =	vld [tilespmem:s18+$0x33E0];
	v7 =	vadd.f32 v7, v11  }
0xab: {  	v11 =	vld [tilespmem:s18+$0x33F0];
	v10 =	vadd.f32 v16, v10;
	v4 =	vadd.f32 v4, v6  }
0xac: {  	v6 =	vadd.f32 v17, v8;
	v8 =	vld [tilespmem:s18+$0x3420];
	v5 =	vadd.f32 v5, v7  }
0xad: {  	v7 =	vld [tilespmem:s18+$0x3430];
	v10 =	vadd.f32 v13, v10;
	v2 =	vadd.f32 v2, v4  }
0xae: {  	v4 =	vadd.f32 v14, v6;
	v3 =	vadd.f32 v3, v5  }
0xaf: {  	s17 =	sshll.u32 s17, $0x7;
	v5 =	vadd.f32 v9, v10;
	v0 =	vadd.f32 v0, v2  }
0xb0: {  	s17 =	sand.u32 $0x3FFFFF80, s17;
	v2 =	vadd.f32 v11, v4;
	v1 =	vadd.f32 v1, v3  }
0xb1: {  	v3 =	vadd.f32 v8, v5;
	[tilespmem:s17+$0x4C00] =	vst v0  }
0xb2: {  	v0 =	vadd.f32 v7, v2;
	[tilespmem:s17+$0x4C10] =	vst v1  }
0xb3: {  	[tilespmem:s17+$0x4C20] =	vst v3  }
0xb4: {  	s18 =	simm.s32 $0x0;
	[tilespmem:s17+$0x4C30] =	vst v0  }
0xb5: {  	v0 =	vld [tilespmem:s18+$0x4080]  }
0xb6: {  	v1 =	vld [tilespmem:s18+$0x4090]  }
0xb7: {  	v2 =	vld [tilespmem:s18+$0x4040]  }
0xb8: {  	v3 =	vld [tilespmem:s18+$0x4050]  }
0xb9: {  	v4 =	vld [tilespmem:s18+$0x4000]  }
0xba: {  	v5 =	vld [tilespmem:s18+$0x4010]  }
0xbb: {  	v6 =	vld [tilespmem:s18+$0x3FC0]  }
0xbc: {  	v7 =	vld [tilespmem:s18+$0x3FD0]  }
0xbd: {  	v13 =	vld [tilespmem:s18+$0x3F80]  }
0xbe: {  	v10 =	vimm.f32 $0.0e+00;
	v14 =	vld [tilespmem:s18+$0x3F90]  }
0xbf: {  	s19 =	simm.s32 $0x500;
	v9 =	vimm.f32 $0.0e+00;
	v11 =	vimm.f32 $0.0e+00;
	v8 =	vimm.f32 $0.0e+00;
	v12 =	vld [tilespmem:s18+$0x3FA0]  }
.LBB2_9:
0xc0: {  	p1 =	sne.s32 s19, $0x2D00;
	v15 =	vld [tilespmem:s18+$0x3FB0]  }
0xc1: {  	v16 =	vld [tilespmem:s18+$0x3FE0]  }
0xc2: {  	v17 =	vld [tilespmem:s18+$0x3FF0]  }
0xc3: {  	v18 =	vld [tilespmem:s18+$0x4020]  }
0xc4: {  	v8 =	vadd.f32 v13, v8;
	v11 =	vadd.f32 v14, v11;
	v13 =	vld [tilespmem:s18+$0x4030]  }
0xc5: {  	v10 =	vadd.f32 v12, v10;
	v9 =	vadd.f32 v15, v9;
	v12 =	vld [tilespmem:s18+$0x4060]  }
0xc6: {  	v6 =	vadd.f32 v6, v8;
	v7 =	vadd.f32 v7, v11;
	v8 =	vld [tilespmem:s18+$0x4070]  }
0xc7: {  	v10 =	vadd.f32 v16, v10;
	v9 =	vadd.f32 v17, v9;
	v14 =	vld [tilespmem:s18+$0x40A0]  }
0xc8: {  	v4 =	vadd.f32 v4, v6;
	v5 =	vadd.f32 v5, v7;
	v6 =	vld [tilespmem:s18+$0x40B0];
	s18 =	sshra.s32 s19, $0x2  }
0xc9: {  	v10 =	vadd.f32 v18, v10;
	v7 =	vld [tilespmem:s18+$0x4080];
	v9 =	vadd.f32 v13, v9  }
0xca: {  	v4 =	vadd.f32 v2, v4;
	v5 =	vadd.f32 v3, v5;
	v13 =	vld [tilespmem:s18+$0x4090]  }
0xcb: {  	v10 =	vadd.f32 v12, v10;
	v2 =	vld [tilespmem:s18+$0x4040];
	v9 =	vadd.f32 v8, v9  }
0xcc: {  	v8 =	vadd.f32 v0, v4;
	v11 =	vadd.f32 v1, v5;
	v3 =	vld [tilespmem:s18+$0x4050]  }
0xcd: {  	v10 =	vadd.f32 v14, v10;
	v4 =	vld [tilespmem:s18+$0x4000];
	v9 =	vadd.f32 v6, v9  }
0xce: {  	v5 =	vld [tilespmem:s18+$0x4010];
	v0 =	vmov v7  }
.Ltmp3:
0xcf: {  	v6 =	vld [tilespmem:s18+$0x3FC0];
	v1 =	vmov v13;
	(pc) =	sbr.rel @p1 .LBB2_9-.Ltmp3, $4  }
0xd0: {  	v7 =	vld [tilespmem:s18+$0x3FD0]  }
0xd1: {  	v13 =	vld [tilespmem:s18+$0x3F80]  }
0xd2: {  	v14 =	vld [tilespmem:s18+$0x3F90]  }
0xd3: {  	s19 =	sadd.s32 $0x500, s19;
	v12 =	vld [tilespmem:s18+$0x3FA0]  }
0xd4: {  	v15 =	vld [tilespmem:s18+$0x3FB0]  }
0xd5: {  	v16 =	vld [tilespmem:s18+$0x3FE0]  }
0xd6: {  	v17 =	vld [tilespmem:s18+$0x3FF0];
	v8 =	vadd.f32 v13, v8  }
0xd7: {  	v51 =	vld [tilespmem:s18+$0x4020];
	v11 =	vadd.f32 v14, v11  }
0xd8: {  	v52 =	vld [tilespmem:s18+$0x4030];
	v10 =	vadd.f32 v12, v10;
	v6 =	vadd.f32 v6, v8  }
0xd9: {  	v54 =	vld [tilespmem:s18+$0x4060];
	v53 =	vadd.f32 v15, v9;
	v7 =	vadd.f32 v7, v11  }
0xda: {  	v55 =	vld [tilespmem:s18+$0x4070];
	v10 =	vadd.f32 v16, v10;
	v4 =	vadd.f32 v4, v6  }
0xdb: {  	v57 =	vld [tilespmem:s18+$0x40A0];
	v56 =	vadd.f32 v17, v53;
	v5 =	vadd.f32 v5, v7  }
0xdc: {  	v58 =	vld [tilespmem:s18+$0x40B0];
	v10 =	vadd.f32 v51, v10;
	v2 =	vadd.f32 v2, v4  }
0xdd: {  	s16 =	sadd.s32 $0x1, s16;
	v59 =	vadd.f32 v52, v56;
	v3 =	vadd.f32 v3, v5  }
0xde: {  	p1 =	sne.s32 s16, $0x20;
	v60 =	vadd.f32 v54, v10;
	v0 =	vadd.f32 v0, v2  }
.Ltmp4:
0xdf: {  	v61 =	vadd.f32 v55, v59;
	v1 =	vadd.f32 v1, v3;
	(pc) =	sbr.rel @p1 .LBB2_2-.Ltmp4, $4  }
0xe0: {  	v62 =	vadd.f32 v57, v60;
	[tilespmem:s17+$0x4C40] =	vst v0  }
0xe1: {  	v63 =	vadd.f32 v58, v61;
	[tilespmem:s17+$0x4C50] =	vst v1  }
0xe2: {  	[tilespmem:s17+$0x4C60] =	vst v62  }
0xe3: {  	[tilespmem:s17+$0x4C70] =	vst v63  }
0xe4: {  	s15 =	sadd.s32 $0x1, s15  }
0xe5: {  	p1 =	sne.s32 s15, s7  }
.Ltmp5:
0xe6: {  	_ = 	snop;
	(pc) =	sbr.rel @p1 .LBB2_1-.Ltmp5, $4  }
0xe7: {  	[hbm4b:s6+s3] =	stream.linear.scatter [tilespmem:s14], [sflag:$0x3], $0x2000, $0x38;
	[tilespmem:$0x6E10] =	vst v63  }
0xe8: {  	_ =	swait.ge [sflag:s8], $0x2000  }
0xe9: {  	[sflag:s8] =	ssyncset.done $0x0  }
0xea: {  	[sflag:s8] =	ssyncadd.s32 $0xFFFFE000  }
0xeb: {  	_ =	sfence.sel $0x180000  }
0xec: {  	[bflag:$0x0] =	sbarrier.arrive $0xFFFF  }
0xed: {  	p0 =	sne.s32 s0, $0x0;
	_ =	strace $0x90000047  }
0xee: {  	s0 =	sadd.s32 @!p0 $0x100000, s1;
	[bflag:$0x2] =	sbarrier.arrive $0xFFFF  }
0xef: {  	[sflag:s0] =	ssyncadd.tile.s32 @!p0 $0x1;
	_ =	shalt  }
.Lfunc_end2:
_tile_overlayer_lowered:
.L_overlay_start_2:
0xf0: {  	(tag) =	ssettag $0x2  }
0xf1: {  	s0 =	rddreg [dreg:$0x0];
	s2 =	stileid.u32  }
0xf2: {  	s1 =	rddreg [dreg:$0x1];
	p0 =	sne.s32 s2, $0x0  }
0xf3: {  	s3 =	rddreg [dreg:$0x2];
	[bflag:$0x3] =	sbarrier.arrive $0xFFFF;
	s2 =	simm.s32 @!p0 $0x1C03  }
0xf4: {  	[timem:s3], [sflag:s2] =	dma.local @!p0 [hbm:s0], s1  }
0xf5: {  	s0 =	simm.s32 @!p0 $0x3  }
0xf6: {  	_ =	swait.ge @!p0 [sflag:s0], s1  }
0xf7: {  	s1 =	ssub.s32 @!p0 $0x0, s1;
	[sflag:s0] =	ssyncset.done @!p0 $0x0  }
0xf8: {  	[sflag:s0] =	ssyncadd.s32 @!p0 s1  }
0xf9: {  	[bflag:$0x3] =	sbarrier.arrive $0xFFFF  }
0xfa: {  	_ =	shalt  }

// kernel: kernel.9.cloned.1.call-start
scs
__scs_entry_jumppad:
0x0: {  	(pc) =	sbr.rel $0x88, $3  }
0x1: {  	(tag) =	ssettag $0x0;
	lr =	simm.s32 $0x1  }
0x2: {  	[smem:$0x3F97] =	sst lr;
	_ =	strace $0xD0000000  }
0x3: {  	_ = 	snop  }
0x4: {  	_ = 	snop  }
0x5: {  	_ = 	snop  }
0x6: {  	_ = 	snop  }
0x7: {  	_ = 	snop  }
__scs_overlays_trampoline_lowered:
0x8: {  	[smem:$0x3FA6] =	sst s0  }
0x9: {  	[smem:$0x3FA7] =	sst s1  }
0xa: {  	[smem:$0x3FA8] =	sst s2  }
0xb: {  	[smem:$0x3FA9] =	sst s3  }
0xc: {  	[smem:$0x3FAA] =	sst s4  }
0xd: {  	[smem:$0x3FAB] =	sst s5  }
0xe: {  	[smem:$0x3FAC] =	sst s6  }
0xf: {  	[smem:$0x3FAD] =	sst s7  }
0x10: {  	[smem:$0x3FAE] =	sst s8  }
0x11: {  	[smem:$0x3FAF] =	sst s9;
	s0 =	simm.s32 @!p0 $0x0  }
0x12: {  	s1 =	sld [smem:$0x3F95];
	s0 =	simm.s32 @p0 $0x1  }
0x13: {  	[smem:$0x3FB0] =	sst s0;
	s0 =	simm.s32 @!p1 $0x0  }
0x14: {  	s2 =	sld [smem:$0x3F94];
	s0 =	simm.s32 @p1 $0x1  }
0x15: {  	[smem:$0x3FB1] =	sst s0;
	s0 =	simm.s32 @!p2 $0x0  }
0x16: {  	s3 =	sld [smem:$0x3FDB];
	s0 =	simm.s32 @p2 $0x1  }
0x17: {  	s4 =	simm.s32 $0x1BF5;
	[smem:$0x3FB3] =	sst s0  }
0x18: {  	s0 =	sld [smem:$0x3F96];
	_ =	swait.ge [sflag:s4], $0x0  }
0x19: {  	s7 =	sld [smem:$0x3F97]  }
0x1a: {  	s8 =	sadd.s32 $0xFFFFE003, lr  }
0x1b: {  	s9 =	sadd.s32 $0xFFFFFEF7, lr;
	s5 =	simm.s32 $0xFFFFFFFF;
	p2 =	slt.u32 s8, $0xFFFFF086  }
0x1c: {  	p1 =	slt.u32 s9, $0xF7A;
	s5 =	simm.s32 @!p2 $0x0  }
0x1d: {  	s5 =	simm.s32 @p1 $0x1;
	p0 =	seq.s32 s7, s2  }
0x1e: {  	s7 =	smul.u32 @!p0 $0xF7A, s2;
	p2 =	seq.s32 @!p0 s5, $0x0  }
0x1f: {  	s9 =	smul.u32 $0xF7A, s1;
	s8 =	simm.s32 @!p0 $0x1BF5;
	p2 =	por !p2, p0  }
0x20: {  	[sflag:s8] =	ssyncset.s32 @!p0 $0xFFFFF086;
	s6 =	sadd.s32 @!p0 s3, s7;
	s7 =	simm.s32 @!p0 $0x108  }
0x21: {  	s3 =	sadd.s32 s3, s9;
	s6 =	sadd.s32 @!p0 $0x88, s6;
	s7 =	simm.s32 @p2 $0x1082  }
0x22: {  	[simem:s7], [sflag:s8] =	dma.local @!p0 [hbm:s6], $0xF7A  }
0x23: {  	s9 =	sor.u32 $0xD0000000, s2;
	s6 =	simm.s32 $0x108;
	_ =	swait.ge @!p0 [sflag:s8], $0x0  }
0x24: {  	s3 =	sadd.s32 $0x88, s3;
	s6 =	simm.s32 @!p1 $0x1082;
	[sflag:s4] =	ssyncset.s32 $0xFFFFF086  }
0x25: {  	[simem:s6], [sflag:s4] =	dma.local [hbm:s3], $0xF7A  }
0x26: {  	[smem:$0x3F97] =	sst s1;
	(tag) =	ssettag s2;
	_ =	strace s9  }
0x27: {  	s1 =	sld [smem:$0x3FA7]  }
0x28: {  	s2 =	sld [smem:$0x3FA8]  }
0x29: {  	s4 =	sld [smem:$0x3FAA]  }
0x2a: {  	p0 =	seq.s32 s5, $0x0;
	s5 =	sld [smem:$0x3FAB]  }
0x2b: {  	s6 =	sld [smem:$0x3FAC]  }
0x2c: {  	s7 =	sld [smem:$0x3FAD]  }
0x2d: {  	s3 =	simm.s32 $0x108;
	s8 =	sld [smem:$0x3FAE]  }
0x2e: {  	s3 =	simm.s32 @!p0 $0x1082;
	s9 =	sld [smem:$0x3FAF]  }
0x2f: {  	lr =	sadd.s32 s0, s3;
	s0 =	sld [smem:$0x3FA6]  }
0x30: {  	s3 =	sld [smem:$0x3FA9]  }
0x31: {  	[smem:$0x3FB2] =	sst s10  }
0x32: {  	s10 =	sld [smem:$0x3FB0];
	_ =	sdelay $0x3  }
0x33: {  	p0 =	seq.s32 s10, $0x1;
	s10 =	sld [smem:$0x3FB2];
	_ =	sdelay $0x3  }
0x34: {  	[smem:$0x3FB2] =	sst s10  }
0x35: {  	s10 =	sld [smem:$0x3FB1];
	_ =	sdelay $0x3  }
0x36: {  	p1 =	seq.s32 s10, $0x1;
	s10 =	sld [smem:$0x3FB2];
	_ =	sdelay $0x3  }
0x37: {  	[smem:$0x3FB2] =	sst s10  }
0x38: {  	s10 =	sld [smem:$0x3FB3]  }
0x39: {  	_ = 	snop;
	(pc) =	sbr.ind lr, $3  }
0x3a: {  	_ = 	snop  }
0x3b: {  	_ = 	snop  }
0x3c: {  	p2 =	seq.s32 s10, $0x1;
	s10 =	sld [smem:$0x3FB2]  }
0x3d: {  	_ =	shalt  }
0x3e: {  	_ =	shalt  }
0x3f: {  	_ =	shalt  }
0x40: {  	_ =	shalt  }
0x41: {  	_ =	shalt  }
0x42: {  	_ =	shalt  }
0x43: {  	_ =	shalt  }
0x44: {  	_ =	shalt  }
0x45: {  	_ =	shalt  }
0x46: {  	_ =	shalt  }
0x47: {  	_ =	shalt  }
0x48: {  	_ =	shalt  }
0x49: {  	_ =	shalt  }
0x4a: {  	_ =	shalt  }
0x4b: {  	_ =	shalt  }
0x4c: {  	_ =	shalt  }
0x4d: {  	_ =	shalt  }
0x4e: {  	_ =	shalt  }
0x4f: {  	_ =	shalt  }
0x50: {  	_ =	shalt  }
0x51: {  	_ =	shalt  }
0x52: {  	_ =	shalt  }
0x53: {  	_ =	shalt  }
0x54: {  	_ =	shalt  }
0x55: {  	_ =	shalt  }
0x56: {  	_ =	shalt  }
0x57: {  	_ =	shalt  }
0x58: {  	_ =	shalt  }
0x59: {  	_ =	shalt  }
0x5a: {  	_ =	shalt  }
0x5b: {  	_ =	shalt  }
0x5c: {  	_ =	shalt  }
0x5d: {  	_ =	shalt  }
0x5e: {  	_ =	shalt  }
0x5f: {  	_ =	shalt  }
0x60: {  	_ =	shalt  }
0x61: {  	_ =	shalt  }
0x62: {  	_ =	shalt  }
0x63: {  	_ =	shalt  }
0x64: {  	_ =	shalt  }
0x65: {  	_ =	shalt  }
0x66: {  	_ =	shalt  }
0x67: {  	_ =	shalt  }
0x68: {  	_ =	shalt  }
0x69: {  	_ =	shalt  }
0x6a: {  	_ =	shalt  }
0x6b: {  	_ =	shalt  }
0x6c: {  	_ =	shalt  }
0x6d: {  	_ =	shalt  }
0x6e: {  	_ =	shalt  }
0x6f: {  	_ =	shalt  }
0x70: {  	_ =	shalt  }
0x71: {  	_ =	shalt  }
0x72: {  	_ =	shalt  }
0x73: {  	_ =	shalt  }
0x74: {  	_ =	shalt  }
0x75: {  	_ =	shalt  }
0x76: {  	_ =	shalt  }
0x77: {  	_ =	shalt  }
0x78: {  	_ =	shalt  }
0x79: {  	_ =	shalt  }
0x7a: {  	_ =	shalt  }
0x7b: {  	_ =	shalt  }
0x7c: {  	_ =	shalt  }
0x7d: {  	_ =	shalt  }
0x7e: {  	_ =	shalt  }
0x7f: {  	_ =	shalt  }
0x80: {  	_ =	shalt  }
0x81: {  	_ =	shalt  }
0x82: {  	_ =	shalt  }
0x83: {  	_ =	shalt  }
0x84: {  	_ =	shalt  }
0x85: {  	_ =	shalt  }
0x86: {  	_ =	shalt  }
0x87: {  	_ =	shalt  }
.Lfunc_end0:
.L_simem_size_0:
called_computation.1_lowered:
.L_overlay_start_0:
0x88: {  	s2 =	sld [smem:$0x3FD9]  }
0x89: {  	s3 =	sld [smem:$0x3FFE];
	_ =	sdelay $0x1  }
0x8a: {  	s1 =	srdreg.scid  }
0x8b: {  	s0 =	sand.u32 $0x1, s1  }
0x8c: {  	s17 =	sshll.u32 s0, $0xA;
	s2 =	sadd.s32 s3, s2  }
0x8d: {  	s2 =	sadd.s32 s2, s17  }
0x8e: {  	[smem:$0x3FBE] =	sst s2  }
0x8f: {  	_ = 	snop  }
0x90: {  	(tm) =	ssettm $0x1  }
0x91: {  	s18 =	sld [smem:$0x3FFB];
	_ =	sdelay $0x3  }
0x92: {  	_ =	strace s18  }
0x93: {  	s2 =	sld [smem:$0x3FFC];
	_ =	sdelay $0x3  }
0x94: {  	_ =	strace s2  }
0x95: {  	s2 =	sld [smem:$0x3FFD];
	_ =	sdelay $0x3  }
0x96: {  	_ =	strace s2  }
0x97: {  	_ =	strace $0x8FFFFFFF  }
0x98: {  	s19 =	sld [smem:$0x3FDB];
	_ =	sdelay $0x1  }
0x99: {  	s20 =	simm.s32 $_scs_section_size  }
0x9a: {  	s4 =	simm.s32 $_size__tile_overlayer_lowered;
	s5 =	simm.s32 $_tile_overlayer_lowered  }
0x9b: {  	s6 =	simm.s32 $0x1BFF;
	s21 =	sshll.u32 s5, $0x1;
	s3 =	sadd.s32 s20, s19  }
0x9c: {  	s22 =	simm.s32 $0x0;
	s4 =	sshll.u32 s4, $0x1;
	s5 =	sadd.s32 s21, s3  }
0x9d: {  	[timem:s22], [sflag:s6] =	dma.local [hbm:s5], s4  }
0x9e: {  	_ =	swait.ge [sflag:s6], s4  }
0x9f: {  	s4 =	ssub.s32 $0x0, s4;
	[sflag:s6] =	ssyncset.done $0x0  }
0xa0: {  	[sflag:s6] =	ssyncadd.s32 s4;
	_ =	sdelay $0x1  }
0xa1: {  	s23 =	simm.s32 $0x1B8B  }
0xa2: {  	_ =	swait.ge [sflag:s23], $0x1  }
0xa3: {  	[sflag:s23] =	ssyncset.done $0x0  }
0xa4: {  	[sflag:s23] =	ssyncadd.s32 $0xFFFFFFFF  }
0xa5: {  	s4 =	sld [smem:$0x0]  }
0xa6: {  	s5 =	sand.u32 $0xFFFFFFFE, s1  }
0xa7: {  	p0 =	sne.s32 s1, s5  }
0xa8: {  	s5 =	sshll.u32 @p0 s5, $0xE  }
0xa9: {  	s5 =	sadd.s32 @p0 $0x11B8D, s5;
	s6 =	sshll.u32 @p0 s4, $0x11  }
0xaa: {  	s5 =	sor.u32 @p0 s6, s5  }
0xab: {  	[sflag:s5] =	ssyncadd.remote.s32 @p0 $0x1;
	_ =	sdelay $0x1  }
0xac: {  	s5 =	simm.s32 @p0 $0x1B8D  }
0xad: {  	_ =	swait.eq @p0 [sflag:s5], $0x1  }
0xae: {  	[sflag:s5] =	ssyncadd.s32 @p0 $0xFFFFFFFF  }
0xaf: {  	s6 =	sshll.u32 @!p0 s1, $0xE  }
0xb0: {  	s6 =	sor.u32 @!p0 $0x4000, s6;
	s5 =	simm.s32 @!p0 $0x1B8D  }
0xb1: {  	s4 =	sshll.u32 @!p0 s4, $0x11;
	s6 =	sadd.s32 @!p0 $0x11B8D, s6;
	_ =	swait.eq @!p0 [sflag:s5], $0x1  }
0xb2: {  	s4 =	sor.u32 @!p0 s4, s6;
	[sflag:s5] =	ssyncadd.s32 @!p0 $0xFFFFFFFF  }
0xb3: {  	s25 =	simm.s32 $0x1B8E;
	s24 =	sld [smem:$0x3FFE];
	[sflag:s4] =	ssyncadd.remote.s32 @!p0 $0x1  }
0xb4: {  	s26 =	simm.s32 $execute0_lowered;
	[smem:$0x3FD2] =	sst s25  }
0xb5: {  	s5 =	sshll.u32 s26, $0x1;
	_ =	strace $0x80000049;
	[dreg:$0x1] =	wrdreg $0xFFFFFFFF  }
0xb6: {  	s28 =	simm.s32 $_size_execute0_lowered;
	s3 =	sadd.s32 s3, s5;
	[dreg:$0x0] =	wrdreg $0x0  }
0xb7: {  	s5 =	sshll.u32 s28, $0x1;
	[dreg:$0x2] =	wrdreg s3  }
0xb8: {  	[dreg:$0x3] =	wrdreg s5  }
0xb9: {  	[dreg:$0x4] =	wrdreg $0xC0  }
0xba: {  	_ =	task [dreg:s22], $0x5FFFF  }
0xbb: {  	[dreg:$0x1] =	wrdreg $0xFFFFFFFF  }
0xbc: {  	[dreg:$0x0] =	wrdreg $0x60  }
0xbd: {  	[dreg:$0x2] =	wrdreg s24  }
0xbe: {  	[dreg:$0x3] =	wrdreg $0xA  }
0xbf: {  	_ =	task.clear_ibuf [dreg:s22], $0x4FFFF;
	_ =	strace $0x90000049  }
0xc0: {  	s29 =	simm.s32 $0xA;
	_ =	strace $0x8000004B  }
0xc1: {  	_ =	swait.ge [sflag:s29], $0x1  }
0xc2: {  	[sflag:s29] =	ssyncadd.s32 $0xFFFFFFFF  }
0xc3: {  	_ =	strace $0x9000004B  }
0xc4: {  	_ =	sfence  }
0xc5: {  	s30 =	sld [smem:$0x0];
	_ =	sdelay $0x2  }
0xc6: {  	s31 =	sshll.u32 s1, $0xD;
	s1 =	sshrl.u32 s1, $0x2  }
0xc7: {  	s4 =	sand.u32 $0x4000, s31;
	s1 =	sadd.s32 s1, s30  }
0xc8: {  	s0 =	sor.u32 s4, s0;
	s1 =	sshll.u32 s1, $0x11  }
0xc9: {  	s0 =	sor.u32 s1, s0  }
0xca: {  	s0 =	sadd.s32 $0x8F2B, s0  }
0xcb: {  	[sflag:s0] =	ssyncadd.remote.s32 $0x1  }
0xcc: {  	_ =	sfence.sel $0xFFFF  }
0xcd: {  	[dreg:$0x0] =	wrdreg $0xFFFFFFFF;
	(pc) =	sbr.abs _section_cstart, $3  }
0xce: {  	[dreg:$0x1] =	wrdreg $0xFFFFFFFF  }
0xcf: {  	_ =	task.clear_ibuf [dreg:s22], $0x2FFFF;
	_ =	strace $0x9FFFFFFF  }
0xd0: {  	(tm) =	ssettm $0x7FFFFFFF  }
0xd1: {  	_ =	shalt  }
tec
execute0_lowered:
.L_overlay_start_1:
0x0: {  	(tag) =	ssettag $0x1  }
0x1: {  	s1 =	srdreg.scid;
	s0 =	stileid.u32  }
0x2: {  	s4 =	rddreg [dreg:$0x0];
	s2 =	simm.s32 $0x0;
	s8 =	simm.s32 $0x64  }
0x3: {  	s9 =	simm.s32 $0x1A00;
	s10 =	simm.s32 $0x3300;
	s11 =	simm.s32 $0x1  }
0x4: {  	s12 =	simm.s32 $0x2;
	s13 =	simm.s32 $0x4C00;
	s14 =	simm.s32 $0x0  }
0x5: {  	s3 =	sand.u32 $0x1, s1;
	s5 =	sshll.u32 s0, $0x1;
	[smem:$0x7FF] =	sst s2  }
0x6: {  	s1 =	rddreg [dreg:$0x1];
	s5 =	sor.u32 s3, s5;
	_ =	strace $0x8000004A  }
0x7: {  	s7 =	ssub.s32 $0x2, s3;
	s6 =	smul.u32 $0x340, s5;
	s5 =	sshll.u32 s5, $0xA  }
0x8: {  	s3 =	sadd.s32 $0x13E00, s4;
	s31 =	sshrl.u32 s7, $0x1;
	s5 =	sadd.s32 s5, s4  }
0x9: {  	s7 =	ssub.s32 s7, s31;
	s6 =	sadd.s32 s6, s4;
	s5 =	sadd.s32 $0xD7400, s5  }
0xa: {  	s4 =	sadd.s32 $0x5600, s6;
	s6 =	smax.u32 s7, $0x1;
	s7 =	simm.s32 $0x3  }
.LBB2_1:
0xb: {  	[tilespmem:s2], [sflag:$0x3] =	stream.linear.gather [hbm4b:s4+s2], $0x1A00, $0x38;
	[tilespmem:$0x6C00] =	vst v63  }
0xc: {  	_ =	swait.ge [sflag:s7], $0x1A00  }
0xd: {  	[sflag:s7] =	ssyncset.done $0x0  }
0xe: {  	s15 =	simm.s32 $0x0;
	[sflag:s7] =	ssyncadd.s32 $0xFFFFE600  }
0xf: {  	[tilespmem:s9], [sflag:$0x1] =	stream.indirect.gather [hbm4b:s3+s8], $0x40, s2, s8, $0xb8;
	[tilespmem:$0x6C00] =	vst v63  }
.LBB2_2:
0x10: {  	s16 =	sshllo.u32 s15, $0x1  }
0x11: {  	s17 =	smul.u32 $0x1A0, s16;
	_ =	sdelay $0x1  }
0x12: {  	s17 =	sshra.s32 s17, $0x2  }
0x13: {  	[tilespmem:s10], [sflag:$0x2] =	stream.indirect.gather [hbm4b:s3+s8], $0x40, s17, s8, $0xb8;
	[tilespmem:$0x6C00] =	vst v63  }
0x14: {  	_ =	swait.ge [sflag:s11], $0x1900  }
0x15: {  	[sflag:s11] =	ssyncset.done $0x0  }
0x16: {  	s17 =	simm.s32 $0x0;
	[sflag:s11] =	ssyncadd.s32 $0xFFFFE700  }
0x17: {  	v0 =	vld [tilespmem:s17+$0x1B00]  }
0x18: {  	v1 =	vld [tilespmem:s17+$0x1B10]  }
0x19: {  	v2 =	vld [tilespmem:s17+$0x1AC0]  }
0x1a: {  	v3 =	vld [tilespmem:s17+$0x1AD0]  }
0x1b: {  	v4 =	vld [tilespmem:s17+$0x1A80]  }
0x1c: {  	v5 =	vld [tilespmem:s17+$0x1A90]  }
0x1d: {  	v6 =	vld [tilespmem:s17+$0x1A40]  }
0x1e: {  	v7 =	vld [tilespmem:s17+$0x1A50]  }
0x1f: {  	v13 =	vld [tilespmem:s17+$0x1A00]  }
0x20: {  	v8 =	vimm.f32 $0.0e+00;
	v14 =	vld [tilespmem:s17+$0x1A10]  }
0x21: {  	s18 =	simm.s32 $0x500;
	v11 =	vimm.f32 $0.0e+00;
	v10 =	vimm.f32 $0.0e+00;
	v9 =	vimm.f32 $0.0e+00;
	v12 =	vld [tilespmem:s17+$0x1A20]  }
.LBB2_3:
0x22: {  	p0 =	sne.s32 s18, $0x2D00;
	v15 =	vld [tilespmem:s17+$0x1A30]  }
0x23: {  	v16 =	vld [tilespmem:s17+$0x1A60]  }
0x24: {  	v17 =	vld [tilespmem:s17+$0x1A70]  }
0x25: {  	v18 =	vld [tilespmem:s17+$0x1AA0]  }
0x26: {  	v8 =	vadd.f32 v13, v8;
	v11 =	vadd.f32 v14, v11;
	v13 =	vld [tilespmem:s17+$0x1AB0]  }
0x27: {  	v10 =	vadd.f32 v12, v10;
	v9 =	vadd.f32 v15, v9;
	v12 =	vld [tilespmem:s17+$0x1AE0]  }
0x28: {  	v6 =	vadd.f32 v6, v8;
	v7 =	vadd.f32 v7, v11;
	v8 =	vld [tilespmem:s17+$0x1AF0]  }
0x29: {  	v10 =	vadd.f32 v16, v10;
	v9 =	vadd.f32 v17, v9;
	v14 =	vld [tilespmem:s17+$0x1B20]  }
0x2a: {  	v4 =	vadd.f32 v4, v6;
	v5 =	vadd.f32 v5, v7;
	v6 =	vld [tilespmem:s17+$0x1B30];
	s17 =	sshra.s32 s18, $0x2  }
0x2b: {  	v10 =	vadd.f32 v18, v10;
	v7 =	vld [tilespmem:s17+$0x1B00];
	v9 =	vadd.f32 v13, v9  }
0x2c: {  	v4 =	vadd.f32 v2, v4;
	v5 =	vadd.f32 v3, v5;
	v13 =	vld [tilespmem:s17+$0x1B10]  }
0x2d: {  	v10 =	vadd.f32 v12, v10;
	v2 =	vld [tilespmem:s17+$0x1AC0];
	v9 =	vadd.f32 v8, v9  }
0x2e: {  	v8 =	vadd.f32 v0, v4;
	v11 =	vadd.f32 v1, v5;
	v3 =	vld [tilespmem:s17+$0x1AD0]  }
0x2f: {  	v10 =	vadd.f32 v14, v10;
	v4 =	vld [tilespmem:s17+$0x1A80];
	v9 =	vadd.f32 v6, v9  }
0x30: {  	v5 =	vld [tilespmem:s17+$0x1A90];
	v0 =	vmov v7  }
.Ltmp0:
0x31: {  	v6 =	vld [tilespmem:s17+$0x1A40];
	v1 =	vmov v13;
	(pc) =	sbr.rel @p0 .LBB2_3-.Ltmp0, $4  }
0x32: {  	v7 =	vld [tilespmem:s17+$0x1A50]  }
0x33: {  	v13 =	vld [tilespmem:s17+$0x1A00]  }
0x34: {  	v14 =	vld [tilespmem:s17+$0x1A10]  }
0x35: {  	s18 =	sadd.s32 $0x500, s18;
	v12 =	vld [tilespmem:s17+$0x1A20]  }
0x36: {  	v15 =	vld [tilespmem:s17+$0x1A30]  }
0x37: {  	v16 =	vld [tilespmem:s17+$0x1A60]  }
0x38: {  	v17 =	vld [tilespmem:s17+$0x1A70];
	v8 =	vadd.f32 v13, v8  }
0x39: {  	v13 =	vld [tilespmem:s17+$0x1AA0];
	v11 =	vadd.f32 v14, v11  }
0x3a: {  	v14 =	vld [tilespmem:s17+$0x1AB0];
	v10 =	vadd.f32 v12, v10;
	v6 =	vadd.f32 v6, v8  }
0x3b: {  	v8 =	vadd.f32 v15, v9;
	v9 =	vld [tilespmem:s17+$0x1AE0];
	v7 =	vadd.f32 v7, v11  }
0x3c: {  	v11 =	vld [tilespmem:s17+$0x1AF0];
	v10 =	vadd.f32 v16, v10;
	v4 =	vadd.f32 v4, v6  }
0x3d: {  	v6 =	vadd.f32 v17, v8;
	v8 =	vld [tilespmem:s17+$0x1B20];
	v5 =	vadd.f32 v5, v7  }
0x3e: {  	v7 =	vld [tilespmem:s17+$0x1B30];
	v10 =	vadd.f32 v13, v10;
	v2 =	vadd.f32 v2, v4  }
0x3f: {  	v4 =	vadd.f32 v14, v6;
	v3 =	vadd.f32 v3, v5  }
0x40: {  	s31 =	sshll.u32 s15, $0x8;
	v5 =	vadd.f32 v9, v10;
	v0 =	vadd.f32 v0, v2  }
0x41: {  	s17 =	sand.u32 $0x3FFFFF00, s31;
	v2 =	vadd.f32 v11, v4;
	v1 =	vadd.f32 v1, v3  }
0x42: {  	v3 =	vadd.f32 v8, v5;
	[tilespmem:s17+$0x4C00] =	vst v0  }
0x43: {  	v0 =	vadd.f32 v7, v2;
	[tilespmem:s17+$0x4C10] =	vst v1  }
0x44: {  	[tilespmem:s17+$0x4C20] =	vst v3  }
0x45: {  	s18 =	simm.s32 $0x0;
	[tilespmem:s17+$0x4C30] =	vst v0  }
0x46: {  	v0 =	vld [tilespmem:s18+$0x2780]  }
0x47: {  	v1 =	vld [tilespmem:s18+$0x2790]  }
0x48: {  	v2 =	vld [tilespmem:s18+$0x2740]  }
0x49: {  	v3 =	vld [tilespmem:s18+$0x2750]  }
0x4a: {  	v4 =	vld [tilespmem:s18+$0x2700]  }
0x4b: {  	v5 =	vld [tilespmem:s18+$0x2710]  }
0x4c: {  	v6 =	vld [tilespmem:s18+$0x26C0]  }
0x4d: {  	v7 =	vld [tilespmem:s18+$0x26D0]  }
0x4e: {  	v13 =	vld [tilespmem:s18+$0x2680]  }
0x4f: {  	v10 =	vimm.f32 $0.0e+00;
	v14 =	vld [tilespmem:s18+$0x2690]  }
0x50: {  	s19 =	simm.s32 $0x500;
	v9 =	vimm.f32 $0.0e+00;
	v11 =	vimm.f32 $0.0e+00;
	v8 =	vimm.f32 $0.0e+00;
	v12 =	vld [tilespmem:s18+$0x26A0]  }
.LBB2_5:
0x51: {  	p0 =	sne.s32 s19, $0x2D00;
	v15 =	vld [tilespmem:s18+$0x26B0]  }
0x52: {  	v16 =	vld [tilespmem:s18+$0x26E0]  }
0x53: {  	v17 =	vld [tilespmem:s18+$0x26F0]  }
0x54: {  	v18 =	vld [tilespmem:s18+$0x2720]  }
0x55: {  	v8 =	vadd.f32 v13, v8;
	v11 =	vadd.f32 v14, v11;
	v13 =	vld [tilespmem:s18+$0x2730]  }
0x56: {  	v10 =	vadd.f32 v12, v10;
	v9 =	vadd.f32 v15, v9;
	v12 =	vld [tilespmem:s18+$0x2760]  }
0x57: {  	v6 =	vadd.f32 v6, v8;
	v7 =	vadd.f32 v7, v11;
	v8 =	vld [tilespmem:s18+$0x2770]  }
0x58: {  	v10 =	vadd.f32 v16, v10;
	v9 =	vadd.f32 v17, v9;
	v14 =	vld [tilespmem:s18+$0x27A0]  }
0x59: {  	v4 =	vadd.f32 v4, v6;
	v5 =	vadd.f32 v5, v7;
	v6 =	vld [tilespmem:s18+$0x27B0];
	s18 =	sshra.s32 s19, $0x2  }
0x5a: {  	v10 =	vadd.f32 v18, v10;
	v7 =	vld [tilespmem:s18+$0x2780];
	v9 =	vadd.f32 v13, v9  }
0x5b: {  	v4 =	vadd.f32 v2, v4;
	v5 =	vadd.f32 v3, v5;
	v13 =	vld [tilespmem:s18+$0x2790]  }
0x5c: {  	v10 =	vadd.f32 v12, v10;
	v2 =	vld [tilespmem:s18+$0x2740];
	v9 =	vadd.f32 v8, v9  }
0x5d: {  	v8 =	vadd.f32 v0, v4;
	v11 =	vadd.f32 v1, v5;
	v3 =	vld [tilespmem:s18+$0x2750]  }
0x5e: {  	v10 =	vadd.f32 v14, v10;
	v4 =	vld [tilespmem:s18+$0x2700];
	v9 =	vadd.f32 v6, v9  }
0x5f: {  	v5 =	vld [tilespmem:s18+$0x2710];
	v0 =	vmov v7  }
.Ltmp1:
0x60: {  	v6 =	vld [tilespmem:s18+$0x26C0];
	v1 =	vmov v13;
	(pc) =	sbr.rel @p0 .LBB2_5-.Ltmp1, $4  }
0x61: {  	v7 =	vld [tilespmem:s18+$0x26D0]  }
0x62: {  	v13 =	vld [tilespmem:s18+$0x2680]  }
0x63: {  	v14 =	vld [tilespmem:s18+$0x2690]  }
0x64: {  	s19 =	sadd.s32 $0x500, s19;
	v12 =	vld [tilespmem:s18+$0x26A0]  }
0x65: {  	v15 =	vld [tilespmem:s18+$0x26B0]  }
0x66: {  	v16 =	vld [tilespmem:s18+$0x26E0]  }
0x67: {  	v17 =	vld [tilespmem:s18+$0x26F0];
	v8 =	vadd.f32 v13, v8  }
0x68: {  	v13 =	vld [tilespmem:s18+$0x2720];
	v11 =	vadd.f32 v14, v11  }
0x69: {  	v14 =	vld [tilespmem:s18+$0x2730];
	v10 =	vadd.f32 v12, v10;
	v6 =	vadd.f32 v6, v8  }
0x6a: {  	v8 =	vadd.f32 v15, v9;
	v9 =	vld [tilespmem:s18+$0x2760];
	v7 =	vadd.f32 v7, v11  }
0x6b: {  	v11 =	vld [tilespmem:s18+$0x2770];
	v10 =	vadd.f32 v16, v10;
	v4 =	vadd.f32 v4, v6  }
0x6c: {  	v6 =	vadd.f32 v17, v8;
	v8 =	vld [tilespmem:s18+$0x27A0];
	v5 =	vadd.f32 v5, v7  }
0x6d: {  	v7 =	vld [tilespmem:s18+$0x27B0];
	v10 =	vadd.f32 v13, v10;
	v2 =	vadd.f32 v2, v4  }
0x6e: {  	v4 =	vadd.f32 v14, v6;
	v3 =	vadd.f32 v3, v5  }
0x6f: {  	v5 =	vadd.f32 v9, v10;
	v0 =	vadd.f32 v0, v2  }
0x70: {  	p0 =	seq.s32 s15, $0x1F;
	v2 =	vadd.f32 v11, v4;
	v1 =	vadd.f32 v1, v3  }
0x71: {  	s18 =	smul.u32 @!p0 $0x340, s15;
	v3 =	vadd.f32 v8, v5;
	[tilespmem:s17+$0x4C40] =	vst v0  }
0x72: {  	v0 =	vadd.f32 v7, v2;
	[tilespmem:s17+$0x4C50] =	vst v1  }
0x73: {  	s18 =	sshra.s32 @!p0 s18, $0x2;
	[tilespmem:s17+$0x4C60] =	vst v3  }
0x74: {  	s19 =	simm.s32 @!p0 $0x1A00;
	[tilespmem:s17+$0x4C70] =	vst v0;
	s17 =	sadd.s32 @!p0 $0xD0, s18;
	s18 =	simm.s32 @!p0 $0x64  }
0x75: {  	[tilespmem:s19], [sflag:$0x1] =	stream.indirect.gather @!p0 [hbm4b:s3+s18], $0x40, s17, s18, $0xb8;
	[tilespmem:$0x6C00] =	vst v63  }
0x76: {  	_ =	swait.ge [sflag:s12], $0x1900  }
0x77: {  	[sflag:s12] =	ssyncset.done $0x0  }
0x78: {  	s17 =	simm.s32 $0x0;
	[sflag:s12] =	ssyncadd.s32 $0xFFFFE700  }
0x79: {  	v0 =	vld [tilespmem:s17+$0x3400]  }
0x7a: {  	v1 =	vld [tilespmem:s17+$0x3410]  }
0x7b: {  	v2 =	vld [tilespmem:s17+$0x33C0]  }
0x7c: {  	v3 =	vld [tilespmem:s17+$0x33D0]  }
0x7d: {  	v4 =	vld [tilespmem:s17+$0x3380]  }
0x7e: {  	v5 =	vld [tilespmem:s17+$0x3390]  }
0x7f: {  	v6 =	vld [tilespmem:s17+$0x3340]  }
0x80: {  	v7 =	vld [tilespmem:s17+$0x3350]  }
0x81: {  	v13 =	vld [tilespmem:s17+$0x3300]  }
0x82: {  	v10 =	vimm.f32 $0.0e+00;
	v14 =	vld [tilespmem:s17+$0x3310]  }
0x83: {  	v9 =	vimm.f32 $0.0e+00;
	v11 =	vimm.f32 $0.0e+00;
	v8 =	vimm.f32 $0.0e+00;
	s18 =	simm.s32 $0x500;
	v12 =	vld [tilespmem:s17+$0x3320]  }
.LBB2_7:
0x84: {  	p0 =	sne.s32 s18, $0x2D00;
	v15 =	vld [tilespmem:s17+$0x3330]  }
0x85: {  	v16 =	vld [tilespmem:s17+$0x3360]  }
0x86: {  	v17 =	vld [tilespmem:s17+$0x3370]  }
0x87: {  	v18 =	vld [tilespmem:s17+$0x33A0]  }
0x88: {  	v8 =	vadd.f32 v13, v8;
	v11 =	vadd.f32 v14, v11;
	v13 =	vld [tilespmem:s17+$0x33B0]  }
0x89: {  	v10 =	vadd.f32 v12, v10;
	v9 =	vadd.f32 v15, v9;
	v12 =	vld [tilespmem:s17+$0x33E0]  }
0x8a: {  	v6 =	vadd.f32 v6, v8;
	v7 =	vadd.f32 v7, v11;
	v8 =	vld [tilespmem:s17+$0x33F0]  }
0x8b: {  	v10 =	vadd.f32 v16, v10;
	v9 =	vadd.f32 v17, v9;
	v14 =	vld [tilespmem:s17+$0x3420]  }
0x8c: {  	v4 =	vadd.f32 v4, v6;
	v5 =	vadd.f32 v5, v7;
	v6 =	vld [tilespmem:s17+$0x3430];
	s17 =	sshra.s32 s18, $0x2  }
0x8d: {  	v10 =	vadd.f32 v18, v10;
	v7 =	vld [tilespmem:s17+$0x3400];
	v9 =	vadd.f32 v13, v9  }
0x8e: {  	v4 =	vadd.f32 v2, v4;
	v5 =	vadd.f32 v3, v5;
	v13 =	vld [tilespmem:s17+$0x3410]  }
0x8f: {  	v10 =	vadd.f32 v12, v10;
	v2 =	vld [tilespmem:s17+$0x33C0];
	v9 =	vadd.f32 v8, v9  }
0x90: {  	v8 =	vadd.f32 v0, v4;
	v11 =	vadd.f32 v1, v5;
	v3 =	vld [tilespmem:s17+$0x33D0]  }
0x91: {  	v10 =	vadd.f32 v14, v10;
	v4 =	vld [tilespmem:s17+$0x3380];
	v9 =	vadd.f32 v6, v9  }
0x92: {  	v5 =	vld [tilespmem:s17+$0x3390];
	v0 =	vmov v7  }
.Ltmp2:
0x93: {  	v6 =	vld [tilespmem:s17+$0x3340];
	v1 =	vmov v13;
	(pc) =	sbr.rel @p0 .LBB2_7-.Ltmp2, $4  }
0x94: {  	v7 =	vld [tilespmem:s17+$0x3350]  }
0x95: {  	v13 =	vld [tilespmem:s17+$0x3300]  }
0x96: {  	v14 =	vld [tilespmem:s17+$0x3310]  }
0x97: {  	s18 =	sadd.s32 $0x500, s18;
	v12 =	vld [tilespmem:s17+$0x3320]  }
0x98: {  	v15 =	vld [tilespmem:s17+$0x3330]  }
0x99: {  	v16 =	vld [tilespmem:s17+$0x3360]  }
0x9a: {  	v17 =	vld [tilespmem:s17+$0x3370];
	v8 =	vadd.f32 v13, v8  }
0x9b: {  	v13 =	vld [tilespmem:s17+$0x33A0];
	v11 =	vadd.f32 v14, v11  }
0x9c: {  	v14 =	vld [tilespmem:s17+$0x33B0];
	v10 =	vadd.f32 v12, v10;
	v6 =	vadd.f32 v6, v8  }
0x9d: {  	v8 =	vadd.f32 v15, v9;
	v9 =	vld [tilespmem:s17+$0x33E0];
	v7 =	vadd.f32 v7, v11  }
0x9e: {  	v11 =	vld [tilespmem:s17+$0x33F0];
	v10 =	vadd.f32 v16, v10;
	v4 =	vadd.f32 v4, v6  }
0x9f: {  	v6 =	vadd.f32 v17, v8;
	v8 =	vld [tilespmem:s17+$0x3420];
	v5 =	vadd.f32 v5, v7  }
0xa0: {  	v7 =	vld [tilespmem:s17+$0x3430];
	v10 =	vadd.f32 v13, v10;
	v2 =	vadd.f32 v2, v4  }
0xa1: {  	v4 =	vadd.f32 v14, v6;
	v3 =	vadd.f32 v3, v5  }
0xa2: {  	s16 =	sshll.u32 s16, $0x7;
	v5 =	vadd.f32 v9, v10;
	v0 =	vadd.f32 v0, v2  }
0xa3: {  	s16 =	sand.u32 $0x3FFFFF80, s16;
	v2 =	vadd.f32 v11, v4;
	v1 =	vadd.f32 v1, v3  }
0xa4: {  	v3 =	vadd.f32 v8, v5;
	[tilespmem:s16+$0x4C00] =	vst v0  }
0xa5: {  	v0 =	vadd.f32 v7, v2;
	[tilespmem:s16+$0x4C10] =	vst v1  }
0xa6: {  	[tilespmem:s16+$0x4C20] =	vst v3  }
0xa7: {  	s17 =	simm.s32 $0x0;
	[tilespmem:s16+$0x4C30] =	vst v0  }
0xa8: {  	v0 =	vld [tilespmem:s17+$0x4080]  }
0xa9: {  	v1 =	vld [tilespmem:s17+$0x4090]  }
0xaa: {  	v2 =	vld [tilespmem:s17+$0x4040]  }
0xab: {  	v3 =	vld [tilespmem:s17+$0x4050]  }
0xac: {  	v4 =	vld [tilespmem:s17+$0x4000]  }
0xad: {  	v5 =	vld [tilespmem:s17+$0x4010]  }
0xae: {  	v6 =	vld [tilespmem:s17+$0x3FC0]  }
0xaf: {  	v7 =	vld [tilespmem:s17+$0x3FD0]  }
0xb0: {  	v13 =	vld [tilespmem:s17+$0x3F80]  }
0xb1: {  	v10 =	vimm.f32 $0.0e+00;
	v14 =	vld [tilespmem:s17+$0x3F90]  }
0xb2: {  	s18 =	simm.s32 $0x500;
	v9 =	vimm.f32 $0.0e+00;
	v11 =	vimm.f32 $0.0e+00;
	v8 =	vimm.f32 $0.0e+00;
	v12 =	vld [tilespmem:s17+$0x3FA0]  }
.LBB2_9:
0xb3: {  	p0 =	sne.s32 s18, $0x2D00;
	v15 =	vld [tilespmem:s17+$0x3FB0]  }
0xb4: {  	v16 =	vld [tilespmem:s17+$0x3FE0]  }
0xb5: {  	v17 =	vld [tilespmem:s17+$0x3FF0]  }
0xb6: {  	v18 =	vld [tilespmem:s17+$0x4020]  }
0xb7: {  	v8 =	vadd.f32 v13, v8;
	v11 =	vadd.f32 v14, v11;
	v13 =	vld [tilespmem:s17+$0x4030]  }
0xb8: {  	v10 =	vadd.f32 v12, v10;
	v9 =	vadd.f32 v15, v9;
	v12 =	vld [tilespmem:s17+$0x4060]  }
0xb9: {  	v6 =	vadd.f32 v6, v8;
	v7 =	vadd.f32 v7, v11;
	v8 =	vld [tilespmem:s17+$0x4070]  }
0xba: {  	v10 =	vadd.f32 v16, v10;
	v9 =	vadd.f32 v17, v9;
	v14 =	vld [tilespmem:s17+$0x40A0]  }
0xbb: {  	v4 =	vadd.f32 v4, v6;
	v5 =	vadd.f32 v5, v7;
	v6 =	vld [tilespmem:s17+$0x40B0];
	s17 =	sshra.s32 s18, $0x2  }
0xbc: {  	v10 =	vadd.f32 v18, v10;
	v7 =	vld [tilespmem:s17+$0x4080];
	v9 =	vadd.f32 v13, v9  }
0xbd: {  	v4 =	vadd.f32 v2, v4;
	v5 =	vadd.f32 v3, v5;
	v13 =	vld [tilespmem:s17+$0x4090]  }
0xbe: {  	v10 =	vadd.f32 v12, v10;
	v2 =	vld [tilespmem:s17+$0x4040];
	v9 =	vadd.f32 v8, v9  }
0xbf: {  	v8 =	vadd.f32 v0, v4;
	v11 =	vadd.f32 v1, v5;
	v3 =	vld [tilespmem:s17+$0x4050]  }
0xc0: {  	v10 =	vadd.f32 v14, v10;
	v4 =	vld [tilespmem:s17+$0x4000];
	v9 =	vadd.f32 v6, v9  }
0xc1: {  	v5 =	vld [tilespmem:s17+$0x4010];
	v0 =	vmov v7  }
.Ltmp3:
0xc2: {  	v6 =	vld [tilespmem:s17+$0x3FC0];
	v1 =	vmov v13;
	(pc) =	sbr.rel @p0 .LBB2_9-.Ltmp3, $4  }
0xc3: {  	v7 =	vld [tilespmem:s17+$0x3FD0]  }
0xc4: {  	v13 =	vld [tilespmem:s17+$0x3F80]  }
0xc5: {  	v14 =	vld [tilespmem:s17+$0x3F90]  }
0xc6: {  	s18 =	sadd.s32 $0x500, s18;
	v12 =	vld [tilespmem:s17+$0x3FA0]  }
0xc7: {  	v15 =	vld [tilespmem:s17+$0x3FB0]  }
0xc8: {  	v16 =	vld [tilespmem:s17+$0x3FE0]  }
0xc9: {  	v17 =	vld [tilespmem:s17+$0x3FF0];
	v8 =	vadd.f32 v13, v8  }
0xca: {  	v51 =	vld [tilespmem:s17+$0x4020];
	v11 =	vadd.f32 v14, v11  }
0xcb: {  	v52 =	vld [tilespmem:s17+$0x4030];
	v10 =	vadd.f32 v12, v10;
	v6 =	vadd.f32 v6, v8  }
0xcc: {  	v54 =	vld [tilespmem:s17+$0x4060];
	v53 =	vadd.f32 v15, v9;
	v7 =	vadd.f32 v7, v11  }
0xcd: {  	v55 =	vld [tilespmem:s17+$0x4070];
	v10 =	vadd.f32 v16, v10;
	v4 =	vadd.f32 v4, v6  }
0xce: {  	v57 =	vld [tilespmem:s17+$0x40A0];
	v56 =	vadd.f32 v17, v53;
	v5 =	vadd.f32 v5, v7  }
0xcf: {  	v58 =	vld [tilespmem:s17+$0x40B0];
	v10 =	vadd.f32 v51, v10;
	v2 =	vadd.f32 v2, v4  }
0xd0: {  	s15 =	sadd.s32 $0x1, s15;
	v59 =	vadd.f32 v52, v56;
	v3 =	vadd.f32 v3, v5  }
0xd1: {  	p0 =	sne.s32 s15, $0x20;
	v60 =	vadd.f32 v54, v10;
	v0 =	vadd.f32 v0, v2  }
.Ltmp4:
0xd2: {  	v61 =	vadd.f32 v55, v59;
	v1 =	vadd.f32 v1, v3;
	(pc) =	sbr.rel @p0 .LBB2_2-.Ltmp4, $4  }
0xd3: {  	v62 =	vadd.f32 v57, v60;
	[tilespmem:s16+$0x4C40] =	vst v0  }
0xd4: {  	v63 =	vadd.f32 v58, v61;
	[tilespmem:s16+$0x4C50] =	vst v1  }
0xd5: {  	[tilespmem:s16+$0x4C60] =	vst v62  }
0xd6: {  	[tilespmem:s16+$0x4C70] =	vst v63  }
0xd7: {  	s14 =	sadd.s32 $0x1, s14  }
0xd8: {  	p0 =	sne.s32 s14, s6  }
.Ltmp5:
0xd9: {  	_ = 	snop;
	(pc) =	sbr.rel @p0 .LBB2_1-.Ltmp5, $4  }
0xda: {  	[hbm4b:s5+s2] =	stream.linear.scatter [tilespmem:s13], [sflag:$0x3], $0x2000, $0x38;
	[tilespmem:$0x6C00] =	vst v63  }
0xdb: {  	_ =	swait.ge [sflag:s7], $0x2000  }
0xdc: {  	[sflag:s7] =	ssyncset.done $0x0  }
0xdd: {  	[sflag:s7] =	ssyncadd.s32 $0xFFFFE000  }
0xde: {  	_ =	sfence.sel $0x180000  }
0xdf: {  	[bflag:$0x0] =	sbarrier.arrive $0xFFFF  }
0xe0: {  	p0 =	sne.s32 s0, $0x0;
	_ =	strace $0x9000004A  }
0xe1: {  	s0 =	sadd.s32 @!p0 $0x100000, s1;
	[bflag:$0x2] =	sbarrier.arrive $0xFFFF  }
0xe2: {  	[sflag:s0] =	ssyncadd.tile.s32 @!p0 $0x1;
	_ =	shalt  }
.Lfunc_end2:
_tile_overlayer_lowered:
.L_overlay_start_2:
0xe3: {  	(tag) =	ssettag $0x2  }
0xe4: {  	s0 =	rddreg [dreg:$0x0];
	s2 =	stileid.u32  }
0xe5: {  	s1 =	rddreg [dreg:$0x1];
	p0 =	sne.s32 s2, $0x0  }
0xe6: {  	s3 =	rddreg [dreg:$0x2];
	[bflag:$0x3] =	sbarrier.arrive $0xFFFF;
	s2 =	simm.s32 @!p0 $0x1C03  }
0xe7: {  	[timem:s3], [sflag:s2] =	dma.local @!p0 [hbm:s0], s1  }
0xe8: {  	s0 =	simm.s32 @!p0 $0x3  }
0xe9: {  	_ =	swait.ge @!p0 [sflag:s0], s1  }
0xea: {  	s1 =	ssub.s32 @!p0 $0x0, s1;
	[sflag:s0] =	ssyncset.done @!p0 $0x0  }
0xeb: {  	[sflag:s0] =	ssyncadd.s32 @!p0 s1  }
0xec: {  	[bflag:$0x3] =	sbarrier.arrive $0xFFFF  }
0xed: {  	_ =	shalt  }

</sc_bundles>
